<compile_context>
chip_gen: v7x
topology: tpu7x:2x2x1
jax: 0.10.2.dev20260603
libtpu: 0.0.44.dev20260713+nightly
codegen_flags: <defaults>
</compile_context>

<pallas_src>
import jax
import jax.numpy as jnp
from jax import lax
from jax.experimental import pallas as pl
from jax.experimental.pallas import tpu as pltpu
from jax.experimental.pallas import tpu_sc as plsc

_NC = 2
_NS = 16
_NW = _NC * _NS
_B = 80
_DC = 64
_DDEG = 16


def _npad(n):
    return ((n + _NS * 128 - 1) // (_NS * 128)) * (_NS * 128)


def _zero_fill(ref, rows, cols):
    z = jnp.zeros((16,), jnp.float32)

    def row(r, carry):
        def col(k, c2):
            ref[r, pl.ds(k * 16, 16)] = z
            return c2
        return lax.fori_loop(0, cols // 16, col, carry)

    lax.fori_loop(0, rows, row, 0)


def _seg_sum_rows(tables, src3d, dst3d, n):
    nt = len(tables)
    nbw = src3d.shape[1]
    npad = _npad(n)
    rpt = npad // _NS
    rbr = 128
    assert rpt % rbr == 0

    mesh = plsc.VectorSubcoreMesh(core_axis_name="c", subcore_axis_name="s")

    def body(*refs):
        table_hbms = refs[:nt]
        src_hbm, dst_hbm = refs[nt], refs[nt + 1]
        out_hbms = refs[nt + 2:2 * nt + 2]
        sidx_v, didx_v, rows_v, rb_v, acc_sh = refs[2 * nt + 2:2 * nt + 7]
        gsems = refs[2 * nt + 7:]

        c = lax.axis_index("c")
        s = lax.axis_index("s")
        wid = s * _NC + c

        _zero_fill(rb_v, rbr, _DC)
        for i in range(rpt // rbr):
            pltpu.sync_copy(rb_v, acc_sh.at[pl.ds(s * rpt + i * rbr, rbr)])

        pltpu.sync_copy(src_hbm.at[wid], sidx_v)
        pltpu.sync_copy(dst_hbm.at[wid], didx_v)
        plsc.subcore_barrier()

        for t in range(nt):
            table_hbm = table_hbms[t]

            pltpu.async_copy(table_hbm.at[sidx_v.at[0]], rows_v.at[0],
                             gsems[0])
            pltpu.async_copy(table_hbm.at[sidx_v.at[1]], rows_v.at[1],
                             gsems[1])

            def step2(m, carry):
                for k in range(2):
                    j = 2 * m + k
                    b = lax.rem(j, 4)
                    pltpu.make_async_copy(
                        table_hbm.at[sidx_v.at[j]], rows_v.at[b],
                        gsems[k]).wait()

                    @pl.when(j + 2 < nbw)
                    def _():
                        pltpu.async_copy(
                            table_hbm.at[sidx_v.at[j + 2]],
                            rows_v.at[lax.rem(j + 2, 4)], gsems[k])

                    pltpu.sync_copy(rows_v.at[b], acc_sh.at[didx_v.at[j]],
                                    add=True)
                return carry

            lax.fori_loop(0, nbw // 2, step2, 0)
            plsc.subcore_barrier()

            for i in range(rpt // rbr):
                pltpu.sync_copy(acc_sh.at[pl.ds(s * rpt + i * rbr, rbr)],
                                rb_v)
                pltpu.sync_copy(
                    rb_v,
                    out_hbms[t].at[pl.ds(c * npad + s * rpt + i * rbr, rbr)])
                if t < nt - 1:
                    _zero_fill(rb_v, rbr, _DC)
                    pltpu.sync_copy(
                        rb_v, acc_sh.at[pl.ds(s * rpt + i * rbr, rbr)])
            if t < nt - 1:
                plsc.subcore_barrier()

    f = pl.kernel(
        body,
        out_type=[jax.ShapeDtypeStruct((2 * npad, _DC), jnp.float32)
                  for _ in range(nt)],
        mesh=mesh,
        compiler_params=pltpu.CompilerParams(use_tc_tiling_on_sc=False),
        scratch_types=[
            pltpu.VMEM((nbw, _B), jnp.int32),
            pltpu.VMEM((nbw, _B), jnp.int32),
            pltpu.VMEM((4, _B, _DC), jnp.float32),
            pltpu.VMEM((rbr, _DC), jnp.float32),
            pltpu.VMEM_SHARED((npad, _DC), jnp.float32),
            pltpu.SemaphoreType.DMA,
            pltpu.SemaphoreType.DMA,
        ],
    )
    outs = f(*tables, src3d, dst3d)
    return outs if isinstance(outs, (list, tuple)) else [outs]


def _deg_count(dst3d, n):
    nbw = dst3d.shape[1]
    npad = _npad(n)
    rpt = npad // _NS
    rbr = 128
    assert rpt % rbr == 0

    mesh = plsc.VectorSubcoreMesh(core_axis_name="c", subcore_axis_name="s")

    def body(dst_hbm, out_hbm, didx_v, ones_v, rb_v, acc_sh):
        c = lax.axis_index("c")
        s = lax.axis_index("s")
        wid = s * _NC + c

        one = jnp.ones((16,), jnp.float32)

        def orow(r, carry):
            ones_v[r, pl.ds(0, 16)] = one
            return carry
        lax.fori_loop(0, _B, orow, 0)

        _zero_fill(rb_v, rbr, _DDEG)
        for i in range(rpt // rbr):
            pltpu.sync_copy(rb_v, acc_sh.at[pl.ds(s * rpt + i * rbr, rbr)])

        pltpu.sync_copy(dst_hbm.at[wid], didx_v)
        plsc.subcore_barrier()

        def step(j, carry):
            pltpu.sync_copy(ones_v, acc_sh.at[didx_v.at[j]], add=True)
            return carry

        lax.fori_loop(0, nbw, step, 0)
        plsc.subcore_barrier()

        for i in range(rpt // rbr):
            pltpu.sync_copy(acc_sh.at[pl.ds(s * rpt + i * rbr, rbr)], rb_v)
            pltpu.sync_copy(
                rb_v, out_hbm.at[pl.ds(c * npad + s * rpt + i * rbr, rbr)])

    f = pl.kernel(
        body,
        out_type=jax.ShapeDtypeStruct((2 * npad, _DDEG), jnp.float32),
        mesh=mesh,
        compiler_params=pltpu.CompilerParams(use_tc_tiling_on_sc=False),
        scratch_types=[
            pltpu.VMEM((nbw, _B), jnp.int32),
            pltpu.VMEM((_B, _DDEG), jnp.float32),
            pltpu.VMEM((rbr, _DDEG), jnp.float32),
            pltpu.VMEM_SHARED((npad, _DDEG), jnp.float32),
        ],
    )
    return f(dst3d)


def _tc_scale_matmul(cnt0, cnt1, x, w1):
    n = x.shape[0]
    dh = w1.shape[1]

    def body(c0_ref, c1_ref, x_ref, w_ref, lo_ref, hi_ref, dinv_ref):
        cnt = c0_ref[:, 0:1] + c1_ref[:, 0:1]
        dinv = lax.rsqrt(cnt + 1.0)
        h = jnp.dot(x_ref[:, :], w_ref[:, :],
                    preferred_element_type=jnp.float32) * dinv
        lo_ref[:, :] = h[:, :_DC]
        hi_ref[:, :] = h[:, _DC:]
        dinv_ref[:, :] = dinv

    return pl.pallas_call(
        body,
        out_shape=[
            jax.ShapeDtypeStruct((n, _DC), jnp.float32),
            jax.ShapeDtypeStruct((n, dh - _DC), jnp.float32),
            jax.ShapeDtypeStruct((n, 1), jnp.float32),
        ],
    )(cnt0, cnt1, x, w1)


def _tc_bn_relu_matmul(acc_lo, acc_hi, hp_lo, hp_hi, dinv, b1, gamma1,
                       beta1, w2):
    n = hp_lo.shape[0]

    def body(al_ref, ah_ref, hl_ref, hh_ref, dinv_ref, b1_ref, g_ref,
             be_ref, w_ref, out_ref):
        dinv = dinv_ref[:, :]
        zl = dinv * (al_ref[0] + al_ref[1] + hl_ref[:, :])
        zh = dinv * (ah_ref[0] + ah_ref[1] + hh_ref[:, :])
        z = jnp.concatenate([zl, zh], axis=1) + b1_ref[:, :]
        mean = jnp.mean(z, axis=0, keepdims=True)
        zc = z - mean
        var = jnp.mean(zc * zc, axis=0, keepdims=True)
        zn = zc * lax.rsqrt(var + 1e-5) * g_ref[:, :] + be_ref[:, :]
        r = jnp.maximum(zn, 0.0)
        out_ref[:, :] = jnp.dot(
            r, w_ref[:, :], preferred_element_type=jnp.float32) * dinv

    return pl.pallas_call(
        body,
        out_shape=jax.ShapeDtypeStruct((n, w2.shape[1]), jnp.float32),
    )(acc_lo, acc_hi, hp_lo, hp_hi, dinv, b1, gamma1, beta1, w2)


def _tc_finish(acc, h2p, dinv, b2):
    n = h2p.shape[0]

    def body(acc_ref, h2_ref, dinv_ref, b2_ref, out_ref):
        out_ref[:, :] = (dinv_ref[:, :]
                         * (acc_ref[0] + acc_ref[1] + h2_ref[:, :])
                         + b2_ref[:, :])

    return pl.pallas_call(
        body,
        out_shape=jax.ShapeDtypeStruct((n, h2p.shape[1]), jnp.float32),
    )(acc, h2p, dinv, b2)


def kernel(x, edge_index, W1, b1, gamma1, beta1, W2, b2):
    n = x.shape[0]
    e = edge_index.shape[1]
    npad = _npad(n)
    assert npad > n and e % _NW == 0

    rpw = e // _NW
    epw = ((rpw + 2 * _B - 1) // (2 * _B)) * (2 * _B)
    ppw = epw - rpw
    nbw = epw // _B
    idt = edge_index.dtype
    src_w = edge_index[0].reshape(_NW, rpw)
    dst_w = edge_index[1].reshape(_NW, rpw)
    if ppw:
        pad_src = jnp.zeros((_NW, ppw), idt)
        rot = 8 * jnp.arange(_NW, dtype=idt)[:, None]
        pad_dst = n + (jnp.arange(ppw, dtype=idt)[None, :] + rot) % (npad - n)
        src_w = jnp.concatenate([src_w, pad_src], axis=1)
        dst_w = jnp.concatenate([dst_w, pad_dst], axis=1)
    src3d = src_w.reshape(_NW, nbw, _B)
    dst3d = dst_w.reshape(_NW, nbw, _B)

    deg = _deg_count(dst3d, n).reshape(2, npad, _DDEG)
    hp_lo, hp_hi, dinv = _tc_scale_matmul(deg[0, :n], deg[1, :n], x, W1)

    acc_lo, acc_hi = _seg_sum_rows([hp_lo, hp_hi], src3d, dst3d, n)
    h2p = _tc_bn_relu_matmul(
        acc_lo.reshape(2, npad, _DC)[:, :n], acc_hi.reshape(2, npad, _DC)[:, :n],
        hp_lo, hp_hi, dinv,
        b1.reshape(1, -1), gamma1.reshape(1, -1), beta1.reshape(1, -1), W2)

    (acc2,) = _seg_sum_rows([h2p], src3d, dst3d, n)
    out = _tc_finish(acc2.reshape(2, npad, _DC)[:, :n], h2p, dinv,
                     b2.reshape(1, -1))
    return out

# --- scband reference (transcript-rebuilt; emitter-appended) ---
"""Pipeline reference for scband-gcn-41781441855678 (READ-ONLY COPY).

The authoritative reference and input builder live on the scoring server;
editing this copy changes nothing except your own understanding.
"""

import jax, jax.numpy as jnp
import numpy as np

N = 10000
E = 320000
D_IN = 128
D_HID = 128
D_OUT = 64


def setup_inputs(seed: int = 0) -> dict:
    key = jax.random.key(seed)
    ks = jax.random.split(key, 8)
    x = jax.random.normal(ks[0], (N, D_IN), dtype=jnp.float32)
    edge_index = jax.random.randint(ks[1], (2, E), 0, N, dtype=jnp.int32)
    W1 = jax.random.normal(ks[2], (D_IN, D_HID), dtype=jnp.float32) * (1.0 / np.sqrt(D_IN))
    b1 = jnp.zeros((D_HID,), dtype=jnp.float32)
    gamma1 = jnp.ones((D_HID,), dtype=jnp.float32)
    beta1 = jnp.zeros((D_HID,), dtype=jnp.float32)
    W2 = jax.random.normal(ks[3], (D_HID, D_OUT), dtype=jnp.float32) * (1.0 / np.sqrt(D_HID))
    b2 = jnp.zeros((D_OUT,), dtype=jnp.float32)
    return {"x": x, "edge_index": edge_index, "W1": W1, "b1": b1,
            "gamma1": gamma1, "beta1": beta1, "W2": W2, "b2": b2}


def _gcn_conv(x, W, b, src, dst, n):
    # PyG-style GCNConv: symmetric normalization with self-loops already appended.
    deg = jnp.zeros((n,), dtype=jnp.float32).at[dst].add(1.0)
    dinv = jax.lax.rsqrt(jnp.maximum(deg, 1.0))
    norm = dinv[src] * dinv[dst]
    h = x @ W
    msg = h[src] * norm[:, None]
    out = jax.ops.segment_sum(msg, dst, num_segments=n)
    return out + b


def _batch_norm(h, gamma, beta, eps=1e-5):
    mean = jnp.mean(h, axis=0)
    var = jnp.var(h, axis=0)
    return (h - mean) * jax.lax.rsqrt(var + eps) * gamma + beta


def reference(x, edge_index, W1, b1, gamma1, beta1, W2, b2):
    n = x.shape[0]
    loop = jnp.arange(n, dtype=edge_index.dtype)
    src = jnp.concatenate([edge_index[0], loop])
    dst = jnp.concatenate([edge_index[1], loop])
    h = _gcn_conv(x, W1, b1, src, dst, n)
    h = _batch_norm(h, gamma1, beta1)
    h = jax.nn.relu(h)
    # dropout is identity in eval / deterministic reference
    out = _gcn_conv(h, W2, b2, src, dst, n)
    return out

if __name__ == "__main__":
    import jax
    _d = setup_inputs()
    print(jax.jit(kernel)(*tuple(_d.values())))

</pallas_src>

<mosaic_0001>
#map = affine_map<(d0, d1) -> (0, 0)>
#map1 = affine_map<(d0, d1) -> (0, 0, 0)>
module attributes {stable_mosaic.version = 14 : i64} {
  func.func @body(%arg0: i32, %arg1: i32, %arg2: memref<10000x64xf32, #tpu.memory_space<hbm>>, %arg3: memref<32x126x80xi32, #tpu.memory_space<hbm>>, %arg4: memref<32x126x80xi32, #tpu.memory_space<hbm>>, %arg5: memref<20480x64xf32, #tpu.memory_space<hbm>>, %arg6: memref<126x80xi32, #tpu.memory_space<vmem>>, %arg7: memref<126x80xi32, #tpu.memory_space<vmem>>, %arg8: memref<4x80x64xf32, #tpu.memory_space<vmem>>, %arg9: memref<128x64xf32, #tpu.memory_space<vmem>>, %arg10: memref<10240x64xf32, #tpu.memory_space<vmem_shared>>, %arg11: memref<!tpu.dma_semaphore, #tpu.memory_space<semaphore_mem>>, %arg12: memref<!tpu.dma_semaphore, #tpu.memory_space<semaphore_mem>>) attributes {dimension_semantics = [#tpu.dimension_semantics<core_parallel>, #tpu.dimension_semantics<subcore_parallel>], iteration_bounds = array<i64: 2, 16>, scalar_prefetch = 0 : i64, scratch_operands = 7 : i64, tpu.core_type = #tpu.core_type<sc_vector_subcore>, window_params = [{transform_indices = #map}, {transform_indices = #map1}, {transform_indices = #map1}, {transform_indices = #map}]} {
    %mul3A = arith.constant 2 : i32
    %mul3A_0 = arith.muli %arg1, %mul3A : i32
    %add3A = arith.addi %mul3A_0, %arg0 : i32
    %broadcast_in_dim3A = arith.constant 0.000000e+00 : f32
    %broadcast_in_dim3A_1 = vector.broadcast %broadcast_in_dim3A : f32 to vector<16xf32>
    %scan3A = arith.constant 0 : i32
    %scan3A_2 = arith.constant 0 : i32
    %scan3A_3 = arith.constant 128 : i32
    %scan3A_4 = arith.addi %scan3A_2, %scan3A_3 : i32
    %scan3A_5 = arith.constant 1 : i32
    scf.for %scan3A_112 = %scan3A_2 to %scan3A_4 step %scan3A_5  : i32 {
      %scan3A_113 = arith.constant 0 : i32
      %scan3A_114 = arith.constant 4 : i32
      %scan3A_115 = arith.addi %scan3A_113, %scan3A_114 : i32
      %scan3A_116 = arith.constant 1 : i32
      scf.for %scan3A_118 = %scan3A_113 to %scan3A_115 step %scan3A_116  : i32 {
        %mul3A_119 = arith.constant 16 : i32
        %mul3A_120 = arith.muli %scan3A_118, %mul3A_119 : i32
        %swap3A = arith.index_cast %scan3A_112 : i32 to index
        %swap3A_121 = arith.index_cast %mul3A_120 : i32 to index
        %swap3A_122 = tpu.vector_load %arg9[%swap3A, %swap3A_121] {strides = array<i32>} : memref<128x64xf32, #tpu.memory_space<vmem>>, vector<1x16xf32>,
        %swap3A_123 = vector.shape_cast %swap3A_122 : vector<1x16xf32> to vector<16xf32>
        %swap3A_124 = vector.shape_cast %broadcast_in_dim3A_1 : vector<16xf32> to vector<1x16xf32>
        tpu.vector_store %arg9[%swap3A, %swap3A_121], %swap3A_124 {strides = array<i32>} : memref<128x64xf32, #tpu.memory_space<vmem>>, vector<1x16xf32>,
      }
      %scan3A_117 = arith.constant 4 : i32
    }
    %scan3A_6 = arith.constant 128 : i32
    %mul3A_7 = arith.constant 640 : i32
    %mul3A_8 = arith.muli %arg1, %mul3A_7 : i32
    %add3A_9 = arith.constant 0 : i32
    %add3A_10 = arith.addi %mul3A_8, %add3A_9 : i32
    "tpu.region"() ({
      %run_scoped3A = tpu.sem_alloc : memref<!tpu.dma_semaphore, #tpu.memory_space<semaphore_mem>>
      %dma_start3A_112 = arith.constant 0 : i32
      %dma_start3A_113 = tpu.memref_slice %arg10[%add3A_10, %dma_start3A_112] : memref<10240x64xf32, #tpu.memory_space<vmem_shared>> -> memref<128x64xf32, #tpu.memory_space<vmem_shared>>
      %dma_start3A_114 = arith.constant 0 : i32
      %dma_start3A_115 = tpu.memref_slice %arg10[%add3A_10, %dma_start3A_114] : memref<10240x64xf32, #tpu.memory_space<vmem_shared>> -> memref<128x64xf32, #tpu.memory_space<vmem_shared>>
      tpu.enqueue_dma source(%arg9 : memref<128x64xf32, #tpu.memory_space<vmem>>) target(%dma_start3A_115 : memref<128x64xf32, #tpu.memory_space<vmem_shared>>) target_semaphore(%run_scoped3A : memref<!tpu.dma_semaphore, #tpu.memory_space<semaphore_mem>>)
      %dma_wait3A = arith.constant 0 : i32
      %dma_wait3A_116 = tpu.memref_slice %arg10[%add3A_10, %dma_wait3A] : memref<10240x64xf32, #tpu.memory_space<vmem_shared>> -> memref<128x64xf32, #tpu.memory_space<vmem_shared>>
      %dma_wait3A_117 = arith.constant 0 : i32
      %dma_wait3A_118 = tpu.memref_slice %arg10[%add3A_10, %dma_wait3A_117] : memref<10240x64xf32, #tpu.memory_space<vmem_shared>> -> memref<128x64xf32, #tpu.memory_space<vmem_shared>>
      tpu.wait_dma2 semaphore(%run_scoped3A : memref<!tpu.dma_semaphore, #tpu.memory_space<semaphore_mem>>) src(%arg9 : memref<128x64xf32, #tpu.memory_space<vmem>>) dst(%dma_wait3A_118 : memref<128x64xf32, #tpu.memory_space<vmem_shared>>)
      tpu.yield
    }) : () -> ()
    %mul3A_11 = arith.constant 640 : i32
    %mul3A_12 = arith.muli %arg1, %mul3A_11 : i32
    %add3A_13 = arith.constant 128 : i32
    %add3A_14 = arith.addi %mul3A_12, %add3A_13 : i32
    "tpu.region"() ({
      %run_scoped3A = tpu.sem_alloc : memref<!tpu.dma_semaphore, #tpu.memory_space<semaphore_mem>>
      %dma_start3A_112 = arith.constant 0 : i32
      %dma_start3A_113 = tpu.memref_slice %arg10[%add3A_14, %dma_start3A_112] : memref<10240x64xf32, #tpu.memory_space<vmem_shared>> -> memref<128x64xf32, #tpu.memory_space<vmem_shared>>
      %dma_start3A_114 = arith.constant 0 : i32
      %dma_start3A_115 = tpu.memref_slice %arg10[%add3A_14, %dma_start3A_114] : memref<10240x64xf32, #tpu.memory_space<vmem_shared>> -> memref<128x64xf32, #tpu.memory_space<vmem_shared>>
      tpu.enqueue_dma source(%arg9 : memref<128x64xf32, #tpu.memory_space<vmem>>) target(%dma_start3A_115 : memref<128x64xf32, #tpu.memory_space<vmem_shared>>) target_semaphore(%run_scoped3A : memref<!tpu.dma_semaphore, #tpu.memory_space<semaphore_mem>>)
      %dma_wait3A = arith.constant 0 : i32
      %dma_wait3A_116 = tpu.memref_slice %arg10[%add3A_14, %dma_wait3A] : memref<10240x64xf32, #tpu.memory_space<vmem_shared>> -> memref<128x64xf32, #tpu.memory_space<vmem_shared>>
      %dma_wait3A_117 = arith.constant 0 : i32
      %dma_wait3A_118 = tpu.memref_slice %arg10[%add3A_14, %dma_wait3A_117] : memref<10240x64xf32, #tpu.memory_space<vmem_shared>> -> memref<128x64xf32, #tpu.memory_space<vmem_shared>>
      tpu.wait_dma2 semaphore(%run_scoped3A : memref<!tpu.dma_semaphore, #tpu.memory_space<semaphore_mem>>) src(%arg9 : memref<128x64xf32, #tpu.memory_space<vmem>>) dst(%dma_wait3A_118 : memref<128x64xf32, #tpu.memory_space<vmem_shared>>)
      tpu.yield
    }) : () -> ()
    %mul3A_15 = arith.constant 640 : i32
    %mul3A_16 = arith.muli %arg1, %mul3A_15 : i32
    %add3A_17 = arith.constant 256 : i32
    %add3A_18 = arith.addi %mul3A_16, %add3A_17 : i32
    "tpu.region"() ({
      %run_scoped3A = tpu.sem_alloc : memref<!tpu.dma_semaphore, #tpu.memory_space<semaphore_mem>>
      %dma_start3A_112 = arith.constant 0 : i32
      %dma_start3A_113 = tpu.memref_slice %arg10[%add3A_18, %dma_start3A_112] : memref<10240x64xf32, #tpu.memory_space<vmem_shared>> -> memref<128x64xf32, #tpu.memory_space<vmem_shared>>
      %dma_start3A_114 = arith.constant 0 : i32
      %dma_start3A_115 = tpu.memref_slice %arg10[%add3A_18, %dma_start3A_114] : memref<10240x64xf32, #tpu.memory_space<vmem_shared>> -> memref<128x64xf32, #tpu.memory_space<vmem_shared>>
      tpu.enqueue_dma source(%arg9 : memref<128x64xf32, #tpu.memory_space<vmem>>) target(%dma_start3A_115 : memref<128x64xf32, #tpu.memory_space<vmem_shared>>) target_semaphore(%run_scoped3A : memref<!tpu.dma_semaphore, #tpu.memory_space<semaphore_mem>>)
      %dma_wait3A = arith.constant 0 : i32
      %dma_wait3A_116 = tpu.memref_slice %arg10[%add3A_18, %dma_wait3A] : memref<10240x64xf32, #tpu.memory_space<vmem_shared>> -> memref<128x64xf32, #tpu.memory_space<vmem_shared>>
      %dma_wait3A_117 = arith.constant 0 : i32
      %dma_wait3A_118 = tpu.memref_slice %arg10[%add3A_18, %dma_wait3A_117] : memref<10240x64xf32, #tpu.memory_space<vmem_shared>> -> memref<128x64xf32, #tpu.memory_space<vmem_shared>>
      tpu.wait_dma2 semaphore(%run_scoped3A : memref<!tpu.dma_semaphore, #tpu.memory_space<semaphore_mem>>) src(%arg9 : memref<128x64xf32, #tpu.memory_space<vmem>>) dst(%dma_wait3A_118 : memref<128x64xf32, #tpu.memory_space<vmem_shared>>)
      tpu.yield
    }) : () -> ()
    %mul3A_19 = arith.constant 640 : i32
    %mul3A_20 = arith.muli %arg1, %mul3A_19 : i32
    %add3A_21 = arith.constant 384 : i32
    %add3A_22 = arith.addi %mul3A_20, %add3A_21 : i32
    "tpu.region"() ({
      %run_scoped3A = tpu.sem_alloc : memref<!tpu.dma_semaphore, #tpu.memory_space<semaphore_mem>>
      %dma_start3A_112 = arith.constant 0 : i32
      %dma_start3A_113 = tpu.memref_slice %arg10[%add3A_22, %dma_start3A_112] : memref<10240x64xf32, #tpu.memory_space<vmem_shared>> -> memref<128x64xf32, #tpu.memory_space<vmem_shared>>
      %dma_start3A_114 = arith.constant 0 : i32
      %dma_start3A_115 = tpu.memref_slice %arg10[%add3A_22, %dma_start3A_114] : memref<10240x64xf32, #tpu.memory_space<vmem_shared>> -> memref<128x64xf32, #tpu.memory_space<vmem_shared>>
      tpu.enqueue_dma source(%arg9 : memref<128x64xf32, #tpu.memory_space<vmem>>) target(%dma_start3A_115 : memref<128x64xf32, #tpu.memory_space<vmem_shared>>) target_semaphore(%run_scoped3A : memref<!tpu.dma_semaphore, #tpu.memory_space<semaphore_mem>>)
      %dma_wait3A = arith.constant 0 : i32
      %dma_wait3A_116 = tpu.memref_slice %arg10[%add3A_22, %dma_wait3A] : memref<10240x64xf32, #tpu.memory_space<vmem_shared>> -> memref<128x64xf32, #tpu.memory_space<vmem_shared>>
      %dma_wait3A_117 = arith.constant 0 : i32
      %dma_wait3A_118 = tpu.memref_slice %arg10[%add3A_22, %dma_wait3A_117] : memref<10240x64xf32, #tpu.memory_space<vmem_shared>> -> memref<128x64xf32, #tpu.memory_space<vmem_shared>>
      tpu.wait_dma2 semaphore(%run_scoped3A : memref<!tpu.dma_semaphore, #tpu.memory_space<semaphore_mem>>) src(%arg9 : memref<128x64xf32, #tpu.memory_space<vmem>>) dst(%dma_wait3A_118 : memref<128x64xf32, #tpu.memory_space<vmem_shared>>)
      tpu.yield
    }) : () -> ()
    %mul3A_23 = arith.constant 640 : i32
    %mul3A_24 = arith.muli %arg1, %mul3A_23 : i32
    %add3A_25 = arith.constant 512 : i32
    %add3A_26 = arith.addi %mul3A_24, %add3A_25 : i32
    "tpu.region"() ({
      %run_scoped3A = tpu.sem_alloc : memref<!tpu.dma_semaphore, #tpu.memory_space<semaphore_mem>>
      %dma_start3A_112 = arith.constant 0 : i32
      %dma_start3A_113 = tpu.memref_slice %arg10[%add3A_26, %dma_start3A_112] : memref<10240x64xf32, #tpu.memory_space<vmem_shared>> -> memref<128x64xf32, #tpu.memory_space<vmem_shared>>
      %dma_start3A_114 = arith.constant 0 : i32
      %dma_start3A_115 = tpu.memref_slice %arg10[%add3A_26, %dma_start3A_114] : memref<10240x64xf32, #tpu.memory_space<vmem_shared>> -> memref<128x64xf32, #tpu.memory_space<vmem_shared>>
      tpu.enqueue_dma source(%arg9 : memref<128x64xf32, #tpu.memory_space<vmem>>) target(%dma_start3A_115 : memref<128x64xf32, #tpu.memory_space<vmem_shared>>) target_semaphore(%run_scoped3A : memref<!tpu.dma_semaphore, #tpu.memory_space<semaphore_mem>>)
      %dma_wait3A = arith.constant 0 : i32
      %dma_wait3A_116 = tpu.memref_slice %arg10[%add3A_26, %dma_wait3A] : memref<10240x64xf32, #tpu.memory_space<vmem_shared>> -> memref<128x64xf32, #tpu.memory_space<vmem_shared>>
      %dma_wait3A_117 = arith.constant 0 : i32
      %dma_wait3A_118 = tpu.memref_slice %arg10[%add3A_26, %dma_wait3A_117] : memref<10240x64xf32, #tpu.memory_space<vmem_shared>> -> memref<128x64xf32, #tpu.memory_space<vmem_shared>>
      tpu.wait_dma2 semaphore(%run_scoped3A : memref<!tpu.dma_semaphore, #tpu.memory_space<semaphore_mem>>) src(%arg9 : memref<128x64xf32, #tpu.memory_space<vmem>>) dst(%dma_wait3A_118 : memref<128x64xf32, #tpu.memory_space<vmem_shared>>)
      tpu.yield
    }) : () -> ()
    "tpu.region"() ({
      %run_scoped3A = tpu.sem_alloc : memref<!tpu.dma_semaphore, #tpu.memory_space<semaphore_mem>>
      %dma_start3A_112 = arith.constant 0 : i32
      %dma_start3A_113 = arith.constant 0 : i32
      %dma_start3A_114 = tpu.memref_slice %arg3[%add3A, %dma_start3A_112, %dma_start3A_113] : memref<32x126x80xi32, #tpu.memory_space<hbm>> -> memref<1x126x80xi32, #tpu.memory_space<hbm>>
      %dma_start3A_115 = tpu.memref_squeeze %dma_start3A_114 : memref<1x126x80xi32, #tpu.memory_space<hbm>> -> memref<126x80xi32, #tpu.memory_space<hbm>>
      %dma_start3A_116 = arith.constant 0 : i32
      %dma_start3A_117 = arith.constant 0 : i32
      %dma_start3A_118 = tpu.memref_slice %arg3[%add3A, %dma_start3A_116, %dma_start3A_117] : memref<32x126x80xi32, #tpu.memory_space<hbm>> -> memref<1x126x80xi32, #tpu.memory_space<hbm>>
      %dma_start3A_119 = tpu.memref_squeeze %dma_start3A_118 : memref<1x126x80xi32, #tpu.memory_space<hbm>> -> memref<126x80xi32, #tpu.memory_space<hbm>>
      tpu.enqueue_dma source(%dma_start3A_119 : memref<126x80xi32, #tpu.memory_space<hbm>>) target(%arg6 : memref<126x80xi32, #tpu.memory_space<vmem>>) target_semaphore(%run_scoped3A : memref<!tpu.dma_semaphore, #tpu.memory_space<semaphore_mem>>)
      %dma_wait3A = arith.constant 0 : i32
      %dma_wait3A_120 = arith.constant 0 : i32
      %dma_wait3A_121 = tpu.memref_slice %arg3[%add3A, %dma_wait3A, %dma_wait3A_120] : memref<32x126x80xi32, #tpu.memory_space<hbm>> -> memref<1x126x80xi32, #tpu.memory_space<hbm>>
      %dma_wait3A_122 = tpu.memref_squeeze %dma_wait3A_121 : memref<1x126x80xi32, #tpu.memory_space<hbm>> -> memref<126x80xi32, #tpu.memory_space<hbm>>
      %dma_wait3A_123 = arith.constant 0 : i32
      %dma_wait3A_124 = arith.constant 0 : i32
      %dma_wait3A_125 = tpu.memref_slice %arg3[%add3A, %dma_wait3A_123, %dma_wait3A_124] : memref<32x126x80xi32, #tpu.memory_space<hbm>> -> memref<1x126x80xi32, #tpu.memory_space<hbm>>
      %dma_wait3A_126 = tpu.memref_squeeze %dma_wait3A_125 : memref<1x126x80xi32, #tpu.memory_space<hbm>> -> memref<126x80xi32, #tpu.memory_space<hbm>>
      tpu.wait_dma2 semaphore(%run_scoped3A : memref<!tpu.dma_semaphore, #tpu.memory_space<semaphore_mem>>) src(%dma_wait3A_126 : memref<126x80xi32, #tpu.memory_space<hbm>>) dst(%arg6 : memref<126x80xi32, #tpu.memory_space<vmem>>)
      tpu.yield
    }) : () -> ()
    "tpu.region"() ({
      %run_scoped3A = tpu.sem_alloc : memref<!tpu.dma_semaphore, #tpu.memory_space<semaphore_mem>>
      %dma_start3A_112 = arith.constant 0 : i32
      %dma_start3A_113 = arith.constant 0 : i32
      %dma_start3A_114 = tpu.memref_slice %arg4[%add3A, %dma_start3A_112, %dma_start3A_113] : memref<32x126x80xi32, #tpu.memory_space<hbm>> -> memref<1x126x80xi32, #tpu.memory_space<hbm>>
      %dma_start3A_115 = tpu.memref_squeeze %dma_start3A_114 : memref<1x126x80xi32, #tpu.memory_space<hbm>> -> memref<126x80xi32, #tpu.memory_space<hbm>>
      %dma_start3A_116 = arith.constant 0 : i32
      %dma_start3A_117 = arith.constant 0 : i32
      %dma_start3A_118 = tpu.memref_slice %arg4[%add3A, %dma_start3A_116, %dma_start3A_117] : memref<32x126x80xi32, #tpu.memory_space<hbm>> -> memref<1x126x80xi32, #tpu.memory_space<hbm>>
      %dma_start3A_119 = tpu.memref_squeeze %dma_start3A_118 : memref<1x126x80xi32, #tpu.memory_space<hbm>> -> memref<126x80xi32, #tpu.memory_space<hbm>>
      tpu.enqueue_dma source(%dma_start3A_119 : memref<126x80xi32, #tpu.memory_space<hbm>>) target(%arg7 : memref<126x80xi32, #tpu.memory_space<vmem>>) target_semaphore(%run_scoped3A : memref<!tpu.dma_semaphore, #tpu.memory_space<semaphore_mem>>)
      %dma_wait3A = arith.constant 0 : i32
      %dma_wait3A_120 = arith.constant 0 : i32
      %dma_wait3A_121 = tpu.memref_slice %arg4[%add3A, %dma_wait3A, %dma_wait3A_120] : memref<32x126x80xi32, #tpu.memory_space<hbm>> -> memref<1x126x80xi32, #tpu.memory_space<hbm>>
      %dma_wait3A_122 = tpu.memref_squeeze %dma_wait3A_121 : memref<1x126x80xi32, #tpu.memory_space<hbm>> -> memref<126x80xi32, #tpu.memory_space<hbm>>
      %dma_wait3A_123 = arith.constant 0 : i32
      %dma_wait3A_124 = arith.constant 0 : i32
      %dma_wait3A_125 = tpu.memref_slice %arg4[%add3A, %dma_wait3A_123, %dma_wait3A_124] : memref<32x126x80xi32, #tpu.memory_space<hbm>> -> memref<1x126x80xi32, #tpu.memory_space<hbm>>
      %dma_wait3A_126 = tpu.memref_squeeze %dma_wait3A_125 : memref<1x126x80xi32, #tpu.memory_space<hbm>> -> memref<126x80xi32, #tpu.memory_space<hbm>>
      tpu.wait_dma2 semaphore(%run_scoped3A : memref<!tpu.dma_semaphore, #tpu.memory_space<semaphore_mem>>) src(%dma_wait3A_126 : memref<126x80xi32, #tpu.memory_space<hbm>>) dst(%arg7 : memref<126x80xi32, #tpu.memory_space<vmem>>)
      tpu.yield
    }) : () -> ()
    %barrier3A = arith.constant 0 : index
    tpu.barrier barrier_id(%barrier3A)
    %dma_start3A = arith.constant 0 : i32
    %dma_start3A_27 = arith.constant 0 : i32
    %dma_start3A_28 = arith.constant 0 : i32
    %dma_start3A_29 = arith.constant 0 : i32
    %dma_start3A_30 = tpu.memref_slice %arg8[%dma_start3A_27, %dma_start3A_28, %dma_start3A_29] : memref<4x80x64xf32, #tpu.memory_space<vmem>> -> memref<1x80x64xf32, #tpu.memory_space<vmem>>
    %dma_start3A_31 = tpu.memref_squeeze %dma_start3A_30 : memref<1x80x64xf32, #tpu.memory_space<vmem>> -> memref<80x64xf32, #tpu.memory_space<vmem>>
    %dma_start3A_32 = arith.constant 0 : i32
    %dma_start3A_33 = tpu.memref_slice %arg6[%dma_start3A, %dma_start3A_32] : memref<126x80xi32, #tpu.memory_space<vmem>> -> memref<1x80xi32, #tpu.memory_space<vmem>>
    %dma_start3A_34 = tpu.memref_squeeze %dma_start3A_33 : memref<1x80xi32, #tpu.memory_space<vmem>> -> memref<80xi32, #tpu.memory_space<vmem>>
    %dma_start3A_35 = arith.constant 0 : i32
    %dma_start3A_36 = arith.constant 0 : i32
    %dma_start3A_37 = tpu.memref_slice %arg2[%dma_start3A_35, %dma_start3A_36] : memref<10000x64xf32, #tpu.memory_space<hbm>> -> memref<10000x64xf32, #tpu.memory_space<hbm>>
    tpu.enqueue_indirect_dma source(%dma_start3A_37 : memref<10000x64xf32, #tpu.memory_space<hbm>>) target(%dma_start3A_31 : memref<80x64xf32, #tpu.memory_space<vmem>>) offsets(%dma_start3A_34 : memref<80xi32, #tpu.memory_space<vmem>>) semaphore(%arg11 : memref<!tpu.dma_semaphore, #tpu.memory_space<semaphore_mem>>)
    %dma_start3A_38 = arith.constant 1 : i32
    %dma_start3A_39 = arith.constant 1 : i32
    %dma_start3A_40 = arith.constant 0 : i32
    %dma_start3A_41 = arith.constant 0 : i32
    %dma_start3A_42 = tpu.memref_slice %arg8[%dma_start3A_39, %dma_start3A_40, %dma_start3A_41] : memref<4x80x64xf32, #tpu.memory_space<vmem>> -> memref<1x80x64xf32, #tpu.memory_space<vmem>>
    %dma_start3A_43 = tpu.memref_squeeze %dma_start3A_42 : memref<1x80x64xf32, #tpu.memory_space<vmem>> -> memref<80x64xf32, #tpu.memory_space<vmem>>
    %dma_start3A_44 = arith.constant 0 : i32
    %dma_start3A_45 = tpu.memref_slice %arg6[%dma_start3A_38, %dma_start3A_44] : memref<126x80xi32, #tpu.memory_space<vmem>> -> memref<1x80xi32, #tpu.memory_space<vmem>>
    %dma_start3A_46 = tpu.memref_squeeze %dma_start3A_45 : memref<1x80xi32, #tpu.memory_space<vmem>> -> memref<80xi32, #tpu.memory_space<vmem>>
    %dma_start3A_47 = arith.constant 0 : i32
    %dma_start3A_48 = arith.constant 0 : i32
    %dma_start3A_49 = tpu.memref_slice %arg2[%dma_start3A_47, %dma_start3A_48] : memref<10000x64xf32, #tpu.memory_space<hbm>> -> memref<10000x64xf32, #tpu.memory_space<hbm>>
    tpu.enqueue_indirect_dma source(%dma_start3A_49 : memref<10000x64xf32, #tpu.memory_space<hbm>>) target(%dma_start3A_43 : memref<80x64xf32, #tpu.memory_space<vmem>>) offsets(%dma_start3A_46 : memref<80xi32, #tpu.memory_space<vmem>>) semaphore(%arg12 : memref<!tpu.dma_semaphore, #tpu.memory_space<semaphore_mem>>)
    %scan3A_50 = arith.constant 0 : i32
    %scan3A_51 = arith.constant 0 : i32
    %scan3A_52 = arith.constant 63 : i32
    %scan3A_53 = arith.addi %scan3A_51, %scan3A_52 : i32
    %scan3A_54 = arith.constant 1 : i32
    scf.for %scan3A_112 = %scan3A_51 to %scan3A_53 step %scan3A_54  : i32 {
      %mul3A_113 = arith.constant 2 : i32
      %mul3A_114 = arith.muli %mul3A_113, %scan3A_112 : i32
      %add3A_115 = arith.constant 0 : i32
      %add3A_116 = arith.addi %mul3A_114, %add3A_115 : i32
      %rem3A = arith.constant 4 : i32
      %rem3A_117 = arith.remsi %add3A_116, %rem3A : i32
      %dma_wait3A = arith.constant 0 : i32
      %dma_wait3A_118 = arith.constant 0 : i32
      %dma_wait3A_119 = tpu.memref_slice %arg8[%rem3A_117, %dma_wait3A, %dma_wait3A_118] : memref<4x80x64xf32, #tpu.memory_space<vmem>> -> memref<1x80x64xf32, #tpu.memory_space<vmem>>
      %dma_wait3A_120 = tpu.memref_squeeze %dma_wait3A_119 : memref<1x80x64xf32, #tpu.memory_space<vmem>> -> memref<80x64xf32, #tpu.memory_space<vmem>>
      %dma_wait3A_121 = arith.constant 0 : i32
      %dma_wait3A_122 = tpu.memref_slice %arg6[%add3A_116, %dma_wait3A_121] : memref<126x80xi32, #tpu.memory_space<vmem>> -> memref<1x80xi32, #tpu.memory_space<vmem>>
      %dma_wait3A_123 = tpu.memref_squeeze %dma_wait3A_122 : memref<1x80xi32, #tpu.memory_space<vmem>> -> memref<80xi32, #tpu.memory_space<vmem>>
      %dma_wait3A_124 = arith.constant 0 : i32
      %dma_wait3A_125 = arith.constant 0 : i32
      %dma_wait3A_126 = tpu.memref_slice %arg2[%dma_wait3A_124, %dma_wait3A_125] : memref<10000x64xf32, #tpu.memory_space<hbm>> -> memref<10000x64xf32, #tpu.memory_space<hbm>>
      tpu.wait_indirect_dma semaphore(%arg11 : memref<!tpu.dma_semaphore, #tpu.memory_space<semaphore_mem>>) src(%dma_wait3A_126 : memref<10000x64xf32, #tpu.memory_space<hbm>>) dst(%dma_wait3A_120 : memref<80x64xf32, #tpu.memory_space<vmem>>)
      %add3A_127 = arith.constant 2 : i32
      %add3A_128 = arith.addi %add3A_116, %add3A_127 : i32
      %lt3A = arith.constant 126 : i32
      %lt3A_129 = arith.cmpi slt, %add3A_128, %lt3A : i32
      %convert_element_type3A = arith.extui %lt3A_129 : i1 to i32
      %cond3A = arith.constant 0 : i32
      %cond3A_130 = arith.cmpi ne, %convert_element_type3A, %cond3A : i32
      scf.if %cond3A_130 {
        %add3A_154 = arith.constant 2 : i32
        %add3A_155 = arith.addi %add3A_116, %add3A_154 : i32
        %add3A_156 = arith.constant 2 : i32
        %add3A_157 = arith.addi %add3A_116, %add3A_156 : i32
        %rem3A_158 = arith.constant 4 : i32
        %rem3A_159 = arith.remsi %add3A_157, %rem3A_158 : i32
        %dma_start3A_160 = arith.constant 0 : i32
        %dma_start3A_161 = arith.constant 0 : i32
        %dma_start3A_162 = tpu.memref_slice %arg8[%rem3A_159, %dma_start3A_160, %dma_start3A_161] : memref<4x80x64xf32, #tpu.memory_space<vmem>> -> memref<1x80x64xf32, #tpu.memory_space<vmem>>
        %dma_start3A_163 = tpu.memref_squeeze %dma_start3A_162 : memref<1x80x64xf32, #tpu.memory_space<vmem>> -> memref<80x64xf32, #tpu.memory_space<vmem>>
        %dma_start3A_164 = arith.constant 0 : i32
        %dma_start3A_165 = tpu.memref_slice %arg6[%add3A_155, %dma_start3A_164] : memref<126x80xi32, #tpu.memory_space<vmem>> -> memref<1x80xi32, #tpu.memory_space<vmem>>
        %dma_start3A_166 = tpu.memref_squeeze %dma_start3A_165 : memref<1x80xi32, #tpu.memory_space<vmem>> -> memref<80xi32, #tpu.memory_space<vmem>>
        %dma_start3A_167 = arith.constant 0 : i32
        %dma_start3A_168 = arith.constant 0 : i32
        %dma_start3A_169 = tpu.memref_slice %arg2[%dma_start3A_167, %dma_start3A_168] : memref<10000x64xf32, #tpu.memory_space<hbm>> -> memref<10000x64xf32, #tpu.memory_space<hbm>>
        tpu.enqueue_indirect_dma source(%dma_start3A_169 : memref<10000x64xf32, #tpu.memory_space<hbm>>) target(%dma_start3A_163 : memref<80x64xf32, #tpu.memory_space<vmem>>) offsets(%dma_start3A_166 : memref<80xi32, #tpu.memory_space<vmem>>) semaphore(%arg11 : memref<!tpu.dma_semaphore, #tpu.memory_space<semaphore_mem>>)
      } else {
      }
      "tpu.region"() ({
        %run_scoped3A = tpu.sem_alloc : memref<!tpu.dma_semaphore, #tpu.memory_space<semaphore_mem>>
        %dma_start3A_154 = arith.constant 0 : i32
        %dma_start3A_155 = arith.constant 0 : i32
        %dma_start3A_156 = tpu.memref_slice %arg8[%rem3A_117, %dma_start3A_154, %dma_start3A_155] : memref<4x80x64xf32, #tpu.memory_space<vmem>> -> memref<1x80x64xf32, #tpu.memory_space<vmem>>
        %dma_start3A_157 = tpu.memref_squeeze %dma_start3A_156 : memref<1x80x64xf32, #tpu.memory_space<vmem>> -> memref<80x64xf32, #tpu.memory_space<vmem>>
        %dma_start3A_158 = arith.constant 0 : i32
        %dma_start3A_159 = tpu.memref_slice %arg7[%add3A_116, %dma_start3A_158] : memref<126x80xi32, #tpu.memory_space<vmem>> -> memref<1x80xi32, #tpu.memory_space<vmem>>
        %dma_start3A_160 = tpu.memref_squeeze %dma_start3A_159 : memref<1x80xi32, #tpu.memory_space<vmem>> -> memref<80xi32, #tpu.memory_space<vmem>>
        %dma_start3A_161 = arith.constant 0 : i32
        %dma_start3A_162 = arith.constant 0 : i32
        %dma_start3A_163 = tpu.memref_slice %arg10[%dma_start3A_161, %dma_start3A_162] : memref<10240x64xf32, #tpu.memory_space<vmem_shared>> -> memref<10240x64xf32, #tpu.memory_space<vmem_shared>>
        tpu.enqueue_indirect_dma source(%dma_start3A_157 : memref<80x64xf32, #tpu.memory_space<vmem>>) target(%dma_start3A_163 : memref<10240x64xf32, #tpu.memory_space<vmem_shared>>) offsets(%dma_start3A_160 : memref<80xi32, #tpu.memory_space<vmem>>) semaphore(%run_scoped3A : memref<!tpu.dma_semaphore, #tpu.memory_space<semaphore_mem>>) {add = true}
        %dma_wait3A_164 = arith.constant 0 : i32
        %dma_wait3A_165 = arith.constant 0 : i32
        %dma_wait3A_166 = tpu.memref_slice %arg8[%rem3A_117, %dma_wait3A_164, %dma_wait3A_165] : memref<4x80x64xf32, #tpu.memory_space<vmem>> -> memref<1x80x64xf32, #tpu.memory_space<vmem>>
        %dma_wait3A_167 = tpu.memref_squeeze %dma_wait3A_166 : memref<1x80x64xf32, #tpu.memory_space<vmem>> -> memref<80x64xf32, #tpu.memory_space<vmem>>
        %dma_wait3A_168 = arith.constant 0 : i32
        %dma_wait3A_169 = tpu.memref_slice %arg7[%add3A_116, %dma_wait3A_168] : memref<126x80xi32, #tpu.memory_space<vmem>> -> memref<1x80xi32, #tpu.memory_space<vmem>>
        %dma_wait3A_170 = tpu.memref_squeeze %dma_wait3A_169 : memref<1x80xi32, #tpu.memory_space<vmem>> -> memref<80xi32, #tpu.memory_space<vmem>>
        %dma_wait3A_171 = arith.constant 0 : i32
        %dma_wait3A_172 = arith.constant 0 : i32
        %dma_wait3A_173 = tpu.memref_slice %arg10[%dma_wait3A_171, %dma_wait3A_172] : memref<10240x64xf32, #tpu.memory_space<vmem_shared>> -> memref<10240x64xf32, #tpu.memory_space<vmem_shared>>
        tpu.wait_indirect_dma semaphore(%run_scoped3A : memref<!tpu.dma_semaphore, #tpu.memory_space<semaphore_mem>>) src(%dma_wait3A_167 : memref<80x64xf32, #tpu.memory_space<vmem>>) dst(%dma_wait3A_173 : memref<10240x64xf32, #tpu.memory_space<vmem_shared>>)
        tpu.yield
      }) : () -> ()
      %mul3A_131 = arith.constant 2 : i32
      %mul3A_132 = arith.muli %mul3A_131, %scan3A_112 : i32
      %add3A_133 = arith.constant 1 : i32
      %add3A_134 = arith.addi %mul3A_132, %add3A_133 : i32
      %rem3A_135 = arith.constant 4 : i32
      %rem3A_136 = arith.remsi %add3A_134, %rem3A_135 : i32
      %dma_wait3A_137 = arith.constant 0 : i32
      %dma_wait3A_138 = arith.constant 0 : i32
      %dma_wait3A_139 = tpu.memref_slice %arg8[%rem3A_136, %dma_wait3A_137, %dma_wait3A_138] : memref<4x80x64xf32, #tpu.memory_space<vmem>> -> memref<1x80x64xf32, #tpu.memory_space<vmem>>
      %dma_wait3A_140 = tpu.memref_squeeze %dma_wait3A_139 : memref<1x80x64xf32, #tpu.memory_space<vmem>> -> memref<80x64xf32, #tpu.memory_space<vmem>>
      %dma_wait3A_141 = arith.constant 0 : i32
      %dma_wait3A_142 = tpu.memref_slice %arg6[%add3A_134, %dma_wait3A_141] : memref<126x80xi32, #tpu.memory_space<vmem>> -> memref<1x80xi32, #tpu.memory_space<vmem>>
      %dma_wait3A_143 = tpu.memref_squeeze %dma_wait3A_142 : memref<1x80xi32, #tpu.memory_space<vmem>> -> memref<80xi32, #tpu.memory_space<vmem>>
      %dma_wait3A_144 = arith.constant 0 : i32
      %dma_wait3A_145 = arith.constant 0 : i32
      %dma_wait3A_146 = tpu.memref_slice %arg2[%dma_wait3A_144, %dma_wait3A_145] : memref<10000x64xf32, #tpu.memory_space<hbm>> -> memref<10000x64xf32, #tpu.memory_space<hbm>>
      tpu.wait_indirect_dma semaphore(%arg12 : memref<!tpu.dma_semaphore, #tpu.memory_space<semaphore_mem>>) src(%dma_wait3A_146 : memref<10000x64xf32, #tpu.memory_space<hbm>>) dst(%dma_wait3A_140 : memref<80x64xf32, #tpu.memory_space<vmem>>)
      %add3A_147 = arith.constant 2 : i32
      %add3A_148 = arith.addi %add3A_134, %add3A_147 : i32
      %lt3A_149 = arith.constant 126 : i32
      %lt3A_150 = arith.cmpi slt, %add3A_148, %lt3A_149 : i32
      %convert_element_type3A_151 = arith.extui %lt3A_150 : i1 to i32
      %cond3A_152 = arith.constant 0 : i32
      %cond3A_153 = arith.cmpi ne, %convert_element_type3A_151, %cond3A_152 : i32
      scf.if %cond3A_153 {
        %add3A_154 = arith.constant 2 : i32
        %add3A_155 = arith.addi %add3A_134, %add3A_154 : i32
        %add3A_156 = arith.constant 2 : i32
        %add3A_157 = arith.addi %add3A_134, %add3A_156 : i32
        %rem3A_158 = arith.constant 4 : i32
        %rem3A_159 = arith.remsi %add3A_157, %rem3A_158 : i32
        %dma_start3A_160 = arith.constant 0 : i32
        %dma_start3A_161 = arith.constant 0 : i32
        %dma_start3A_162 = tpu.memref_slice %arg8[%rem3A_159, %dma_start3A_160, %dma_start3A_161] : memref<4x80x64xf32, #tpu.memory_space<vmem>> -> memref<1x80x64xf32, #tpu.memory_space<vmem>>
        %dma_start3A_163 = tpu.memref_squeeze %dma_start3A_162 : memref<1x80x64xf32, #tpu.memory_space<vmem>> -> memref<80x64xf32, #tpu.memory_space<vmem>>
        %dma_start3A_164 = arith.constant 0 : i32
        %dma_start3A_165 = tpu.memref_slice %arg6[%add3A_155, %dma_start3A_164] : memref<126x80xi32, #tpu.memory_space<vmem>> -> memref<1x80xi32, #tpu.memory_space<vmem>>
        %dma_start3A_166 = tpu.memref_squeeze %dma_start3A_165 : memref<1x80xi32, #tpu.memory_space<vmem>> -> memref<80xi32, #tpu.memory_space<vmem>>
        %dma_start3A_167 = arith.constant 0 : i32
        %dma_start3A_168 = arith.constant 0 : i32
        %dma_start3A_169 = tpu.memref_slice %arg2[%dma_start3A_167, %dma_start3A_168] : memref<10000x64xf32, #tpu.memory_space<hbm>> -> memref<10000x64xf32, #tpu.memory_space<hbm>>
        tpu.enqueue_indirect_dma source(%dma_start3A_169 : memref<10000x64xf32, #tpu.memory_space<hbm>>) target(%dma_start3A_163 : memref<80x64xf32, #tpu.memory_space<vmem>>) offsets(%dma_start3A_166 : memref<80xi32, #tpu.memory_space<vmem>>) semaphore(%arg12 : memref<!tpu.dma_semaphore, #tpu.memory_space<semaphore_mem>>)
      } else {
      }
      "tpu.region"() ({
        %run_scoped3A = tpu.sem_alloc : memref<!tpu.dma_semaphore, #tpu.memory_space<semaphore_mem>>
        %dma_start3A_154 = arith.constant 0 : i32
        %dma_start3A_155 = arith.constant 0 : i32
        %dma_start3A_156 = tpu.memref_slice %arg8[%rem3A_136, %dma_start3A_154, %dma_start3A_155] : memref<4x80x64xf32, #tpu.memory_space<vmem>> -> memref<1x80x64xf32, #tpu.memory_space<vmem>>
        %dma_start3A_157 = tpu.memref_squeeze %dma_start3A_156 : memref<1x80x64xf32, #tpu.memory_space<vmem>> -> memref<80x64xf32, #tpu.memory_space<vmem>>
        %dma_start3A_158 = arith.constant 0 : i32
        %dma_start3A_159 = tpu.memref_slice %arg7[%add3A_134, %dma_start3A_158] : memref<126x80xi32, #tpu.memory_space<vmem>> -> memref<1x80xi32, #tpu.memory_space<vmem>>
        %dma_start3A_160 = tpu.memref_squeeze %dma_start3A_159 : memref<1x80xi32, #tpu.memory_space<vmem>> -> memref<80xi32, #tpu.memory_space<vmem>>
        %dma_start3A_161 = arith.constant 0 : i32
        %dma_start3A_162 = arith.constant 0 : i32
        %dma_start3A_163 = tpu.memref_slice %arg10[%dma_start3A_161, %dma_start3A_162] : memref<10240x64xf32, #tpu.memory_space<vmem_shared>> -> memref<10240x64xf32, #tpu.memory_space<vmem_shared>>
        tpu.enqueue_indirect_dma source(%dma_start3A_157 : memref<80x64xf32, #tpu.memory_space<vmem>>) target(%dma_start3A_163 : memref<10240x64xf32, #tpu.memory_space<vmem_shared>>) offsets(%dma_start3A_160 : memref<80xi32, #tpu.memory_space<vmem>>) semaphore(%run_scoped3A : memref<!tpu.dma_semaphore, #tpu.memory_space<semaphore_mem>>) {add = true}
        %dma_wait3A_164 = arith.constant 0 : i32
        %dma_wait3A_165 = arith.constant 0 : i32
        %dma_wait3A_166 = tpu.memref_slice %arg8[%rem3A_136, %dma_wait3A_164, %dma_wait3A_165] : memref<4x80x64xf32, #tpu.memory_space<vmem>> -> memref<1x80x64xf32, #tpu.memory_space<vmem>>
        %dma_wait3A_167 = tpu.memref_squeeze %dma_wait3A_166 : memref<1x80x64xf32, #tpu.memory_space<vmem>> -> memref<80x64xf32, #tpu.memory_space<vmem>>
        %dma_wait3A_168 = arith.constant 0 : i32
        %dma_wait3A_169 = tpu.memref_slice %arg7[%add3A_134, %dma_wait3A_168] : memref<126x80xi32, #tpu.memory_space<vmem>> -> memref<1x80xi32, #tpu.memory_space<vmem>>
        %dma_wait3A_170 = tpu.memref_squeeze %dma_wait3A_169 : memref<1x80xi32, #tpu.memory_space<vmem>> -> memref<80xi32, #tpu.memory_space<vmem>>
        %dma_wait3A_171 = arith.constant 0 : i32
        %dma_wait3A_172 = arith.constant 0 : i32
        %dma_wait3A_173 = tpu.memref_slice %arg10[%dma_wait3A_171, %dma_wait3A_172] : memref<10240x64xf32, #tpu.memory_space<vmem_shared>> -> memref<10240x64xf32, #tpu.memory_space<vmem_shared>>
        tpu.wait_indirect_dma semaphore(%run_scoped3A : memref<!tpu.dma_semaphore, #tpu.memory_space<semaphore_mem>>) src(%dma_wait3A_167 : memref<80x64xf32, #tpu.memory_space<vmem>>) dst(%dma_wait3A_173 : memref<10240x64xf32, #tpu.memory_space<vmem_shared>>)
        tpu.yield
      }) : () -> ()
    }
    %scan3A_55 = arith.constant 63 : i32
    %barrier3A_56 = arith.constant 0 : index
    tpu.barrier barrier_id(%barrier3A_56)
    %mul3A_57 = arith.constant 640 : i32
    %mul3A_58 = arith.muli %arg1, %mul3A_57 : i32
    %add3A_59 = arith.constant 0 : i32
    %add3A_60 = arith.addi %mul3A_58, %add3A_59 : i32
    "tpu.region"() ({
      %run_scoped3A = tpu.sem_alloc : memref<!tpu.dma_semaphore, #tpu.memory_space<semaphore_mem>>
      %dma_start3A_112 = arith.constant 0 : i32
      %dma_start3A_113 = tpu.memref_slice %arg10[%add3A_60, %dma_start3A_112] : memref<10240x64xf32, #tpu.memory_space<vmem_shared>> -> memref<128x64xf32, #tpu.memory_space<vmem_shared>>
      %dma_start3A_114 = arith.constant 0 : i32
      %dma_start3A_115 = tpu.memref_slice %arg10[%add3A_60, %dma_start3A_114] : memref<10240x64xf32, #tpu.memory_space<vmem_shared>> -> memref<128x64xf32, #tpu.memory_space<vmem_shared>>
      tpu.enqueue_dma source(%dma_start3A_115 : memref<128x64xf32, #tpu.memory_space<vmem_shared>>) target(%arg9 : memref<128x64xf32, #tpu.memory_space<vmem>>) target_semaphore(%run_scoped3A : memref<!tpu.dma_semaphore, #tpu.memory_space<semaphore_mem>>)
      %dma_wait3A = arith.constant 0 : i32
      %dma_wait3A_116 = tpu.memref_slice %arg10[%add3A_60, %dma_wait3A] : memref<10240x64xf32, #tpu.memory_space<vmem_shared>> -> memref<128x64xf32, #tpu.memory_space<vmem_shared>>
      %dma_wait3A_117 = arith.constant 0 : i32
      %dma_wait3A_118 = tpu.memref_slice %arg10[%add3A_60, %dma_wait3A_117] : memref<10240x64xf32, #tpu.memory_space<vmem_shared>> -> memref<128x64xf32, #tpu.memory_space<vmem_shared>>
      tpu.wait_dma2 semaphore(%run_scoped3A : memref<!tpu.dma_semaphore, #tpu.memory_space<semaphore_mem>>) src(%dma_wait3A_118 : memref<128x64xf32, #tpu.memory_space<vmem_shared>>) dst(%arg9 : memref<128x64xf32, #tpu.memory_space<vmem>>)
      tpu.yield
    }) : () -> ()
    %mul3A_61 = arith.constant 10240 : i32
    %mul3A_62 = arith.muli %arg0, %mul3A_61 : i32
    %mul3A_63 = arith.constant 640 : i32
    %mul3A_64 = arith.muli %arg1, %mul3A_63 : i32
    %add3A_65 = arith.addi %mul3A_62, %mul3A_64 : i32
    %add3A_66 = arith.constant 0 : i32
    %add3A_67 = arith.addi %add3A_65, %add3A_66 : i32
    "tpu.region"() ({
      %run_scoped3A = tpu.sem_alloc : memref<!tpu.dma_semaphore, #tpu.memory_space<semaphore_mem>>
      %dma_start3A_112 = arith.constant 0 : i32
      %dma_start3A_113 = tpu.memref_slice %arg5[%add3A_67, %dma_start3A_112] : memref<20480x64xf32, #tpu.memory_space<hbm>> -> memref<128x64xf32, #tpu.memory_space<hbm>>
      %dma_start3A_114 = arith.constant 0 : i32
      %dma_start3A_115 = tpu.memref_slice %arg5[%add3A_67, %dma_start3A_114] : memref<20480x64xf32, #tpu.memory_space<hbm>> -> memref<128x64xf32, #tpu.memory_space<hbm>>
      tpu.enqueue_dma source(%arg9 : memref<128x64xf32, #tpu.memory_space<vmem>>) target(%dma_start3A_115 : memref<128x64xf32, #tpu.memory_space<hbm>>) target_semaphore(%run_scoped3A : memref<!tpu.dma_semaphore, #tpu.memory_space<semaphore_mem>>)
      %dma_wait3A = arith.constant 0 : i32
      %dma_wait3A_116 = tpu.memref_slice %arg5[%add3A_67, %dma_wait3A] : memref<20480x64xf32, #tpu.memory_space<hbm>> -> memref<128x64xf32, #tpu.memory_space<hbm>>
      %dma_wait3A_117 = arith.constant 0 : i32
      %dma_wait3A_118 = tpu.memref_slice %arg5[%add3A_67, %dma_wait3A_117] : memref<20480x64xf32, #tpu.memory_space<hbm>> -> memref<128x64xf32, #tpu.memory_space<hbm>>
      tpu.wait_dma2 semaphore(%run_scoped3A : memref<!tpu.dma_semaphore, #tpu.memory_space<semaphore_mem>>) src(%arg9 : memref<128x64xf32, #tpu.memory_space<vmem>>) dst(%dma_wait3A_118 : memref<128x64xf32, #tpu.memory_space<hbm>>)
      tpu.yield
    }) : () -> ()
    %mul3A_68 = arith.constant 640 : i32
    %mul3A_69 = arith.muli %arg1, %mul3A_68 : i32
    %add3A_70 = arith.constant 128 : i32
    %add3A_71 = arith.addi %mul3A_69, %add3A_70 : i32
    "tpu.region"() ({
      %run_scoped3A = tpu.sem_alloc : memref<!tpu.dma_semaphore, #tpu.memory_space<semaphore_mem>>
      %dma_start3A_112 = arith.constant 0 : i32
      %dma_start3A_113 = tpu.memref_slice %arg10[%add3A_71, %dma_start3A_112] : memref<10240x64xf32, #tpu.memory_space<vmem_shared>> -> memref<128x64xf32, #tpu.memory_space<vmem_shared>>
      %dma_start3A_114 = arith.constant 0 : i32
      %dma_start3A_115 = tpu.memref_slice %arg10[%add3A_71, %dma_start3A_114] : memref<10240x64xf32, #tpu.memory_space<vmem_shared>> -> memref<128x64xf32, #tpu.memory_space<vmem_shared>>
      tpu.enqueue_dma source(%dma_start3A_115 : memref<128x64xf32, #tpu.memory_space<vmem_shared>>) target(%arg9 : memref<128x64xf32, #tpu.memory_space<vmem>>) target_semaphore(%run_scoped3A : memref<!tpu.dma_semaphore, #tpu.memory_space<semaphore_mem>>)
      %dma_wait3A = arith.constant 0 : i32
      %dma_wait3A_116 = tpu.memref_slice %arg10[%add3A_71, %dma_wait3A] : memref<10240x64xf32, #tpu.memory_space<vmem_shared>> -> memref<128x64xf32, #tpu.memory_space<vmem_shared>>
      %dma_wait3A_117 = arith.constant 0 : i32
      %dma_wait3A_118 = tpu.memref_slice %arg10[%add3A_71, %dma_wait3A_117] : memref<10240x64xf32, #tpu.memory_space<vmem_shared>> -> memref<128x64xf32, #tpu.memory_space<vmem_shared>>
      tpu.wait_dma2 semaphore(%run_scoped3A : memref<!tpu.dma_semaphore, #tpu.memory_space<semaphore_mem>>) src(%dma_wait3A_118 : memref<128x64xf32, #tpu.memory_space<vmem_shared>>) dst(%arg9 : memref<128x64xf32, #tpu.memory_space<vmem>>)
      tpu.yield
    }) : () -> ()
    %mul3A_72 = arith.constant 10240 : i32
    %mul3A_73 = arith.muli %arg0, %mul3A_72 : i32
    %mul3A_74 = arith.constant 640 : i32
    %mul3A_75 = arith.muli %arg1, %mul3A_74 : i32
    %add3A_76 = arith.addi %mul3A_73, %mul3A_75 : i32
    %add3A_77 = arith.constant 128 : i32
    %add3A_78 = arith.addi %add3A_76, %add3A_77 : i32
    "tpu.region"() ({
      %run_scoped3A = tpu.sem_alloc : memref<!tpu.dma_semaphore, #tpu.memory_space<semaphore_mem>>
      %dma_start3A_112 = arith.constant 0 : i32
      %dma_start3A_113 = tpu.memref_slice %arg5[%add3A_78, %dma_start3A_112] : memref<20480x64xf32, #tpu.memory_space<hbm>> -> memref<128x64xf32, #tpu.memory_space<hbm>>
      %dma_start3A_114 = arith.constant 0 : i32
      %dma_start3A_115 = tpu.memref_slice %arg5[%add3A_78, %dma_start3A_114] : memref<20480x64xf32, #tpu.memory_space<hbm>> -> memref<128x64xf32, #tpu.memory_space<hbm>>
      tpu.enqueue_dma source(%arg9 : memref<128x64xf32, #tpu.memory_space<vmem>>) target(%dma_start3A_115 : memref<128x64xf32, #tpu.memory_space<hbm>>) target_semaphore(%run_scoped3A : memref<!tpu.dma_semaphore, #tpu.memory_space<semaphore_mem>>)
      %dma_wait3A = arith.constant 0 : i32
      %dma_wait3A_116 = tpu.memref_slice %arg5[%add3A_78, %dma_wait3A] : memref<20480x64xf32, #tpu.memory_space<hbm>> -> memref<128x64xf32, #tpu.memory_space<hbm>>
      %dma_wait3A_117 = arith.constant 0 : i32
      %dma_wait3A_118 = tpu.memref_slice %arg5[%add3A_78, %dma_wait3A_117] : memref<20480x64xf32, #tpu.memory_space<hbm>> -> memref<128x64xf32, #tpu.memory_space<hbm>>
      tpu.wait_dma2 semaphore(%run_scoped3A : memref<!tpu.dma_semaphore, #tpu.memory_space<semaphore_mem>>) src(%arg9 : memref<128x64xf32, #tpu.memory_space<vmem>>) dst(%dma_wait3A_118 : memref<128x64xf32, #tpu.memory_space<hbm>>)
      tpu.yield
    }) : () -> ()
    %mul3A_79 = arith.constant 640 : i32
    %mul3A_80 = arith.muli %arg1, %mul3A_79 : i32
    %add3A_81 = arith.constant 256 : i32
    %add3A_82 = arith.addi %mul3A_80, %add3A_81 : i32
    "tpu.region"() ({
      %run_scoped3A = tpu.sem_alloc : memref<!tpu.dma_semaphore, #tpu.memory_space<semaphore_mem>>
      %dma_start3A_112 = arith.constant 0 : i32
      %dma_start3A_113 = tpu.memref_slice %arg10[%add3A_82, %dma_start3A_112] : memref<10240x64xf32, #tpu.memory_space<vmem_shared>> -> memref<128x64xf32, #tpu.memory_space<vmem_shared>>
      %dma_start3A_114 = arith.constant 0 : i32
      %dma_start3A_115 = tpu.memref_slice %arg10[%add3A_82, %dma_start3A_114] : memref<10240x64xf32, #tpu.memory_space<vmem_shared>> -> memref<128x64xf32, #tpu.memory_space<vmem_shared>>
      tpu.enqueue_dma source(%dma_start3A_115 : memref<128x64xf32, #tpu.memory_space<vmem_shared>>) target(%arg9 : memref<128x64xf32, #tpu.memory_space<vmem>>) target_semaphore(%run_scoped3A : memref<!tpu.dma_semaphore, #tpu.memory_space<semaphore_mem>>)
      %dma_wait3A = arith.constant 0 : i32
      %dma_wait3A_116 = tpu.memref_slice %arg10[%add3A_82, %dma_wait3A] : memref<10240x64xf32, #tpu.memory_space<vmem_shared>> -> memref<128x64xf32, #tpu.memory_space<vmem_shared>>
      %dma_wait3A_117 = arith.constant 0 : i32
      %dma_wait3A_118 = tpu.memref_slice %arg10[%add3A_82, %dma_wait3A_117] : memref<10240x64xf32, #tpu.memory_space<vmem_shared>> -> memref<128x64xf32, #tpu.memory_space<vmem_shared>>
      tpu.wait_dma2 semaphore(%run_scoped3A : memref<!tpu.dma_semaphore, #tpu.memory_space<semaphore_mem>>) src(%dma_wait3A_118 : memref<128x64xf32, #tpu.memory_space<vmem_shared>>) dst(%arg9 : memref<128x64xf32, #tpu.memory_space<vmem>>)
      tpu.yield
    }) : () -> ()
    %mul3A_83 = arith.constant 10240 : i32
    %mul3A_84 = arith.muli %arg0, %mul3A_83 : i32
    %mul3A_85 = arith.constant 640 : i32
    %mul3A_86 = arith.muli %arg1, %mul3A_85 : i32
    %add3A_87 = arith.addi %mul3A_84, %mul3A_86 : i32
    %add3A_88 = arith.constant 256 : i32
    %add3A_89 = arith.addi %add3A_87, %add3A_88 : i32
    "tpu.region"() ({
      %run_scoped3A = tpu.sem_alloc : memref<!tpu.dma_semaphore, #tpu.memory_space<semaphore_mem>>
      %dma_start3A_112 = arith.constant 0 : i32
      %dma_start3A_113 = tpu.memref_slice %arg5[%add3A_89, %dma_start3A_112] : memref<20480x64xf32, #tpu.memory_space<hbm>> -> memref<128x64xf32, #tpu.memory_space<hbm>>
      %dma_start3A_114 = arith.constant 0 : i32
      %dma_start3A_115 = tpu.memref_slice %arg5[%add3A_89, %dma_start3A_114] : memref<20480x64xf32, #tpu.memory_space<hbm>> -> memref<128x64xf32, #tpu.memory_space<hbm>>
      tpu.enqueue_dma source(%arg9 : memref<128x64xf32, #tpu.memory_space<vmem>>) target(%dma_start3A_115 : memref<128x64xf32, #tpu.memory_space<hbm>>) target_semaphore(%run_scoped3A : memref<!tpu.dma_semaphore, #tpu.memory_space<semaphore_mem>>)
      %dma_wait3A = arith.constant 0 : i32
      %dma_wait3A_116 = tpu.memref_slice %arg5[%add3A_89, %dma_wait3A] : memref<20480x64xf32, #tpu.memory_space<hbm>> -> memref<128x64xf32, #tpu.memory_space<hbm>>
      %dma_wait3A_117 = arith.constant 0 : i32
      %dma_wait3A_118 = tpu.memref_slice %arg5[%add3A_89, %dma_wait3A_117] : memref<20480x64xf32, #tpu.memory_space<hbm>> -> memref<128x64xf32, #tpu.memory_space<hbm>>
      tpu.wait_dma2 semaphore(%run_scoped3A : memref<!tpu.dma_semaphore, #tpu.memory_space<semaphore_mem>>) src(%arg9 : memref<128x64xf32, #tpu.memory_space<vmem>>) dst(%dma_wait3A_118 : memref<128x64xf32, #tpu.memory_space<hbm>>)
      tpu.yield
    }) : () -> ()
    %mul3A_90 = arith.constant 640 : i32
    %mul3A_91 = arith.muli %arg1, %mul3A_90 : i32
    %add3A_92 = arith.constant 384 : i32
    %add3A_93 = arith.addi %mul3A_91, %add3A_92 : i32
    "tpu.region"() ({
      %run_scoped3A = tpu.sem_alloc : memref<!tpu.dma_semaphore, #tpu.memory_space<semaphore_mem>>
      %dma_start3A_112 = arith.constant 0 : i32
      %dma_start3A_113 = tpu.memref_slice %arg10[%add3A_93, %dma_start3A_112] : memref<10240x64xf32, #tpu.memory_space<vmem_shared>> -> memref<128x64xf32, #tpu.memory_space<vmem_shared>>
      %dma_start3A_114 = arith.constant 0 : i32
      %dma_start3A_115 = tpu.memref_slice %arg10[%add3A_93, %dma_start3A_114] : memref<10240x64xf32, #tpu.memory_space<vmem_shared>> -> memref<128x64xf32, #tpu.memory_space<vmem_shared>>
      tpu.enqueue_dma source(%dma_start3A_115 : memref<128x64xf32, #tpu.memory_space<vmem_shared>>) target(%arg9 : memref<128x64xf32, #tpu.memory_space<vmem>>) target_semaphore(%run_scoped3A : memref<!tpu.dma_semaphore, #tpu.memory_space<semaphore_mem>>)
      %dma_wait3A = arith.constant 0 : i32
      %dma_wait3A_116 = tpu.memref_slice %arg10[%add3A_93, %dma_wait3A] : memref<10240x64xf32, #tpu.memory_space<vmem_shared>> -> memref<128x64xf32, #tpu.memory_space<vmem_shared>>
      %dma_wait3A_117 = arith.constant 0 : i32
      %dma_wait3A_118 = tpu.memref_slice %arg10[%add3A_93, %dma_wait3A_117] : memref<10240x64xf32, #tpu.memory_space<vmem_shared>> -> memref<128x64xf32, #tpu.memory_space<vmem_shared>>
      tpu.wait_dma2 semaphore(%run_scoped3A : memref<!tpu.dma_semaphore, #tpu.memory_space<semaphore_mem>>) src(%dma_wait3A_118 : memref<128x64xf32, #tpu.memory_space<vmem_shared>>) dst(%arg9 : memref<128x64xf32, #tpu.memory_space<vmem>>)
      tpu.yield
    }) : () -> ()
    %mul3A_94 = arith.constant 10240 : i32
    %mul3A_95 = arith.muli %arg0, %mul3A_94 : i32
    %mul3A_96 = arith.constant 640 : i32
    %mul3A_97 = arith.muli %arg1, %mul3A_96 : i32
    %add3A_98 = arith.addi %mul3A_95, %mul3A_97 : i32
    %add3A_99 = arith.constant 384 : i32
    %add3A_100 = arith.addi %add3A_98, %add3A_99 : i32
    "tpu.region"() ({
      %run_scoped3A = tpu.sem_alloc : memref<!tpu.dma_semaphore, #tpu.memory_space<semaphore_mem>>
      %dma_start3A_112 = arith.constant 0 : i32
      %dma_start3A_113 = tpu.memref_slice %arg5[%add3A_100, %dma_start3A_112] : memref<20480x64xf32, #tpu.memory_space<hbm>> -> memref<128x64xf32, #tpu.memory_space<hbm>>
      %dma_start3A_114 = arith.constant 0 : i32
      %dma_start3A_115 = tpu.memref_slice %arg5[%add3A_100, %dma_start3A_114] : memref<20480x64xf32, #tpu.memory_space<hbm>> -> memref<128x64xf32, #tpu.memory_space<hbm>>
      tpu.enqueue_dma source(%arg9 : memref<128x64xf32, #tpu.memory_space<vmem>>) target(%dma_start3A_115 : memref<128x64xf32, #tpu.memory_space<hbm>>) target_semaphore(%run_scoped3A : memref<!tpu.dma_semaphore, #tpu.memory_space<semaphore_mem>>)
      %dma_wait3A = arith.constant 0 : i32
      %dma_wait3A_116 = tpu.memref_slice %arg5[%add3A_100, %dma_wait3A] : memref<20480x64xf32, #tpu.memory_space<hbm>> -> memref<128x64xf32, #tpu.memory_space<hbm>>
      %dma_wait3A_117 = arith.constant 0 : i32
      %dma_wait3A_118 = tpu.memref_slice %arg5[%add3A_100, %dma_wait3A_117] : memref<20480x64xf32, #tpu.memory_space<hbm>> -> memref<128x64xf32, #tpu.memory_space<hbm>>
      tpu.wait_dma2 semaphore(%run_scoped3A : memref<!tpu.dma_semaphore, #tpu.memory_space<semaphore_mem>>) src(%arg9 : memref<128x64xf32, #tpu.memory_space<vmem>>) dst(%dma_wait3A_118 : memref<128x64xf32, #tpu.memory_space<hbm>>)
      tpu.yield
    }) : () -> ()
    %mul3A_101 = arith.constant 640 : i32
    %mul3A_102 = arith.muli %arg1, %mul3A_101 : i32
    %add3A_103 = arith.constant 512 : i32
    %add3A_104 = arith.addi %mul3A_102, %add3A_103 : i32
    "tpu.region"() ({
      %run_scoped3A = tpu.sem_alloc : memref<!tpu.dma_semaphore, #tpu.memory_space<semaphore_mem>>
      %dma_start3A_112 = arith.constant 0 : i32
      %dma_start3A_113 = tpu.memref_slice %arg10[%add3A_104, %dma_start3A_112] : memref<10240x64xf32, #tpu.memory_space<vmem_shared>> -> memref<128x64xf32, #tpu.memory_space<vmem_shared>>
      %dma_start3A_114 = arith.constant 0 : i32
      %dma_start3A_115 = tpu.memref_slice %arg10[%add3A_104, %dma_start3A_114] : memref<10240x64xf32, #tpu.memory_space<vmem_shared>> -> memref<128x64xf32, #tpu.memory_space<vmem_shared>>
      tpu.enqueue_dma source(%dma_start3A_115 : memref<128x64xf32, #tpu.memory_space<vmem_shared>>) target(%arg9 : memref<128x64xf32, #tpu.memory_space<vmem>>) target_semaphore(%run_scoped3A : memref<!tpu.dma_semaphore, #tpu.memory_space<semaphore_mem>>)
      %dma_wait3A = arith.constant 0 : i32
      %dma_wait3A_116 = tpu.memref_slice %arg10[%add3A_104, %dma_wait3A] : memref<10240x64xf32, #tpu.memory_space<vmem_shared>> -> memref<128x64xf32, #tpu.memory_space<vmem_shared>>
      %dma_wait3A_117 = arith.constant 0 : i32
      %dma_wait3A_118 = tpu.memref_slice %arg10[%add3A_104, %dma_wait3A_117] : memref<10240x64xf32, #tpu.memory_space<vmem_shared>> -> memref<128x64xf32, #tpu.memory_space<vmem_shared>>
      tpu.wait_dma2 semaphore(%run_scoped3A : memref<!tpu.dma_semaphore, #tpu.memory_space<semaphore_mem>>) src(%dma_wait3A_118 : memref<128x64xf32, #tpu.memory_space<vmem_shared>>) dst(%arg9 : memref<128x64xf32, #tpu.memory_space<vmem>>)
      tpu.yield
    }) : () -> ()
    %mul3A_105 = arith.constant 10240 : i32
    %mul3A_106 = arith.muli %arg0, %mul3A_105 : i32
    %mul3A_107 = arith.constant 640 : i32
    %mul3A_108 = arith.muli %arg1, %mul3A_107 : i32
    %add3A_109 = arith.addi %mul3A_106, %mul3A_108 : i32
    %add3A_110 = arith.constant 512 : i32
    %add3A_111 = arith.addi %add3A_109, %add3A_110 : i32
    "tpu.region"() ({
      %run_scoped3A = tpu.sem_alloc : memref<!tpu.dma_semaphore, #tpu.memory_space<semaphore_mem>>
      %dma_start3A_112 = arith.constant 0 : i32
      %dma_start3A_113 = tpu.memref_slice %arg5[%add3A_111, %dma_start3A_112] : memref<20480x64xf32, #tpu.memory_space<hbm>> -> memref<128x64xf32, #tpu.memory_space<hbm>>
      %dma_start3A_114 = arith.constant 0 : i32
      %dma_start3A_115 = tpu.memref_slice %arg5[%add3A_111, %dma_start3A_114] : memref<20480x64xf32, #tpu.memory_space<hbm>> -> memref<128x64xf32, #tpu.memory_space<hbm>>
      tpu.enqueue_dma source(%arg9 : memref<128x64xf32, #tpu.memory_space<vmem>>) target(%dma_start3A_115 : memref<128x64xf32, #tpu.memory_space<hbm>>) target_semaphore(%run_scoped3A : memref<!tpu.dma_semaphore, #tpu.memory_space<semaphore_mem>>)
      %dma_wait3A = arith.constant 0 : i32
      %dma_wait3A_116 = tpu.memref_slice %arg5[%add3A_111, %dma_wait3A] : memref<20480x64xf32, #tpu.memory_space<hbm>> -> memref<128x64xf32, #tpu.memory_space<hbm>>
      %dma_wait3A_117 = arith.constant 0 : i32
      %dma_wait3A_118 = tpu.memref_slice %arg5[%add3A_111, %dma_wait3A_117] : memref<20480x64xf32, #tpu.memory_space<hbm>> -> memref<128x64xf32, #tpu.memory_space<hbm>>
      tpu.wait_dma2 semaphore(%run_scoped3A : memref<!tpu.dma_semaphore, #tpu.memory_space<semaphore_mem>>) src(%arg9 : memref<128x64xf32, #tpu.memory_space<vmem>>) dst(%dma_wait3A_118 : memref<128x64xf32, #tpu.memory_space<hbm>>)
      tpu.yield
    }) : () -> ()
    return
  }
}

#map = affine_map<(d0, d1) -> (0, 0, 0)>
#map1 = affine_map<(d0, d1) -> (0, 0)>
module attributes {stable_mosaic.version = 14 : i64} {
  func.func @body(%arg0: i32, %arg1: i32, %arg2: memref<32x126x80xi32, #tpu.memory_space<hbm>>, %arg3: memref<20480x16xf32, #tpu.memory_space<hbm>>, %arg4: memref<126x80xi32, #tpu.memory_space<vmem>>, %arg5: memref<80x16xf32, #tpu.memory_space<vmem>>, %arg6: memref<128x16xf32, #tpu.memory_space<vmem>>, %arg7: memref<10240x16xf32, #tpu.memory_space<vmem_shared>>) attributes {dimension_semantics = [#tpu.dimension_semantics<core_parallel>, #tpu.dimension_semantics<subcore_parallel>], iteration_bounds = array<i64: 2, 16>, scalar_prefetch = 0 : i64, scratch_operands = 4 : i64, tpu.core_type = #tpu.core_type<sc_vector_subcore>, window_params = [{transform_indices = #map}, {transform_indices = #map1}]} {
    %mul3A = arith.constant 2 : i32
    %mul3A_0 = arith.muli %arg1, %mul3A : i32
    %add3A = arith.addi %mul3A_0, %arg0 : i32
    %broadcast_in_dim3A = arith.constant 1.000000e+00 : f32
    %broadcast_in_dim3A_1 = vector.broadcast %broadcast_in_dim3A : f32 to vector<16xf32>
    %scan3A = arith.constant 0 : i32
    %scan3A_2 = arith.constant 0 : i32
    %scan3A_3 = arith.constant 80 : i32
    %scan3A_4 = arith.addi %scan3A_2, %scan3A_3 : i32
    %scan3A_5 = arith.constant 1 : i32
    scf.for %scan3A_97 = %scan3A_2 to %scan3A_4 step %scan3A_5  : i32 {
      %swap3A = arith.index_cast %scan3A_97 : i32 to index
      %swap3A_98 = arith.constant 0 : index
      %swap3A_99 = tpu.vector_load %arg5[%swap3A, %swap3A_98] {strides = array<i32>} : memref<80x16xf32, #tpu.memory_space<vmem>>, vector<1x16xf32>,
      %swap3A_100 = vector.shape_cast %swap3A_99 : vector<1x16xf32> to vector<16xf32>
      %swap3A_101 = vector.shape_cast %broadcast_in_dim3A_1 : vector<16xf32> to vector<1x16xf32>
      tpu.vector_store %arg5[%swap3A, %swap3A_98], %swap3A_101 {strides = array<i32>} : memref<80x16xf32, #tpu.memory_space<vmem>>, vector<1x16xf32>,
    }
    %scan3A_6 = arith.constant 80 : i32
    %broadcast_in_dim3A_7 = arith.constant 0.000000e+00 : f32
    %broadcast_in_dim3A_8 = vector.broadcast %broadcast_in_dim3A_7 : f32 to vector<16xf32>
    %scan3A_9 = arith.constant 0 : i32
    %scan3A_10 = arith.constant 0 : i32
    %scan3A_11 = arith.constant 128 : i32
    %scan3A_12 = arith.addi %scan3A_10, %scan3A_11 : i32
    %scan3A_13 = arith.constant 1 : i32
    scf.for %scan3A_97 = %scan3A_10 to %scan3A_12 step %scan3A_13  : i32 {
      %scan3A_98 = arith.constant 0 : i32
      %mul3A_99 = arith.constant 16 : i32
      %mul3A_100 = arith.muli %scan3A_98, %mul3A_99 : i32
      %swap3A = arith.index_cast %scan3A_97 : i32 to index
      %swap3A_101 = arith.index_cast %mul3A_100 : i32 to index
      %swap3A_102 = tpu.vector_load %arg6[%swap3A, %swap3A_101] {strides = array<i32>} : memref<128x16xf32, #tpu.memory_space<vmem>>, vector<1x16xf32>,
      %swap3A_103 = vector.shape_cast %swap3A_102 : vector<1x16xf32> to vector<16xf32>
      %swap3A_104 = vector.shape_cast %broadcast_in_dim3A_8 : vector<16xf32> to vector<1x16xf32>
      tpu.vector_store %arg6[%swap3A, %swap3A_101], %swap3A_104 {strides = array<i32>} : memref<128x16xf32, #tpu.memory_space<vmem>>, vector<1x16xf32>,
      %scan3A_105 = arith.constant 1 : i32
    }
    %scan3A_14 = arith.constant 128 : i32
    %mul3A_15 = arith.constant 640 : i32
    %mul3A_16 = arith.muli %arg1, %mul3A_15 : i32
    %add3A_17 = arith.constant 0 : i32
    %add3A_18 = arith.addi %mul3A_16, %add3A_17 : i32
    "tpu.region"() ({
      %run_scoped3A = tpu.sem_alloc : memref<!tpu.dma_semaphore, #tpu.memory_space<semaphore_mem>>
      %dma_start3A = arith.constant 0 : i32
      %dma_start3A_97 = tpu.memref_slice %arg7[%add3A_18, %dma_start3A] : memref<10240x16xf32, #tpu.memory_space<vmem_shared>> -> memref<128x16xf32, #tpu.memory_space<vmem_shared>>
      %dma_start3A_98 = arith.constant 0 : i32
      %dma_start3A_99 = tpu.memref_slice %arg7[%add3A_18, %dma_start3A_98] : memref<10240x16xf32, #tpu.memory_space<vmem_shared>> -> memref<128x16xf32, #tpu.memory_space<vmem_shared>>
      tpu.enqueue_dma source(%arg6 : memref<128x16xf32, #tpu.memory_space<vmem>>) target(%dma_start3A_99 : memref<128x16xf32, #tpu.memory_space<vmem_shared>>) target_semaphore(%run_scoped3A : memref<!tpu.dma_semaphore, #tpu.memory_space<semaphore_mem>>)
      %dma_wait3A = arith.constant 0 : i32
      %dma_wait3A_100 = tpu.memref_slice %arg7[%add3A_18, %dma_wait3A] : memref<10240x16xf32, #tpu.memory_space<vmem_shared>> -> memref<128x16xf32, #tpu.memory_space<vmem_shared>>
      %dma_wait3A_101 = arith.constant 0 : i32
      %dma_wait3A_102 = tpu.memref_slice %arg7[%add3A_18, %dma_wait3A_101] : memref<10240x16xf32, #tpu.memory_space<vmem_shared>> -> memref<128x16xf32, #tpu.memory_space<vmem_shared>>
      tpu.wait_dma2 semaphore(%run_scoped3A : memref<!tpu.dma_semaphore, #tpu.memory_space<semaphore_mem>>) src(%arg6 : memref<128x16xf32, #tpu.memory_space<vmem>>) dst(%dma_wait3A_102 : memref<128x16xf32, #tpu.memory_space<vmem_shared>>)
      tpu.yield
    }) : () -> ()
    %mul3A_19 = arith.constant 640 : i32
    %mul3A_20 = arith.muli %arg1, %mul3A_19 : i32
    %add3A_21 = arith.constant 128 : i32
    %add3A_22 = arith.addi %mul3A_20, %add3A_21 : i32
    "tpu.region"() ({
      %run_scoped3A = tpu.sem_alloc : memref<!tpu.dma_semaphore, #tpu.memory_space<semaphore_mem>>
      %dma_start3A = arith.constant 0 : i32
      %dma_start3A_97 = tpu.memref_slice %arg7[%add3A_22, %dma_start3A] : memref<10240x16xf32, #tpu.memory_space<vmem_shared>> -> memref<128x16xf32, #tpu.memory_space<vmem_shared>>
      %dma_start3A_98 = arith.constant 0 : i32
      %dma_start3A_99 = tpu.memref_slice %arg7[%add3A_22, %dma_start3A_98] : memref<10240x16xf32, #tpu.memory_space<vmem_shared>> -> memref<128x16xf32, #tpu.memory_space<vmem_shared>>
      tpu.enqueue_dma source(%arg6 : memref<128x16xf32, #tpu.memory_space<vmem>>) target(%dma_start3A_99 : memref<128x16xf32, #tpu.memory_space<vmem_shared>>) target_semaphore(%run_scoped3A : memref<!tpu.dma_semaphore, #tpu.memory_space<semaphore_mem>>)
      %dma_wait3A = arith.constant 0 : i32
      %dma_wait3A_100 = tpu.memref_slice %arg7[%add3A_22, %dma_wait3A] : memref<10240x16xf32, #tpu.memory_space<vmem_shared>> -> memref<128x16xf32, #tpu.memory_space<vmem_shared>>
      %dma_wait3A_101 = arith.constant 0 : i32
      %dma_wait3A_102 = tpu.memref_slice %arg7[%add3A_22, %dma_wait3A_101] : memref<10240x16xf32, #tpu.memory_space<vmem_shared>> -> memref<128x16xf32, #tpu.memory_space<vmem_shared>>
      tpu.wait_dma2 semaphore(%run_scoped3A : memref<!tpu.dma_semaphore, #tpu.memory_space<semaphore_mem>>) src(%arg6 : memref<128x16xf32, #tpu.memory_space<vmem>>) dst(%dma_wait3A_102 : memref<128x16xf32, #tpu.memory_space<vmem_shared>>)
      tpu.yield
    }) : () -> ()
    %mul3A_23 = arith.constant 640 : i32
    %mul3A_24 = arith.muli %arg1, %mul3A_23 : i32
    %add3A_25 = arith.constant 256 : i32
    %add3A_26 = arith.addi %mul3A_24, %add3A_25 : i32
    "tpu.region"() ({
      %run_scoped3A = tpu.sem_alloc : memref<!tpu.dma_semaphore, #tpu.memory_space<semaphore_mem>>
      %dma_start3A = arith.constant 0 : i32
      %dma_start3A_97 = tpu.memref_slice %arg7[%add3A_26, %dma_start3A] : memref<10240x16xf32, #tpu.memory_space<vmem_shared>> -> memref<128x16xf32, #tpu.memory_space<vmem_shared>>
      %dma_start3A_98 = arith.constant 0 : i32
      %dma_start3A_99 = tpu.memref_slice %arg7[%add3A_26, %dma_start3A_98] : memref<10240x16xf32, #tpu.memory_space<vmem_shared>> -> memref<128x16xf32, #tpu.memory_space<vmem_shared>>
      tpu.enqueue_dma source(%arg6 : memref<128x16xf32, #tpu.memory_space<vmem>>) target(%dma_start3A_99 : memref<128x16xf32, #tpu.memory_space<vmem_shared>>) target_semaphore(%run_scoped3A : memref<!tpu.dma_semaphore, #tpu.memory_space<semaphore_mem>>)
      %dma_wait3A = arith.constant 0 : i32
      %dma_wait3A_100 = tpu.memref_slice %arg7[%add3A_26, %dma_wait3A] : memref<10240x16xf32, #tpu.memory_space<vmem_shared>> -> memref<128x16xf32, #tpu.memory_space<vmem_shared>>
      %dma_wait3A_101 = arith.constant 0 : i32
      %dma_wait3A_102 = tpu.memref_slice %arg7[%add3A_26, %dma_wait3A_101] : memref<10240x16xf32, #tpu.memory_space<vmem_shared>> -> memref<128x16xf32, #tpu.memory_space<vmem_shared>>
      tpu.wait_dma2 semaphore(%run_scoped3A : memref<!tpu.dma_semaphore, #tpu.memory_space<semaphore_mem>>) src(%arg6 : memref<128x16xf32, #tpu.memory_space<vmem>>) dst(%dma_wait3A_102 : memref<128x16xf32, #tpu.memory_space<vmem_shared>>)
      tpu.yield
    }) : () -> ()
    %mul3A_27 = arith.constant 640 : i32
    %mul3A_28 = arith.muli %arg1, %mul3A_27 : i32
    %add3A_29 = arith.constant 384 : i32
    %add3A_30 = arith.addi %mul3A_28, %add3A_29 : i32
    "tpu.region"() ({
      %run_scoped3A = tpu.sem_alloc : memref<!tpu.dma_semaphore, #tpu.memory_space<semaphore_mem>>
      %dma_start3A = arith.constant 0 : i32
      %dma_start3A_97 = tpu.memref_slice %arg7[%add3A_30, %dma_start3A] : memref<10240x16xf32, #tpu.memory_space<vmem_shared>> -> memref<128x16xf32, #tpu.memory_space<vmem_shared>>
      %dma_start3A_98 = arith.constant 0 : i32
      %dma_start3A_99 = tpu.memref_slice %arg7[%add3A_30, %dma_start3A_98] : memref<10240x16xf32, #tpu.memory_space<vmem_shared>> -> memref<128x16xf32, #tpu.memory_space<vmem_shared>>
      tpu.enqueue_dma source(%arg6 : memref<128x16xf32, #tpu.memory_space<vmem>>) target(%dma_start3A_99 : memref<128x16xf32, #tpu.memory_space<vmem_shared>>) target_semaphore(%run_scoped3A : memref<!tpu.dma_semaphore, #tpu.memory_space<semaphore_mem>>)
      %dma_wait3A = arith.constant 0 : i32
      %dma_wait3A_100 = tpu.memref_slice %arg7[%add3A_30, %dma_wait3A] : memref<10240x16xf32, #tpu.memory_space<vmem_shared>> -> memref<128x16xf32, #tpu.memory_space<vmem_shared>>
      %dma_wait3A_101 = arith.constant 0 : i32
      %dma_wait3A_102 = tpu.memref_slice %arg7[%add3A_30, %dma_wait3A_101] : memref<10240x16xf32, #tpu.memory_space<vmem_shared>> -> memref<128x16xf32, #tpu.memory_space<vmem_shared>>
      tpu.wait_dma2 semaphore(%run_scoped3A : memref<!tpu.dma_semaphore, #tpu.memory_space<semaphore_mem>>) src(%arg6 : memref<128x16xf32, #tpu.memory_space<vmem>>) dst(%dma_wait3A_102 : memref<128x16xf32, #tpu.memory_space<vmem_shared>>)
      tpu.yield
    }) : () -> ()
    %mul3A_31 = arith.constant 640 : i32
    %mul3A_32 = arith.muli %arg1, %mul3A_31 : i32
    %add3A_33 = arith.constant 512 : i32
    %add3A_34 = arith.addi %mul3A_32, %add3A_33 : i32
    "tpu.region"() ({
      %run_scoped3A = tpu.sem_alloc : memref<!tpu.dma_semaphore, #tpu.memory_space<semaphore_mem>>
      %dma_start3A = arith.constant 0 : i32
      %dma_start3A_97 = tpu.memref_slice %arg7[%add3A_34, %dma_start3A] : memref<10240x16xf32, #tpu.memory_space<vmem_shared>> -> memref<128x16xf32, #tpu.memory_space<vmem_shared>>
      %dma_start3A_98 = arith.constant 0 : i32
      %dma_start3A_99 = tpu.memref_slice %arg7[%add3A_34, %dma_start3A_98] : memref<10240x16xf32, #tpu.memory_space<vmem_shared>> -> memref<128x16xf32, #tpu.memory_space<vmem_shared>>
      tpu.enqueue_dma source(%arg6 : memref<128x16xf32, #tpu.memory_space<vmem>>) target(%dma_start3A_99 : memref<128x16xf32, #tpu.memory_space<vmem_shared>>) target_semaphore(%run_scoped3A : memref<!tpu.dma_semaphore, #tpu.memory_space<semaphore_mem>>)
      %dma_wait3A = arith.constant 0 : i32
      %dma_wait3A_100 = tpu.memref_slice %arg7[%add3A_34, %dma_wait3A] : memref<10240x16xf32, #tpu.memory_space<vmem_shared>> -> memref<128x16xf32, #tpu.memory_space<vmem_shared>>
      %dma_wait3A_101 = arith.constant 0 : i32
      %dma_wait3A_102 = tpu.memref_slice %arg7[%add3A_34, %dma_wait3A_101] : memref<10240x16xf32, #tpu.memory_space<vmem_shared>> -> memref<128x16xf32, #tpu.memory_space<vmem_shared>>
      tpu.wait_dma2 semaphore(%run_scoped3A : memref<!tpu.dma_semaphore, #tpu.memory_space<semaphore_mem>>) src(%arg6 : memref<128x16xf32, #tpu.memory_space<vmem>>) dst(%dma_wait3A_102 : memref<128x16xf32, #tpu.memory_space<vmem_shared>>)
      tpu.yield
    }) : () -> ()
    "tpu.region"() ({
      %run_scoped3A = tpu.sem_alloc : memref<!tpu.dma_semaphore, #tpu.memory_space<semaphore_mem>>
      %dma_start3A = arith.constant 0 : i32
      %dma_start3A_97 = arith.constant 0 : i32
      %dma_start3A_98 = tpu.memref_slice %arg2[%add3A, %dma_start3A, %dma_start3A_97] : memref<32x126x80xi32, #tpu.memory_space<hbm>> -> memref<1x126x80xi32, #tpu.memory_space<hbm>>
      %dma_start3A_99 = tpu.memref_squeeze %dma_start3A_98 : memref<1x126x80xi32, #tpu.memory_space<hbm>> -> memref<126x80xi32, #tpu.memory_space<hbm>>
      %dma_start3A_100 = arith.constant 0 : i32
      %dma_start3A_101 = arith.constant 0 : i32
      %dma_start3A_102 = tpu.memref_slice %arg2[%add3A, %dma_start3A_100, %dma_start3A_101] : memref<32x126x80xi32, #tpu.memory_space<hbm>> -> memref<1x126x80xi32, #tpu.memory_space<hbm>>
      %dma_start3A_103 = tpu.memref_squeeze %dma_start3A_102 : memref<1x126x80xi32, #tpu.memory_space<hbm>> -> memref<126x80xi32, #tpu.memory_space<hbm>>
      tpu.enqueue_dma source(%dma_start3A_103 : memref<126x80xi32, #tpu.memory_space<hbm>>) target(%arg4 : memref<126x80xi32, #tpu.memory_space<vmem>>) target_semaphore(%run_scoped3A : memref<!tpu.dma_semaphore, #tpu.memory_space<semaphore_mem>>)
      %dma_wait3A = arith.constant 0 : i32
      %dma_wait3A_104 = arith.constant 0 : i32
      %dma_wait3A_105 = tpu.memref_slice %arg2[%add3A, %dma_wait3A, %dma_wait3A_104] : memref<32x126x80xi32, #tpu.memory_space<hbm>> -> memref<1x126x80xi32, #tpu.memory_space<hbm>>
      %dma_wait3A_106 = tpu.memref_squeeze %dma_wait3A_105 : memref<1x126x80xi32, #tpu.memory_space<hbm>> -> memref<126x80xi32, #tpu.memory_space<hbm>>
      %dma_wait3A_107 = arith.constant 0 : i32
      %dma_wait3A_108 = arith.constant 0 : i32
      %dma_wait3A_109 = tpu.memref_slice %arg2[%add3A, %dma_wait3A_107, %dma_wait3A_108] : memref<32x126x80xi32, #tpu.memory_space<hbm>> -> memref<1x126x80xi32, #tpu.memory_space<hbm>>
      %dma_wait3A_110 = tpu.memref_squeeze %dma_wait3A_109 : memref<1x126x80xi32, #tpu.memory_space<hbm>> -> memref<126x80xi32, #tpu.memory_space<hbm>>
      tpu.wait_dma2 semaphore(%run_scoped3A : memref<!tpu.dma_semaphore, #tpu.memory_space<semaphore_mem>>) src(%dma_wait3A_110 : memref<126x80xi32, #tpu.memory_space<hbm>>) dst(%arg4 : memref<126x80xi32, #tpu.memory_space<vmem>>)
      tpu.yield
    }) : () -> ()
    %barrier3A = arith.constant 0 : index
    tpu.barrier barrier_id(%barrier3A)
    %scan3A_35 = arith.constant 0 : i32
    %scan3A_36 = arith.constant 0 : i32
    %scan3A_37 = arith.constant 126 : i32
    %scan3A_38 = arith.addi %scan3A_36, %scan3A_37 : i32
    %scan3A_39 = arith.constant 1 : i32
    scf.for %scan3A_97 = %scan3A_36 to %scan3A_38 step %scan3A_39  : i32 {
      "tpu.region"() ({
        %run_scoped3A = tpu.sem_alloc : memref<!tpu.dma_semaphore, #tpu.memory_space<semaphore_mem>>
        %dma_start3A = arith.constant 0 : i32
        %dma_start3A_98 = tpu.memref_slice %arg4[%scan3A_97, %dma_start3A] : memref<126x80xi32, #tpu.memory_space<vmem>> -> memref<1x80xi32, #tpu.memory_space<vmem>>
        %dma_start3A_99 = tpu.memref_squeeze %dma_start3A_98 : memref<1x80xi32, #tpu.memory_space<vmem>> -> memref<80xi32, #tpu.memory_space<vmem>>
        %dma_start3A_100 = arith.constant 0 : i32
        %dma_start3A_101 = arith.constant 0 : i32
        %dma_start3A_102 = tpu.memref_slice %arg7[%dma_start3A_100, %dma_start3A_101] : memref<10240x16xf32, #tpu.memory_space<vmem_shared>> -> memref<10240x16xf32, #tpu.memory_space<vmem_shared>>
        tpu.enqueue_indirect_dma source(%arg5 : memref<80x16xf32, #tpu.memory_space<vmem>>) target(%dma_start3A_102 : memref<10240x16xf32, #tpu.memory_space<vmem_shared>>) offsets(%dma_start3A_99 : memref<80xi32, #tpu.memory_space<vmem>>) semaphore(%run_scoped3A : memref<!tpu.dma_semaphore, #tpu.memory_space<semaphore_mem>>) {add = true}
        %dma_wait3A = arith.constant 0 : i32
        %dma_wait3A_103 = tpu.memref_slice %arg4[%scan3A_97, %dma_wait3A] : memref<126x80xi32, #tpu.memory_space<vmem>> -> memref<1x80xi32, #tpu.memory_space<vmem>>
        %dma_wait3A_104 = tpu.memref_squeeze %dma_wait3A_103 : memref<1x80xi32, #tpu.memory_space<vmem>> -> memref<80xi32, #tpu.memory_space<vmem>>
        %dma_wait3A_105 = arith.constant 0 : i32
        %dma_wait3A_106 = arith.constant 0 : i32
        %dma_wait3A_107 = tpu.memref_slice %arg7[%dma_wait3A_105, %dma_wait3A_106] : memref<10240x16xf32, #tpu.memory_space<vmem_shared>> -> memref<10240x16xf32, #tpu.memory_space<vmem_shared>>
        tpu.wait_indirect_dma semaphore(%run_scoped3A : memref<!tpu.dma_semaphore, #tpu.memory_space<semaphore_mem>>) src(%arg5 : memref<80x16xf32, #tpu.memory_space<vmem>>) dst(%dma_wait3A_107 : memref<10240x16xf32, #tpu.memory_space<vmem_shared>>)
        tpu.yield
      }) : () -> ()
    }
    %scan3A_40 = arith.constant 126 : i32
    %barrier3A_41 = arith.constant 0 : index
    tpu.barrier barrier_id(%barrier3A_41)
    %mul3A_42 = arith.constant 640 : i32
    %mul3A_43 = arith.muli %arg1, %mul3A_42 : i32
    %add3A_44 = arith.constant 0 : i32
    %add3A_45 = arith.addi %mul3A_43, %add3A_44 : i32
    "tpu.region"() ({
      %run_scoped3A = tpu.sem_alloc : memref<!tpu.dma_semaphore, #tpu.memory_space<semaphore_mem>>
      %dma_start3A = arith.constant 0 : i32
      %dma_start3A_97 = tpu.memref_slice %arg7[%add3A_45, %dma_start3A] : memref<10240x16xf32, #tpu.memory_space<vmem_shared>> -> memref<128x16xf32, #tpu.memory_space<vmem_shared>>
      %dma_start3A_98 = arith.constant 0 : i32
      %dma_start3A_99 = tpu.memref_slice %arg7[%add3A_45, %dma_start3A_98] : memref<10240x16xf32, #tpu.memory_space<vmem_shared>> -> memref<128x16xf32, #tpu.memory_space<vmem_shared>>
      tpu.enqueue_dma source(%dma_start3A_99 : memref<128x16xf32, #tpu.memory_space<vmem_shared>>) target(%arg6 : memref<128x16xf32, #tpu.memory_space<vmem>>) target_semaphore(%run_scoped3A : memref<!tpu.dma_semaphore, #tpu.memory_space<semaphore_mem>>)
      %dma_wait3A = arith.constant 0 : i32
      %dma_wait3A_100 = tpu.memref_slice %arg7[%add3A_45, %dma_wait3A] : memref<10240x16xf32, #tpu.memory_space<vmem_shared>> -> memref<128x16xf32, #tpu.memory_space<vmem_shared>>
      %dma_wait3A_101 = arith.constant 0 : i32
      %dma_wait3A_102 = tpu.memref_slice %arg7[%add3A_45, %dma_wait3A_101] : memref<10240x16xf32, #tpu.memory_space<vmem_shared>> -> memref<128x16xf32, #tpu.memory_space<vmem_shared>>
      tpu.wait_dma2 semaphore(%run_scoped3A : memref<!tpu.dma_semaphore, #tpu.memory_space<semaphore_mem>>) src(%dma_wait3A_102 : memref<128x16xf32, #tpu.memory_space<vmem_shared>>) dst(%arg6 : memref<128x16xf32, #tpu.memory_space<vmem>>)
      tpu.yield
    }) : () -> ()
    %mul3A_46 = arith.constant 10240 : i32
    %mul3A_47 = arith.muli %arg0, %mul3A_46 : i32
    %mul3A_48 = arith.constant 640 : i32
    %mul3A_49 = arith.muli %arg1, %mul3A_48 : i32
    %add3A_50 = arith.addi %mul3A_47, %mul3A_49 : i32
    %add3A_51 = arith.constant 0 : i32
    %add3A_52 = arith.addi %add3A_50, %add3A_51 : i32
    "tpu.region"() ({
      %run_scoped3A = tpu.sem_alloc : memref<!tpu.dma_semaphore, #tpu.memory_space<semaphore_mem>>
      %dma_start3A = arith.constant 0 : i32
      %dma_start3A_97 = tpu.memref_slice %arg3[%add3A_52, %dma_start3A] : memref<20480x16xf32, #tpu.memory_space<hbm>> -> memref<128x16xf32, #tpu.memory_space<hbm>>
      %dma_start3A_98 = arith.constant 0 : i32
      %dma_start3A_99 = tpu.memref_slice %arg3[%add3A_52, %dma_start3A_98] : memref<20480x16xf32, #tpu.memory_space<hbm>> -> memref<128x16xf32, #tpu.memory_space<hbm>>
      tpu.enqueue_dma source(%arg6 : memref<128x16xf32, #tpu.memory_space<vmem>>) target(%dma_start3A_99 : memref<128x16xf32, #tpu.memory_space<hbm>>) target_semaphore(%run_scoped3A : memref<!tpu.dma_semaphore, #tpu.memory_space<semaphore_mem>>)
      %dma_wait3A = arith.constant 0 : i32
      %dma_wait3A_100 = tpu.memref_slice %arg3[%add3A_52, %dma_wait3A] : memref<20480x16xf32, #tpu.memory_space<hbm>> -> memref<128x16xf32, #tpu.memory_space<hbm>>
      %dma_wait3A_101 = arith.constant 0 : i32
      %dma_wait3A_102 = tpu.memref_slice %arg3[%add3A_52, %dma_wait3A_101] : memref<20480x16xf32, #tpu.memory_space<hbm>> -> memref<128x16xf32, #tpu.memory_space<hbm>>
      tpu.wait_dma2 semaphore(%run_scoped3A : memref<!tpu.dma_semaphore, #tpu.memory_space<semaphore_mem>>) src(%arg6 : memref<128x16xf32, #tpu.memory_space<vmem>>) dst(%dma_wait3A_102 : memref<128x16xf32, #tpu.memory_space<hbm>>)
      tpu.yield
    }) : () -> ()
    %mul3A_53 = arith.constant 640 : i32
    %mul3A_54 = arith.muli %arg1, %mul3A_53 : i32
    %add3A_55 = arith.constant 128 : i32
    %add3A_56 = arith.addi %mul3A_54, %add3A_55 : i32
    "tpu.region"() ({
      %run_scoped3A = tpu.sem_alloc : memref<!tpu.dma_semaphore, #tpu.memory_space<semaphore_mem>>
      %dma_start3A = arith.constant 0 : i32
      %dma_start3A_97 = tpu.memref_slice %arg7[%add3A_56, %dma_start3A] : memref<10240x16xf32, #tpu.memory_space<vmem_shared>> -> memref<128x16xf32, #tpu.memory_space<vmem_shared>>
      %dma_start3A_98 = arith.constant 0 : i32
      %dma_start3A_99 = tpu.memref_slice %arg7[%add3A_56, %dma_start3A_98] : memref<10240x16xf32, #tpu.memory_space<vmem_shared>> -> memref<128x16xf32, #tpu.memory_space<vmem_shared>>
      tpu.enqueue_dma source(%dma_start3A_99 : memref<128x16xf32, #tpu.memory_space<vmem_shared>>) target(%arg6 : memref<128x16xf32, #tpu.memory_space<vmem>>) target_semaphore(%run_scoped3A : memref<!tpu.dma_semaphore, #tpu.memory_space<semaphore_mem>>)
      %dma_wait3A = arith.constant 0 : i32
      %dma_wait3A_100 = tpu.memref_slice %arg7[%add3A_56, %dma_wait3A] : memref<10240x16xf32, #tpu.memory_space<vmem_shared>> -> memref<128x16xf32, #tpu.memory_space<vmem_shared>>
      %dma_wait3A_101 = arith.constant 0 : i32
      %dma_wait3A_102 = tpu.memref_slice %arg7[%add3A_56, %dma_wait3A_101] : memref<10240x16xf32, #tpu.memory_space<vmem_shared>> -> memref<128x16xf32, #tpu.memory_space<vmem_shared>>
      tpu.wait_dma2 semaphore(%run_scoped3A : memref<!tpu.dma_semaphore, #tpu.memory_space<semaphore_mem>>) src(%dma_wait3A_102 : memref<128x16xf32, #tpu.memory_space<vmem_shared>>) dst(%arg6 : memref<128x16xf32, #tpu.memory_space<vmem>>)
      tpu.yield
    }) : () -> ()
    %mul3A_57 = arith.constant 10240 : i32
    %mul3A_58 = arith.muli %arg0, %mul3A_57 : i32
    %mul3A_59 = arith.constant 640 : i32
    %mul3A_60 = arith.muli %arg1, %mul3A_59 : i32
    %add3A_61 = arith.addi %mul3A_58, %mul3A_60 : i32
    %add3A_62 = arith.constant 128 : i32
    %add3A_63 = arith.addi %add3A_61, %add3A_62 : i32
    "tpu.region"() ({
      %run_scoped3A = tpu.sem_alloc : memref<!tpu.dma_semaphore, #tpu.memory_space<semaphore_mem>>
      %dma_start3A = arith.constant 0 : i32
      %dma_start3A_97 = tpu.memref_slice %arg3[%add3A_63, %dma_start3A] : memref<20480x16xf32, #tpu.memory_space<hbm>> -> memref<128x16xf32, #tpu.memory_space<hbm>>
      %dma_start3A_98 = arith.constant 0 : i32
      %dma_start3A_99 = tpu.memref_slice %arg3[%add3A_63, %dma_start3A_98] : memref<20480x16xf32, #tpu.memory_space<hbm>> -> memref<128x16xf32, #tpu.memory_space<hbm>>
      tpu.enqueue_dma source(%arg6 : memref<128x16xf32, #tpu.memory_space<vmem>>) target(%dma_start3A_99 : memref<128x16xf32, #tpu.memory_space<hbm>>) target_semaphore(%run_scoped3A : memref<!tpu.dma_semaphore, #tpu.memory_space<semaphore_mem>>)
      %dma_wait3A = arith.constant 0 : i32
      %dma_wait3A_100 = tpu.memref_slice %arg3[%add3A_63, %dma_wait3A] : memref<20480x16xf32, #tpu.memory_space<hbm>> -> memref<128x16xf32, #tpu.memory_space<hbm>>
      %dma_wait3A_101 = arith.constant 0 : i32
      %dma_wait3A_102 = tpu.memref_slice %arg3[%add3A_63, %dma_wait3A_101] : memref<20480x16xf32, #tpu.memory_space<hbm>> -> memref<128x16xf32, #tpu.memory_space<hbm>>
      tpu.wait_dma2 semaphore(%run_scoped3A : memref<!tpu.dma_semaphore, #tpu.memory_space<semaphore_mem>>) src(%arg6 : memref<128x16xf32, #tpu.memory_space<vmem>>) dst(%dma_wait3A_102 : memref<128x16xf32, #tpu.memory_space<hbm>>)
      tpu.yield
    }) : () -> ()
    %mul3A_64 = arith.constant 640 : i32
    %mul3A_65 = arith.muli %arg1, %mul3A_64 : i32
    %add3A_66 = arith.constant 256 : i32
    %add3A_67 = arith.addi %mul3A_65, %add3A_66 : i32
    "tpu.region"() ({
      %run_scoped3A = tpu.sem_alloc : memref<!tpu.dma_semaphore, #tpu.memory_space<semaphore_mem>>
      %dma_start3A = arith.constant 0 : i32
      %dma_start3A_97 = tpu.memref_slice %arg7[%add3A_67, %dma_start3A] : memref<10240x16xf32, #tpu.memory_space<vmem_shared>> -> memref<128x16xf32, #tpu.memory_space<vmem_shared>>
      %dma_start3A_98 = arith.constant 0 : i32
      %dma_start3A_99 = tpu.memref_slice %arg7[%add3A_67, %dma_start3A_98] : memref<10240x16xf32, #tpu.memory_space<vmem_shared>> -> memref<128x16xf32, #tpu.memory_space<vmem_shared>>
      tpu.enqueue_dma source(%dma_start3A_99 : memref<128x16xf32, #tpu.memory_space<vmem_shared>>) target(%arg6 : memref<128x16xf32, #tpu.memory_space<vmem>>) target_semaphore(%run_scoped3A : memref<!tpu.dma_semaphore, #tpu.memory_space<semaphore_mem>>)
      %dma_wait3A = arith.constant 0 : i32
      %dma_wait3A_100 = tpu.memref_slice %arg7[%add3A_67, %dma_wait3A] : memref<10240x16xf32, #tpu.memory_space<vmem_shared>> -> memref<128x16xf32, #tpu.memory_space<vmem_shared>>
      %dma_wait3A_101 = arith.constant 0 : i32
      %dma_wait3A_102 = tpu.memref_slice %arg7[%add3A_67, %dma_wait3A_101] : memref<10240x16xf32, #tpu.memory_space<vmem_shared>> -> memref<128x16xf32, #tpu.memory_space<vmem_shared>>
      tpu.wait_dma2 semaphore(%run_scoped3A : memref<!tpu.dma_semaphore, #tpu.memory_space<semaphore_mem>>) src(%dma_wait3A_102 : memref<128x16xf32, #tpu.memory_space<vmem_shared>>) dst(%arg6 : memref<128x16xf32, #tpu.memory_space<vmem>>)
      tpu.yield
    }) : () -> ()
    %mul3A_68 = arith.constant 10240 : i32
    %mul3A_69 = arith.muli %arg0, %mul3A_68 : i32
    %mul3A_70 = arith.constant 640 : i32
    %mul3A_71 = arith.muli %arg1, %mul3A_70 : i32
    %add3A_72 = arith.addi %mul3A_69, %mul3A_71 : i32
    %add3A_73 = arith.constant 256 : i32
    %add3A_74 = arith.addi %add3A_72, %add3A_73 : i32
    "tpu.region"() ({
      %run_scoped3A = tpu.sem_alloc : memref<!tpu.dma_semaphore, #tpu.memory_space<semaphore_mem>>
      %dma_start3A = arith.constant 0 : i32
      %dma_start3A_97 = tpu.memref_slice %arg3[%add3A_74, %dma_start3A] : memref<20480x16xf32, #tpu.memory_space<hbm>> -> memref<128x16xf32, #tpu.memory_space<hbm>>
      %dma_start3A_98 = arith.constant 0 : i32
      %dma_start3A_99 = tpu.memref_slice %arg3[%add3A_74, %dma_start3A_98] : memref<20480x16xf32, #tpu.memory_space<hbm>> -> memref<128x16xf32, #tpu.memory_space<hbm>>
      tpu.enqueue_dma source(%arg6 : memref<128x16xf32, #tpu.memory_space<vmem>>) target(%dma_start3A_99 : memref<128x16xf32, #tpu.memory_space<hbm>>) target_semaphore(%run_scoped3A : memref<!tpu.dma_semaphore, #tpu.memory_space<semaphore_mem>>)
      %dma_wait3A = arith.constant 0 : i32
      %dma_wait3A_100 = tpu.memref_slice %arg3[%add3A_74, %dma_wait3A] : memref<20480x16xf32, #tpu.memory_space<hbm>> -> memref<128x16xf32, #tpu.memory_space<hbm>>
      %dma_wait3A_101 = arith.constant 0 : i32
      %dma_wait3A_102 = tpu.memref_slice %arg3[%add3A_74, %dma_wait3A_101] : memref<20480x16xf32, #tpu.memory_space<hbm>> -> memref<128x16xf32, #tpu.memory_space<hbm>>
      tpu.wait_dma2 semaphore(%run_scoped3A : memref<!tpu.dma_semaphore, #tpu.memory_space<semaphore_mem>>) src(%arg6 : memref<128x16xf32, #tpu.memory_space<vmem>>) dst(%dma_wait3A_102 : memref<128x16xf32, #tpu.memory_space<hbm>>)
      tpu.yield
    }) : () -> ()
    %mul3A_75 = arith.constant 640 : i32
    %mul3A_76 = arith.muli %arg1, %mul3A_75 : i32
    %add3A_77 = arith.constant 384 : i32
    %add3A_78 = arith.addi %mul3A_76, %add3A_77 : i32
    "tpu.region"() ({
      %run_scoped3A = tpu.sem_alloc : memref<!tpu.dma_semaphore, #tpu.memory_space<semaphore_mem>>
      %dma_start3A = arith.constant 0 : i32
      %dma_start3A_97 = tpu.memref_slice %arg7[%add3A_78, %dma_start3A] : memref<10240x16xf32, #tpu.memory_space<vmem_shared>> -> memref<128x16xf32, #tpu.memory_space<vmem_shared>>
      %dma_start3A_98 = arith.constant 0 : i32
      %dma_start3A_99 = tpu.memref_slice %arg7[%add3A_78, %dma_start3A_98] : memref<10240x16xf32, #tpu.memory_space<vmem_shared>> -> memref<128x16xf32, #tpu.memory_space<vmem_shared>>
      tpu.enqueue_dma source(%dma_start3A_99 : memref<128x16xf32, #tpu.memory_space<vmem_shared>>) target(%arg6 : memref<128x16xf32, #tpu.memory_space<vmem>>) target_semaphore(%run_scoped3A : memref<!tpu.dma_semaphore, #tpu.memory_space<semaphore_mem>>)
      %dma_wait3A = arith.constant 0 : i32
      %dma_wait3A_100 = tpu.memref_slice %arg7[%add3A_78, %dma_wait3A] : memref<10240x16xf32, #tpu.memory_space<vmem_shared>> -> memref<128x16xf32, #tpu.memory_space<vmem_shared>>
      %dma_wait3A_101 = arith.constant 0 : i32
      %dma_wait3A_102 = tpu.memref_slice %arg7[%add3A_78, %dma_wait3A_101] : memref<10240x16xf32, #tpu.memory_space<vmem_shared>> -> memref<128x16xf32, #tpu.memory_space<vmem_shared>>
      tpu.wait_dma2 semaphore(%run_scoped3A : memref<!tpu.dma_semaphore, #tpu.memory_space<semaphore_mem>>) src(%dma_wait3A_102 : memref<128x16xf32, #tpu.memory_space<vmem_shared>>) dst(%arg6 : memref<128x16xf32, #tpu.memory_space<vmem>>)
      tpu.yield
    }) : () -> ()
    %mul3A_79 = arith.constant 10240 : i32
    %mul3A_80 = arith.muli %arg0, %mul3A_79 : i32
    %mul3A_81 = arith.constant 640 : i32
    %mul3A_82 = arith.muli %arg1, %mul3A_81 : i32
    %add3A_83 = arith.addi %mul3A_80, %mul3A_82 : i32
    %add3A_84 = arith.constant 384 : i32
    %add3A_85 = arith.addi %add3A_83, %add3A_84 : i32
    "tpu.region"() ({
      %run_scoped3A = tpu.sem_alloc : memref<!tpu.dma_semaphore, #tpu.memory_space<semaphore_mem>>
      %dma_start3A = arith.constant 0 : i32
      %dma_start3A_97 = tpu.memref_slice %arg3[%add3A_85, %dma_start3A] : memref<20480x16xf32, #tpu.memory_space<hbm>> -> memref<128x16xf32, #tpu.memory_space<hbm>>
      %dma_start3A_98 = arith.constant 0 : i32
      %dma_start3A_99 = tpu.memref_slice %arg3[%add3A_85, %dma_start3A_98] : memref<20480x16xf32, #tpu.memory_space<hbm>> -> memref<128x16xf32, #tpu.memory_space<hbm>>
      tpu.enqueue_dma source(%arg6 : memref<128x16xf32, #tpu.memory_space<vmem>>) target(%dma_start3A_99 : memref<128x16xf32, #tpu.memory_space<hbm>>) target_semaphore(%run_scoped3A : memref<!tpu.dma_semaphore, #tpu.memory_space<semaphore_mem>>)
      %dma_wait3A = arith.constant 0 : i32
      %dma_wait3A_100 = tpu.memref_slice %arg3[%add3A_85, %dma_wait3A] : memref<20480x16xf32, #tpu.memory_space<hbm>> -> memref<128x16xf32, #tpu.memory_space<hbm>>
      %dma_wait3A_101 = arith.constant 0 : i32
      %dma_wait3A_102 = tpu.memref_slice %arg3[%add3A_85, %dma_wait3A_101] : memref<20480x16xf32, #tpu.memory_space<hbm>> -> memref<128x16xf32, #tpu.memory_space<hbm>>
      tpu.wait_dma2 semaphore(%run_scoped3A : memref<!tpu.dma_semaphore, #tpu.memory_space<semaphore_mem>>) src(%arg6 : memref<128x16xf32, #tpu.memory_space<vmem>>) dst(%dma_wait3A_102 : memref<128x16xf32, #tpu.memory_space<hbm>>)
      tpu.yield
    }) : () -> ()
    %mul3A_86 = arith.constant 640 : i32
    %mul3A_87 = arith.muli %arg1, %mul3A_86 : i32
    %add3A_88 = arith.constant 512 : i32
    %add3A_89 = arith.addi %mul3A_87, %add3A_88 : i32
    "tpu.region"() ({
      %run_scoped3A = tpu.sem_alloc : memref<!tpu.dma_semaphore, #tpu.memory_space<semaphore_mem>>
      %dma_start3A = arith.constant 0 : i32
      %dma_start3A_97 = tpu.memref_slice %arg7[%add3A_89, %dma_start3A] : memref<10240x16xf32, #tpu.memory_space<vmem_shared>> -> memref<128x16xf32, #tpu.memory_space<vmem_shared>>
      %dma_start3A_98 = arith.constant 0 : i32
      %dma_start3A_99 = tpu.memref_slice %arg7[%add3A_89, %dma_start3A_98] : memref<10240x16xf32, #tpu.memory_space<vmem_shared>> -> memref<128x16xf32, #tpu.memory_space<vmem_shared>>
      tpu.enqueue_dma source(%dma_start3A_99 : memref<128x16xf32, #tpu.memory_space<vmem_shared>>) target(%arg6 : memref<128x16xf32, #tpu.memory_space<vmem>>) target_semaphore(%run_scoped3A : memref<!tpu.dma_semaphore, #tpu.memory_space<semaphore_mem>>)
      %dma_wait3A = arith.constant 0 : i32
      %dma_wait3A_100 = tpu.memref_slice %arg7[%add3A_89, %dma_wait3A] : memref<10240x16xf32, #tpu.memory_space<vmem_shared>> -> memref<128x16xf32, #tpu.memory_space<vmem_shared>>
      %dma_wait3A_101 = arith.constant 0 : i32
      %dma_wait3A_102 = tpu.memref_slice %arg7[%add3A_89, %dma_wait3A_101] : memref<10240x16xf32, #tpu.memory_space<vmem_shared>> -> memref<128x16xf32, #tpu.memory_space<vmem_shared>>
      tpu.wait_dma2 semaphore(%run_scoped3A : memref<!tpu.dma_semaphore, #tpu.memory_space<semaphore_mem>>) src(%dma_wait3A_102 : memref<128x16xf32, #tpu.memory_space<vmem_shared>>) dst(%arg6 : memref<128x16xf32, #tpu.memory_space<vmem>>)
      tpu.yield
    }) : () -> ()
    %mul3A_90 = arith.constant 10240 : i32
    %mul3A_91 = arith.muli %arg0, %mul3A_90 : i32
    %mul3A_92 = arith.constant 640 : i32
    %mul3A_93 = arith.muli %arg1, %mul3A_92 : i32
    %add3A_94 = arith.addi %mul3A_91, %mul3A_93 : i32
    %add3A_95 = arith.constant 512 : i32
    %add3A_96 = arith.addi %add3A_94, %add3A_95 : i32
    "tpu.region"() ({
      %run_scoped3A = tpu.sem_alloc : memref<!tpu.dma_semaphore, #tpu.memory_space<semaphore_mem>>
      %dma_start3A = arith.constant 0 : i32
      %dma_start3A_97 = tpu.memref_slice %arg3[%add3A_96, %dma_start3A] : memref<20480x16xf32, #tpu.memory_space<hbm>> -> memref<128x16xf32, #tpu.memory_space<hbm>>
      %dma_start3A_98 = arith.constant 0 : i32
      %dma_start3A_99 = tpu.memref_slice %arg3[%add3A_96, %dma_start3A_98] : memref<20480x16xf32, #tpu.memory_space<hbm>> -> memref<128x16xf32, #tpu.memory_space<hbm>>
      tpu.enqueue_dma source(%arg6 : memref<128x16xf32, #tpu.memory_space<vmem>>) target(%dma_start3A_99 : memref<128x16xf32, #tpu.memory_space<hbm>>) target_semaphore(%run_scoped3A : memref<!tpu.dma_semaphore, #tpu.memory_space<semaphore_mem>>)
      %dma_wait3A = arith.constant 0 : i32
      %dma_wait3A_100 = tpu.memref_slice %arg3[%add3A_96, %dma_wait3A] : memref<20480x16xf32, #tpu.memory_space<hbm>> -> memref<128x16xf32, #tpu.memory_space<hbm>>
      %dma_wait3A_101 = arith.constant 0 : i32
      %dma_wait3A_102 = tpu.memref_slice %arg3[%add3A_96, %dma_wait3A_101] : memref<20480x16xf32, #tpu.memory_space<hbm>> -> memref<128x16xf32, #tpu.memory_space<hbm>>
      tpu.wait_dma2 semaphore(%run_scoped3A : memref<!tpu.dma_semaphore, #tpu.memory_space<semaphore_mem>>) src(%arg6 : memref<128x16xf32, #tpu.memory_space<vmem>>) dst(%dma_wait3A_102 : memref<128x16xf32, #tpu.memory_space<hbm>>)
      tpu.yield
    }) : () -> ()
    return
  }
}

#map = affine_map<(d0, d1) -> (0, 0)>
#map1 = affine_map<(d0, d1) -> (0, 0, 0)>
module attributes {stable_mosaic.version = 14 : i64} {
  func.func @body(%arg0: i32, %arg1: i32, %arg2: memref<10000x64xf32, #tpu.memory_space<hbm>>, %arg3: memref<10000x64xf32, #tpu.memory_space<hbm>>, %arg4: memref<32x126x80xi32, #tpu.memory_space<hbm>>, %arg5: memref<32x126x80xi32, #tpu.memory_space<hbm>>, %arg6: memref<20480x64xf32, #tpu.memory_space<hbm>>, %arg7: memref<20480x64xf32, #tpu.memory_space<hbm>>, %arg8: memref<126x80xi32, #tpu.memory_space<vmem>>, %arg9: memref<126x80xi32, #tpu.memory_space<vmem>>, %arg10: memref<4x80x64xf32, #tpu.memory_space<vmem>>, %arg11: memref<128x64xf32, #tpu.memory_space<vmem>>, %arg12: memref<10240x64xf32, #tpu.memory_space<vmem_shared>>, %arg13: memref<!tpu.dma_semaphore, #tpu.memory_space<semaphore_mem>>, %arg14: memref<!tpu.dma_semaphore, #tpu.memory_space<semaphore_mem>>) attributes {dimension_semantics = [#tpu.dimension_semantics<core_parallel>, #tpu.dimension_semantics<subcore_parallel>], iteration_bounds = array<i64: 2, 16>, scalar_prefetch = 0 : i64, scratch_operands = 7 : i64, tpu.core_type = #tpu.core_type<sc_vector_subcore>, window_params = [{transform_indices = #map}, {transform_indices = #map}, {transform_indices = #map1}, {transform_indices = #map1}, {transform_indices = #map}, {transform_indices = #map}]} {
    %mul3A = arith.constant 2 : i32
    %mul3A_0 = arith.muli %arg1, %mul3A : i32
    %add3A = arith.addi %mul3A_0, %arg0 : i32
    %broadcast_in_dim3A = arith.constant 0.000000e+00 : f32
    %broadcast_in_dim3A_1 = vector.broadcast %broadcast_in_dim3A : f32 to vector<16xf32>
    %scan3A = arith.constant 0 : i32
    %scan3A_2 = arith.constant 0 : i32
    %scan3A_3 = arith.constant 128 : i32
    %scan3A_4 = arith.addi %scan3A_2, %scan3A_3 : i32
    %scan3A_5 = arith.constant 1 : i32
    scf.for %scan3A_259 = %scan3A_2 to %scan3A_4 step %scan3A_5  : i32 {
      %scan3A_260 = arith.constant 0 : i32
      %scan3A_261 = arith.constant 4 : i32
      %scan3A_262 = arith.addi %scan3A_260, %scan3A_261 : i32
      %scan3A_263 = arith.constant 1 : i32
      scf.for %scan3A_265 = %scan3A_260 to %scan3A_262 step %scan3A_263  : i32 {
        %mul3A_266 = arith.constant 16 : i32
        %mul3A_267 = arith.muli %scan3A_265, %mul3A_266 : i32
        %swap3A = arith.index_cast %scan3A_259 : i32 to index
        %swap3A_268 = arith.index_cast %mul3A_267 : i32 to index
        %swap3A_269 = tpu.vector_load %arg11[%swap3A, %swap3A_268] {strides = array<i32>} : memref<128x64xf32, #tpu.memory_space<vmem>>, vector<1x16xf32>,
        %swap3A_270 = vector.shape_cast %swap3A_269 : vector<1x16xf32> to vector<16xf32>
        %swap3A_271 = vector.shape_cast %broadcast_in_dim3A_1 : vector<16xf32> to vector<1x16xf32>
        tpu.vector_store %arg11[%swap3A, %swap3A_268], %swap3A_271 {strides = array<i32>} : memref<128x64xf32, #tpu.memory_space<vmem>>, vector<1x16xf32>,
      }
      %scan3A_264 = arith.constant 4 : i32
    }
    %scan3A_6 = arith.constant 128 : i32
    %mul3A_7 = arith.constant 640 : i32
    %mul3A_8 = arith.muli %arg1, %mul3A_7 : i32
    %add3A_9 = arith.constant 0 : i32
    %add3A_10 = arith.addi %mul3A_8, %add3A_9 : i32
    "tpu.region"() ({
      %run_scoped3A = tpu.sem_alloc : memref<!tpu.dma_semaphore, #tpu.memory_space<semaphore_mem>>
      %dma_start3A_259 = arith.constant 0 : i32
      %dma_start3A_260 = tpu.memref_slice %arg12[%add3A_10, %dma_start3A_259] : memref<10240x64xf32, #tpu.memory_space<vmem_shared>> -> memref<128x64xf32, #tpu.memory_space<vmem_shared>>
      %dma_start3A_261 = arith.constant 0 : i32
      %dma_start3A_262 = tpu.memref_slice %arg12[%add3A_10, %dma_start3A_261] : memref<10240x64xf32, #tpu.memory_space<vmem_shared>> -> memref<128x64xf32, #tpu.memory_space<vmem_shared>>
      tpu.enqueue_dma source(%arg11 : memref<128x64xf32, #tpu.memory_space<vmem>>) target(%dma_start3A_262 : memref<128x64xf32, #tpu.memory_space<vmem_shared>>) target_semaphore(%run_scoped3A : memref<!tpu.dma_semaphore, #tpu.memory_space<semaphore_mem>>)
      %dma_wait3A = arith.constant 0 : i32
      %dma_wait3A_263 = tpu.memref_slice %arg12[%add3A_10, %dma_wait3A] : memref<10240x64xf32, #tpu.memory_space<vmem_shared>> -> memref<128x64xf32, #tpu.memory_space<vmem_shared>>
      %dma_wait3A_264 = arith.constant 0 : i32
      %dma_wait3A_265 = tpu.memref_slice %arg12[%add3A_10, %dma_wait3A_264] : memref<10240x64xf32, #tpu.memory_space<vmem_shared>> -> memref<128x64xf32, #tpu.memory_space<vmem_shared>>
      tpu.wait_dma2 semaphore(%run_scoped3A : memref<!tpu.dma_semaphore, #tpu.memory_space<semaphore_mem>>) src(%arg11 : memref<128x64xf32, #tpu.memory_space<vmem>>) dst(%dma_wait3A_265 : memref<128x64xf32, #tpu.memory_space<vmem_shared>>)
      tpu.yield
    }) : () -> ()
    %mul3A_11 = arith.constant 640 : i32
    %mul3A_12 = arith.muli %arg1, %mul3A_11 : i32
    %add3A_13 = arith.constant 128 : i32
    %add3A_14 = arith.addi %mul3A_12, %add3A_13 : i32
    "tpu.region"() ({
      %run_scoped3A = tpu.sem_alloc : memref<!tpu.dma_semaphore, #tpu.memory_space<semaphore_mem>>
      %dma_start3A_259 = arith.constant 0 : i32
      %dma_start3A_260 = tpu.memref_slice %arg12[%add3A_14, %dma_start3A_259] : memref<10240x64xf32, #tpu.memory_space<vmem_shared>> -> memref<128x64xf32, #tpu.memory_space<vmem_shared>>
      %dma_start3A_261 = arith.constant 0 : i32
      %dma_start3A_262 = tpu.memref_slice %arg12[%add3A_14, %dma_start3A_261] : memref<10240x64xf32, #tpu.memory_space<vmem_shared>> -> memref<128x64xf32, #tpu.memory_space<vmem_shared>>
      tpu.enqueue_dma source(%arg11 : memref<128x64xf32, #tpu.memory_space<vmem>>) target(%dma_start3A_262 : memref<128x64xf32, #tpu.memory_space<vmem_shared>>) target_semaphore(%run_scoped3A : memref<!tpu.dma_semaphore, #tpu.memory_space<semaphore_mem>>)
      %dma_wait3A = arith.constant 0 : i32
      %dma_wait3A_263 = tpu.memref_slice %arg12[%add3A_14, %dma_wait3A] : memref<10240x64xf32, #tpu.memory_space<vmem_shared>> -> memref<128x64xf32, #tpu.memory_space<vmem_shared>>
      %dma_wait3A_264 = arith.constant 0 : i32
      %dma_wait3A_265 = tpu.memref_slice %arg12[%add3A_14, %dma_wait3A_264] : memref<10240x64xf32, #tpu.memory_space<vmem_shared>> -> memref<128x64xf32, #tpu.memory_space<vmem_shared>>
      tpu.wait_dma2 semaphore(%run_scoped3A : memref<!tpu.dma_semaphore, #tpu.memory_space<semaphore_mem>>) src(%arg11 : memref<128x64xf32, #tpu.memory_space<vmem>>) dst(%dma_wait3A_265 : memref<128x64xf32, #tpu.memory_space<vmem_shared>>)
      tpu.yield
    }) : () -> ()
    %mul3A_15 = arith.constant 640 : i32
    %mul3A_16 = arith.muli %arg1, %mul3A_15 : i32
    %add3A_17 = arith.constant 256 : i32
    %add3A_18 = arith.addi %mul3A_16, %add3A_17 : i32
    "tpu.region"() ({
      %run_scoped3A = tpu.sem_alloc : memref<!tpu.dma_semaphore, #tpu.memory_space<semaphore_mem>>
      %dma_start3A_259 = arith.constant 0 : i32
      %dma_start3A_260 = tpu.memref_slice %arg12[%add3A_18, %dma_start3A_259] : memref<10240x64xf32, #tpu.memory_space<vmem_shared>> -> memref<128x64xf32, #tpu.memory_space<vmem_shared>>
      %dma_start3A_261 = arith.constant 0 : i32
      %dma_start3A_262 = tpu.memref_slice %arg12[%add3A_18, %dma_start3A_261] : memref<10240x64xf32, #tpu.memory_space<vmem_shared>> -> memref<128x64xf32, #tpu.memory_space<vmem_shared>>
      tpu.enqueue_dma source(%arg11 : memref<128x64xf32, #tpu.memory_space<vmem>>) target(%dma_start3A_262 : memref<128x64xf32, #tpu.memory_space<vmem_shared>>) target_semaphore(%run_scoped3A : memref<!tpu.dma_semaphore, #tpu.memory_space<semaphore_mem>>)
      %dma_wait3A = arith.constant 0 : i32
      %dma_wait3A_263 = tpu.memref_slice %arg12[%add3A_18, %dma_wait3A] : memref<10240x64xf32, #tpu.memory_space<vmem_shared>> -> memref<128x64xf32, #tpu.memory_space<vmem_shared>>
      %dma_wait3A_264 = arith.constant 0 : i32
      %dma_wait3A_265 = tpu.memref_slice %arg12[%add3A_18, %dma_wait3A_264] : memref<10240x64xf32, #tpu.memory_space<vmem_shared>> -> memref<128x64xf32, #tpu.memory_space<vmem_shared>>
      tpu.wait_dma2 semaphore(%run_scoped3A : memref<!tpu.dma_semaphore, #tpu.memory_space<semaphore_mem>>) src(%arg11 : memref<128x64xf32, #tpu.memory_space<vmem>>) dst(%dma_wait3A_265 : memref<128x64xf32, #tpu.memory_space<vmem_shared>>)
      tpu.yield
    }) : () -> ()
    %mul3A_19 = arith.constant 640 : i32
    %mul3A_20 = arith.muli %arg1, %mul3A_19 : i32
    %add3A_21 = arith.constant 384 : i32
    %add3A_22 = arith.addi %mul3A_20, %add3A_21 : i32
    "tpu.region"() ({
      %run_scoped3A = tpu.sem_alloc : memref<!tpu.dma_semaphore, #tpu.memory_space<semaphore_mem>>
      %dma_start3A_259 = arith.constant 0 : i32
      %dma_start3A_260 = tpu.memref_slice %arg12[%add3A_22, %dma_start3A_259] : memref<10240x64xf32, #tpu.memory_space<vmem_shared>> -> memref<128x64xf32, #tpu.memory_space<vmem_shared>>
      %dma_start3A_261 = arith.constant 0 : i32
      %dma_start3A_262 = tpu.memref_slice %arg12[%add3A_22, %dma_start3A_261] : memref<10240x64xf32, #tpu.memory_space<vmem_shared>> -> memref<128x64xf32, #tpu.memory_space<vmem_shared>>
      tpu.enqueue_dma source(%arg11 : memref<128x64xf32, #tpu.memory_space<vmem>>) target(%dma_start3A_262 : memref<128x64xf32, #tpu.memory_space<vmem_shared>>) target_semaphore(%run_scoped3A : memref<!tpu.dma_semaphore, #tpu.memory_space<semaphore_mem>>)
      %dma_wait3A = arith.constant 0 : i32
      %dma_wait3A_263 = tpu.memref_slice %arg12[%add3A_22, %dma_wait3A] : memref<10240x64xf32, #tpu.memory_space<vmem_shared>> -> memref<128x64xf32, #tpu.memory_space<vmem_shared>>
      %dma_wait3A_264 = arith.constant 0 : i32
      %dma_wait3A_265 = tpu.memref_slice %arg12[%add3A_22, %dma_wait3A_264] : memref<10240x64xf32, #tpu.memory_space<vmem_shared>> -> memref<128x64xf32, #tpu.memory_space<vmem_shared>>
      tpu.wait_dma2 semaphore(%run_scoped3A : memref<!tpu.dma_semaphore, #tpu.memory_space<semaphore_mem>>) src(%arg11 : memref<128x64xf32, #tpu.memory_space<vmem>>) dst(%dma_wait3A_265 : memref<128x64xf32, #tpu.memory_space<vmem_shared>>)
      tpu.yield
    }) : () -> ()
    %mul3A_23 = arith.constant 640 : i32
    %mul3A_24 = arith.muli %arg1, %mul3A_23 : i32
    %add3A_25 = arith.constant 512 : i32
    %add3A_26 = arith.addi %mul3A_24, %add3A_25 : i32
    "tpu.region"() ({
      %run_scoped3A = tpu.sem_alloc : memref<!tpu.dma_semaphore, #tpu.memory_space<semaphore_mem>>
      %dma_start3A_259 = arith.constant 0 : i32
      %dma_start3A_260 = tpu.memref_slice %arg12[%add3A_26, %dma_start3A_259] : memref<10240x64xf32, #tpu.memory_space<vmem_shared>> -> memref<128x64xf32, #tpu.memory_space<vmem_shared>>
      %dma_start3A_261 = arith.constant 0 : i32
      %dma_start3A_262 = tpu.memref_slice %arg12[%add3A_26, %dma_start3A_261] : memref<10240x64xf32, #tpu.memory_space<vmem_shared>> -> memref<128x64xf32, #tpu.memory_space<vmem_shared>>
      tpu.enqueue_dma source(%arg11 : memref<128x64xf32, #tpu.memory_space<vmem>>) target(%dma_start3A_262 : memref<128x64xf32, #tpu.memory_space<vmem_shared>>) target_semaphore(%run_scoped3A : memref<!tpu.dma_semaphore, #tpu.memory_space<semaphore_mem>>)
      %dma_wait3A = arith.constant 0 : i32
      %dma_wait3A_263 = tpu.memref_slice %arg12[%add3A_26, %dma_wait3A] : memref<10240x64xf32, #tpu.memory_space<vmem_shared>> -> memref<128x64xf32, #tpu.memory_space<vmem_shared>>
      %dma_wait3A_264 = arith.constant 0 : i32
      %dma_wait3A_265 = tpu.memref_slice %arg12[%add3A_26, %dma_wait3A_264] : memref<10240x64xf32, #tpu.memory_space<vmem_shared>> -> memref<128x64xf32, #tpu.memory_space<vmem_shared>>
      tpu.wait_dma2 semaphore(%run_scoped3A : memref<!tpu.dma_semaphore, #tpu.memory_space<semaphore_mem>>) src(%arg11 : memref<128x64xf32, #tpu.memory_space<vmem>>) dst(%dma_wait3A_265 : memref<128x64xf32, #tpu.memory_space<vmem_shared>>)
      tpu.yield
    }) : () -> ()
    "tpu.region"() ({
      %run_scoped3A = tpu.sem_alloc : memref<!tpu.dma_semaphore, #tpu.memory_space<semaphore_mem>>
      %dma_start3A_259 = arith.constant 0 : i32
      %dma_start3A_260 = arith.constant 0 : i32
      %dma_start3A_261 = tpu.memref_slice %arg4[%add3A, %dma_start3A_259, %dma_start3A_260] : memref<32x126x80xi32, #tpu.memory_space<hbm>> -> memref<1x126x80xi32, #tpu.memory_space<hbm>>
      %dma_start3A_262 = tpu.memref_squeeze %dma_start3A_261 : memref<1x126x80xi32, #tpu.memory_space<hbm>> -> memref<126x80xi32, #tpu.memory_space<hbm>>
      %dma_start3A_263 = arith.constant 0 : i32
      %dma_start3A_264 = arith.constant 0 : i32
      %dma_start3A_265 = tpu.memref_slice %arg4[%add3A, %dma_start3A_263, %dma_start3A_264] : memref<32x126x80xi32, #tpu.memory_space<hbm>> -> memref<1x126x80xi32, #tpu.memory_space<hbm>>
      %dma_start3A_266 = tpu.memref_squeeze %dma_start3A_265 : memref<1x126x80xi32, #tpu.memory_space<hbm>> -> memref<126x80xi32, #tpu.memory_space<hbm>>
      tpu.enqueue_dma source(%dma_start3A_266 : memref<126x80xi32, #tpu.memory_space<hbm>>) target(%arg8 : memref<126x80xi32, #tpu.memory_space<vmem>>) target_semaphore(%run_scoped3A : memref<!tpu.dma_semaphore, #tpu.memory_space<semaphore_mem>>)
      %dma_wait3A = arith.constant 0 : i32
      %dma_wait3A_267 = arith.constant 0 : i32
      %dma_wait3A_268 = tpu.memref_slice %arg4[%add3A, %dma_wait3A, %dma_wait3A_267] : memref<32x126x80xi32, #tpu.memory_space<hbm>> -> memref<1x126x80xi32, #tpu.memory_space<hbm>>
      %dma_wait3A_269 = tpu.memref_squeeze %dma_wait3A_268 : memref<1x126x80xi32, #tpu.memory_space<hbm>> -> memref<126x80xi32, #tpu.memory_space<hbm>>
      %dma_wait3A_270 = arith.constant 0 : i32
      %dma_wait3A_271 = arith.constant 0 : i32
      %dma_wait3A_272 = tpu.memref_slice %arg4[%add3A, %dma_wait3A_270, %dma_wait3A_271] : memref<32x126x80xi32, #tpu.memory_space<hbm>> -> memref<1x126x80xi32, #tpu.memory_space<hbm>>
      %dma_wait3A_273 = tpu.memref_squeeze %dma_wait3A_272 : memref<1x126x80xi32, #tpu.memory_space<hbm>> -> memref<126x80xi32, #tpu.memory_space<hbm>>
      tpu.wait_dma2 semaphore(%run_scoped3A : memref<!tpu.dma_semaphore, #tpu.memory_space<semaphore_mem>>) src(%dma_wait3A_273 : memref<126x80xi32, #tpu.memory_space<hbm>>) dst(%arg8 : memref<126x80xi32, #tpu.memory_space<vmem>>)
      tpu.yield
    }) : () -> ()
    "tpu.region"() ({
      %run_scoped3A = tpu.sem_alloc : memref<!tpu.dma_semaphore, #tpu.memory_space<semaphore_mem>>
      %dma_start3A_259 = arith.constant 0 : i32
      %dma_start3A_260 = arith.constant 0 : i32
      %dma_start3A_261 = tpu.memref_slice %arg5[%add3A, %dma_start3A_259, %dma_start3A_260] : memref<32x126x80xi32, #tpu.memory_space<hbm>> -> memref<1x126x80xi32, #tpu.memory_space<hbm>>
      %dma_start3A_262 = tpu.memref_squeeze %dma_start3A_261 : memref<1x126x80xi32, #tpu.memory_space<hbm>> -> memref<126x80xi32, #tpu.memory_space<hbm>>
      %dma_start3A_263 = arith.constant 0 : i32
      %dma_start3A_264 = arith.constant 0 : i32
      %dma_start3A_265 = tpu.memref_slice %arg5[%add3A, %dma_start3A_263, %dma_start3A_264] : memref<32x126x80xi32, #tpu.memory_space<hbm>> -> memref<1x126x80xi32, #tpu.memory_space<hbm>>
      %dma_start3A_266 = tpu.memref_squeeze %dma_start3A_265 : memref<1x126x80xi32, #tpu.memory_space<hbm>> -> memref<126x80xi32, #tpu.memory_space<hbm>>
      tpu.enqueue_dma source(%dma_start3A_266 : memref<126x80xi32, #tpu.memory_space<hbm>>) target(%arg9 : memref<126x80xi32, #tpu.memory_space<vmem>>) target_semaphore(%run_scoped3A : memref<!tpu.dma_semaphore, #tpu.memory_space<semaphore_mem>>)
      %dma_wait3A = arith.constant 0 : i32
      %dma_wait3A_267 = arith.constant 0 : i32
      %dma_wait3A_268 = tpu.memref_slice %arg5[%add3A, %dma_wait3A, %dma_wait3A_267] : memref<32x126x80xi32, #tpu.memory_space<hbm>> -> memref<1x126x80xi32, #tpu.memory_space<hbm>>
      %dma_wait3A_269 = tpu.memref_squeeze %dma_wait3A_268 : memref<1x126x80xi32, #tpu.memory_space<hbm>> -> memref<126x80xi32, #tpu.memory_space<hbm>>
      %dma_wait3A_270 = arith.constant 0 : i32
      %dma_wait3A_271 = arith.constant 0 : i32
      %dma_wait3A_272 = tpu.memref_slice %arg5[%add3A, %dma_wait3A_270, %dma_wait3A_271] : memref<32x126x80xi32, #tpu.memory_space<hbm>> -> memref<1x126x80xi32, #tpu.memory_space<hbm>>
      %dma_wait3A_273 = tpu.memref_squeeze %dma_wait3A_272 : memref<1x126x80xi32, #tpu.memory_space<hbm>> -> memref<126x80xi32, #tpu.memory_space<hbm>>
      tpu.wait_dma2 semaphore(%run_scoped3A : memref<!tpu.dma_semaphore, #tpu.memory_space<semaphore_mem>>) src(%dma_wait3A_273 : memref<126x80xi32, #tpu.memory_space<hbm>>) dst(%arg9 : memref<126x80xi32, #tpu.memory_space<vmem>>)
      tpu.yield
    }) : () -> ()
    %barrier3A = arith.constant 0 : index
    tpu.barrier barrier_id(%barrier3A)
    %dma_start3A = arith.constant 0 : i32
    %dma_start3A_27 = arith.constant 0 : i32
    %dma_start3A_28 = arith.constant 0 : i32
    %dma_start3A_29 = arith.constant 0 : i32
    %dma_start3A_30 = tpu.memref_slice %arg10[%dma_start3A_27, %dma_start3A_28, %dma_start3A_29] : memref<4x80x64xf32, #tpu.memory_space<vmem>> -> memref<1x80x64xf32, #tpu.memory_space<vmem>>
    %dma_start3A_31 = tpu.memref_squeeze %dma_start3A_30 : memref<1x80x64xf32, #tpu.memory_space<vmem>> -> memref<80x64xf32, #tpu.memory_space<vmem>>
    %dma_start3A_32 = arith.constant 0 : i32
    %dma_start3A_33 = tpu.memref_slice %arg8[%dma_start3A, %dma_start3A_32] : memref<126x80xi32, #tpu.memory_space<vmem>> -> memref<1x80xi32, #tpu.memory_space<vmem>>
    %dma_start3A_34 = tpu.memref_squeeze %dma_start3A_33 : memref<1x80xi32, #tpu.memory_space<vmem>> -> memref<80xi32, #tpu.memory_space<vmem>>
    %dma_start3A_35 = arith.constant 0 : i32
    %dma_start3A_36 = arith.constant 0 : i32
    %dma_start3A_37 = tpu.memref_slice %arg2[%dma_start3A_35, %dma_start3A_36] : memref<10000x64xf32, #tpu.memory_space<hbm>> -> memref<10000x64xf32, #tpu.memory_space<hbm>>
    tpu.enqueue_indirect_dma source(%dma_start3A_37 : memref<10000x64xf32, #tpu.memory_space<hbm>>) target(%dma_start3A_31 : memref<80x64xf32, #tpu.memory_space<vmem>>) offsets(%dma_start3A_34 : memref<80xi32, #tpu.memory_space<vmem>>) semaphore(%arg13 : memref<!tpu.dma_semaphore, #tpu.memory_space<semaphore_mem>>)
    %dma_start3A_38 = arith.constant 1 : i32
    %dma_start3A_39 = arith.constant 1 : i32
    %dma_start3A_40 = arith.constant 0 : i32
    %dma_start3A_41 = arith.constant 0 : i32
    %dma_start3A_42 = tpu.memref_slice %arg10[%dma_start3A_39, %dma_start3A_40, %dma_start3A_41] : memref<4x80x64xf32, #tpu.memory_space<vmem>> -> memref<1x80x64xf32, #tpu.memory_space<vmem>>
    %dma_start3A_43 = tpu.memref_squeeze %dma_start3A_42 : memref<1x80x64xf32, #tpu.memory_space<vmem>> -> memref<80x64xf32, #tpu.memory_space<vmem>>
    %dma_start3A_44 = arith.constant 0 : i32
    %dma_start3A_45 = tpu.memref_slice %arg8[%dma_start3A_38, %dma_start3A_44] : memref<126x80xi32, #tpu.memory_space<vmem>> -> memref<1x80xi32, #tpu.memory_space<vmem>>
    %dma_start3A_46 = tpu.memref_squeeze %dma_start3A_45 : memref<1x80xi32, #tpu.memory_space<vmem>> -> memref<80xi32, #tpu.memory_space<vmem>>
    %dma_start3A_47 = arith.constant 0 : i32
    %dma_start3A_48 = arith.constant 0 : i32
    %dma_start3A_49 = tpu.memref_slice %arg2[%dma_start3A_47, %dma_start3A_48] : memref<10000x64xf32, #tpu.memory_space<hbm>> -> memref<10000x64xf32, #tpu.memory_space<hbm>>
    tpu.enqueue_indirect_dma source(%dma_start3A_49 : memref<10000x64xf32, #tpu.memory_space<hbm>>) target(%dma_start3A_43 : memref<80x64xf32, #tpu.memory_space<vmem>>) offsets(%dma_start3A_46 : memref<80xi32, #tpu.memory_space<vmem>>) semaphore(%arg14 : memref<!tpu.dma_semaphore, #tpu.memory_space<semaphore_mem>>)
    %scan3A_50 = arith.constant 0 : i32
    %scan3A_51 = arith.constant 0 : i32
    %scan3A_52 = arith.constant 63 : i32
    %scan3A_53 = arith.addi %scan3A_51, %scan3A_52 : i32
    %scan3A_54 = arith.constant 1 : i32
    scf.for %scan3A_259 = %scan3A_51 to %scan3A_53 step %scan3A_54  : i32 {
      %mul3A_260 = arith.constant 2 : i32
      %mul3A_261 = arith.muli %mul3A_260, %scan3A_259 : i32
      %add3A_262 = arith.constant 0 : i32
      %add3A_263 = arith.addi %mul3A_261, %add3A_262 : i32
      %rem3A = arith.constant 4 : i32
      %rem3A_264 = arith.remsi %add3A_263, %rem3A : i32
      %dma_wait3A = arith.constant 0 : i32
      %dma_wait3A_265 = arith.constant 0 : i32
      %dma_wait3A_266 = tpu.memref_slice %arg10[%rem3A_264, %dma_wait3A, %dma_wait3A_265] : memref<4x80x64xf32, #tpu.memory_space<vmem>> -> memref<1x80x64xf32, #tpu.memory_space<vmem>>
      %dma_wait3A_267 = tpu.memref_squeeze %dma_wait3A_266 : memref<1x80x64xf32, #tpu.memory_space<vmem>> -> memref<80x64xf32, #tpu.memory_space<vmem>>
      %dma_wait3A_268 = arith.constant 0 : i32
      %dma_wait3A_269 = tpu.memref_slice %arg8[%add3A_263, %dma_wait3A_268] : memref<126x80xi32, #tpu.memory_space<vmem>> -> memref<1x80xi32, #tpu.memory_space<vmem>>
      %dma_wait3A_270 = tpu.memref_squeeze %dma_wait3A_269 : memref<1x80xi32, #tpu.memory_space<vmem>> -> memref<80xi32, #tpu.memory_space<vmem>>
      %dma_wait3A_271 = arith.constant 0 : i32
      %dma_wait3A_272 = arith.constant 0 : i32
      %dma_wait3A_273 = tpu.memref_slice %arg2[%dma_wait3A_271, %dma_wait3A_272] : memref<10000x64xf32, #tpu.memory_space<hbm>> -> memref<10000x64xf32, #tpu.memory_space<hbm>>
      tpu.wait_indirect_dma semaphore(%arg13 : memref<!tpu.dma_semaphore, #tpu.memory_space<semaphore_mem>>) src(%dma_wait3A_273 : memref<10000x64xf32, #tpu.memory_space<hbm>>) dst(%dma_wait3A_267 : memref<80x64xf32, #tpu.memory_space<vmem>>)
      %add3A_274 = arith.constant 2 : i32
      %add3A_275 = arith.addi %add3A_263, %add3A_274 : i32
      %lt3A = arith.constant 126 : i32
      %lt3A_276 = arith.cmpi slt, %add3A_275, %lt3A : i32
      %convert_element_type3A = arith.extui %lt3A_276 : i1 to i32
      %cond3A = arith.constant 0 : i32
      %cond3A_277 = arith.cmpi ne, %convert_element_type3A, %cond3A : i32
      scf.if %cond3A_277 {
        %add3A_301 = arith.constant 2 : i32
        %add3A_302 = arith.addi %add3A_263, %add3A_301 : i32
        %add3A_303 = arith.constant 2 : i32
        %add3A_304 = arith.addi %add3A_263, %add3A_303 : i32
        %rem3A_305 = arith.constant 4 : i32
        %rem3A_306 = arith.remsi %add3A_304, %rem3A_305 : i32
        %dma_start3A_307 = arith.constant 0 : i32
        %dma_start3A_308 = arith.constant 0 : i32
        %dma_start3A_309 = tpu.memref_slice %arg10[%rem3A_306, %dma_start3A_307, %dma_start3A_308] : memref<4x80x64xf32, #tpu.memory_space<vmem>> -> memref<1x80x64xf32, #tpu.memory_space<vmem>>
        %dma_start3A_310 = tpu.memref_squeeze %dma_start3A_309 : memref<1x80x64xf32, #tpu.memory_space<vmem>> -> memref<80x64xf32, #tpu.memory_space<vmem>>
        %dma_start3A_311 = arith.constant 0 : i32
        %dma_start3A_312 = tpu.memref_slice %arg8[%add3A_302, %dma_start3A_311] : memref<126x80xi32, #tpu.memory_space<vmem>> -> memref<1x80xi32, #tpu.memory_space<vmem>>
        %dma_start3A_313 = tpu.memref_squeeze %dma_start3A_312 : memref<1x80xi32, #tpu.memory_space<vmem>> -> memref<80xi32, #tpu.memory_space<vmem>>
        %dma_start3A_314 = arith.constant 0 : i32
        %dma_start3A_315 = arith.constant 0 : i32
        %dma_start3A_316 = tpu.memref_slice %arg2[%dma_start3A_314, %dma_start3A_315] : memref<10000x64xf32, #tpu.memory_space<hbm>> -> memref<10000x64xf32, #tpu.memory_space<hbm>>
        tpu.enqueue_indirect_dma source(%dma_start3A_316 : memref<10000x64xf32, #tpu.memory_space<hbm>>) target(%dma_start3A_310 : memref<80x64xf32, #tpu.memory_space<vmem>>) offsets(%dma_start3A_313 : memref<80xi32, #tpu.memory_space<vmem>>) semaphore(%arg13 : memref<!tpu.dma_semaphore, #tpu.memory_space<semaphore_mem>>)
      } else {
      }
      "tpu.region"() ({
        %run_scoped3A = tpu.sem_alloc : memref<!tpu.dma_semaphore, #tpu.memory_space<semaphore_mem>>
        %dma_start3A_301 = arith.constant 0 : i32
        %dma_start3A_302 = arith.constant 0 : i32
        %dma_start3A_303 = tpu.memref_slice %arg10[%rem3A_264, %dma_start3A_301, %dma_start3A_302] : memref<4x80x64xf32, #tpu.memory_space<vmem>> -> memref<1x80x64xf32, #tpu.memory_space<vmem>>
        %dma_start3A_304 = tpu.memref_squeeze %dma_start3A_303 : memref<1x80x64xf32, #tpu.memory_space<vmem>> -> memref<80x64xf32, #tpu.memory_space<vmem>>
        %dma_start3A_305 = arith.constant 0 : i32
        %dma_start3A_306 = tpu.memref_slice %arg9[%add3A_263, %dma_start3A_305] : memref<126x80xi32, #tpu.memory_space<vmem>> -> memref<1x80xi32, #tpu.memory_space<vmem>>
        %dma_start3A_307 = tpu.memref_squeeze %dma_start3A_306 : memref<1x80xi32, #tpu.memory_space<vmem>> -> memref<80xi32, #tpu.memory_space<vmem>>
        %dma_start3A_308 = arith.constant 0 : i32
        %dma_start3A_309 = arith.constant 0 : i32
        %dma_start3A_310 = tpu.memref_slice %arg12[%dma_start3A_308, %dma_start3A_309] : memref<10240x64xf32, #tpu.memory_space<vmem_shared>> -> memref<10240x64xf32, #tpu.memory_space<vmem_shared>>
        tpu.enqueue_indirect_dma source(%dma_start3A_304 : memref<80x64xf32, #tpu.memory_space<vmem>>) target(%dma_start3A_310 : memref<10240x64xf32, #tpu.memory_space<vmem_shared>>) offsets(%dma_start3A_307 : memref<80xi32, #tpu.memory_space<vmem>>) semaphore(%run_scoped3A : memref<!tpu.dma_semaphore, #tpu.memory_space<semaphore_mem>>) {add = true}
        %dma_wait3A_311 = arith.constant 0 : i32
        %dma_wait3A_312 = arith.constant 0 : i32
        %dma_wait3A_313 = tpu.memref_slice %arg10[%rem3A_264, %dma_wait3A_311, %dma_wait3A_312] : memref<4x80x64xf32, #tpu.memory_space<vmem>> -> memref<1x80x64xf32, #tpu.memory_space<vmem>>
        %dma_wait3A_314 = tpu.memref_squeeze %dma_wait3A_313 : memref<1x80x64xf32, #tpu.memory_space<vmem>> -> memref<80x64xf32, #tpu.memory_space<vmem>>
        %dma_wait3A_315 = arith.constant 0 : i32
        %dma_wait3A_316 = tpu.memref_slice %arg9[%add3A_263, %dma_wait3A_315] : memref<126x80xi32, #tpu.memory_space<vmem>> -> memref<1x80xi32, #tpu.memory_space<vmem>>
        %dma_wait3A_317 = tpu.memref_squeeze %dma_wait3A_316 : memref<1x80xi32, #tpu.memory_space<vmem>> -> memref<80xi32, #tpu.memory_space<vmem>>
        %dma_wait3A_318 = arith.constant 0 : i32
        %dma_wait3A_319 = arith.constant 0 : i32
        %dma_wait3A_320 = tpu.memref_slice %arg12[%dma_wait3A_318, %dma_wait3A_319] : memref<10240x64xf32, #tpu.memory_space<vmem_shared>> -> memref<10240x64xf32, #tpu.memory_space<vmem_shared>>
        tpu.wait_indirect_dma semaphore(%run_scoped3A : memref<!tpu.dma_semaphore, #tpu.memory_space<semaphore_mem>>) src(%dma_wait3A_314 : memref<80x64xf32, #tpu.memory_space<vmem>>) dst(%dma_wait3A_320 : memref<10240x64xf32, #tpu.memory_space<vmem_shared>>)
        tpu.yield
      }) : () -> ()
      %mul3A_278 = arith.constant 2 : i32
      %mul3A_279 = arith.muli %mul3A_278, %scan3A_259 : i32
      %add3A_280 = arith.constant 1 : i32
      %add3A_281 = arith.addi %mul3A_279, %add3A_280 : i32
      %rem3A_282 = arith.constant 4 : i32
      %rem3A_283 = arith.remsi %add3A_281, %rem3A_282 : i32
      %dma_wait3A_284 = arith.constant 0 : i32
      %dma_wait3A_285 = arith.constant 0 : i32
      %dma_wait3A_286 = tpu.memref_slice %arg10[%rem3A_283, %dma_wait3A_284, %dma_wait3A_285] : memref<4x80x64xf32, #tpu.memory_space<vmem>> -> memref<1x80x64xf32, #tpu.memory_space<vmem>>
      %dma_wait3A_287 = tpu.memref_squeeze %dma_wait3A_286 : memref<1x80x64xf32, #tpu.memory_space<vmem>> -> memref<80x64xf32, #tpu.memory_space<vmem>>
      %dma_wait3A_288 = arith.constant 0 : i32
      %dma_wait3A_289 = tpu.memref_slice %arg8[%add3A_281, %dma_wait3A_288] : memref<126x80xi32, #tpu.memory_space<vmem>> -> memref<1x80xi32, #tpu.memory_space<vmem>>
      %dma_wait3A_290 = tpu.memref_squeeze %dma_wait3A_289 : memref<1x80xi32, #tpu.memory_space<vmem>> -> memref<80xi32, #tpu.memory_space<vmem>>
      %dma_wait3A_291 = arith.constant 0 : i32
      %dma_wait3A_292 = arith.constant 0 : i32
      %dma_wait3A_293 = tpu.memref_slice %arg2[%dma_wait3A_291, %dma_wait3A_292] : memref<10000x64xf32, #tpu.memory_space<hbm>> -> memref<10000x64xf32, #tpu.memory_space<hbm>>
      tpu.wait_indirect_dma semaphore(%arg14 : memref<!tpu.dma_semaphore, #tpu.memory_space<semaphore_mem>>) src(%dma_wait3A_293 : memref<10000x64xf32, #tpu.memory_space<hbm>>) dst(%dma_wait3A_287 : memref<80x64xf32, #tpu.memory_space<vmem>>)
      %add3A_294 = arith.constant 2 : i32
      %add3A_295 = arith.addi %add3A_281, %add3A_294 : i32
      %lt3A_296 = arith.constant 126 : i32
      %lt3A_297 = arith.cmpi slt, %add3A_295, %lt3A_296 : i32
      %convert_element_type3A_298 = arith.extui %lt3A_297 : i1 to i32
      %cond3A_299 = arith.constant 0 : i32
      %cond3A_300 = arith.cmpi ne, %convert_element_type3A_298, %cond3A_299 : i32
      scf.if %cond3A_300 {
        %add3A_301 = arith.constant 2 : i32
        %add3A_302 = arith.addi %add3A_281, %add3A_301 : i32
        %add3A_303 = arith.constant 2 : i32
        %add3A_304 = arith.addi %add3A_281, %add3A_303 : i32
        %rem3A_305 = arith.constant 4 : i32
        %rem3A_306 = arith.remsi %add3A_304, %rem3A_305 : i32
        %dma_start3A_307 = arith.constant 0 : i32
        %dma_start3A_308 = arith.constant 0 : i32
        %dma_start3A_309 = tpu.memref_slice %arg10[%rem3A_306, %dma_start3A_307, %dma_start3A_308] : memref<4x80x64xf32, #tpu.memory_space<vmem>> -> memref<1x80x64xf32, #tpu.memory_space<vmem>>
        %dma_start3A_310 = tpu.memref_squeeze %dma_start3A_309 : memref<1x80x64xf32, #tpu.memory_space<vmem>> -> memref<80x64xf32, #tpu.memory_space<vmem>>
        %dma_start3A_311 = arith.constant 0 : i32
        %dma_start3A_312 = tpu.memref_slice %arg8[%add3A_302, %dma_start3A_311] : memref<126x80xi32, #tpu.memory_space<vmem>> -> memref<1x80xi32, #tpu.memory_space<vmem>>
        %dma_start3A_313 = tpu.memref_squeeze %dma_start3A_312 : memref<1x80xi32, #tpu.memory_space<vmem>> -> memref<80xi32, #tpu.memory_space<vmem>>
        %dma_start3A_314 = arith.constant 0 : i32
        %dma_start3A_315 = arith.constant 0 : i32
        %dma_start3A_316 = tpu.memref_slice %arg2[%dma_start3A_314, %dma_start3A_315] : memref<10000x64xf32, #tpu.memory_space<hbm>> -> memref<10000x64xf32, #tpu.memory_space<hbm>>
        tpu.enqueue_indirect_dma source(%dma_start3A_316 : memref<10000x64xf32, #tpu.memory_space<hbm>>) target(%dma_start3A_310 : memref<80x64xf32, #tpu.memory_space<vmem>>) offsets(%dma_start3A_313 : memref<80xi32, #tpu.memory_space<vmem>>) semaphore(%arg14 : memref<!tpu.dma_semaphore, #tpu.memory_space<semaphore_mem>>)
      } else {
      }
      "tpu.region"() ({
        %run_scoped3A = tpu.sem_alloc : memref<!tpu.dma_semaphore, #tpu.memory_space<semaphore_mem>>
        %dma_start3A_301 = arith.constant 0 : i32
        %dma_start3A_302 = arith.constant 0 : i32
        %dma_start3A_303 = tpu.memref_slice %arg10[%rem3A_283, %dma_start3A_301, %dma_start3A_302] : memref<4x80x64xf32, #tpu.memory_space<vmem>> -> memref<1x80x64xf32, #tpu.memory_space<vmem>>
        %dma_start3A_304 = tpu.memref_squeeze %dma_start3A_303 : memref<1x80x64xf32, #tpu.memory_space<vmem>> -> memref<80x64xf32, #tpu.memory_space<vmem>>
        %dma_start3A_305 = arith.constant 0 : i32
        %dma_start3A_306 = tpu.memref_slice %arg9[%add3A_281, %dma_start3A_305] : memref<126x80xi32, #tpu.memory_space<vmem>> -> memref<1x80xi32, #tpu.memory_space<vmem>>
        %dma_start3A_307 = tpu.memref_squeeze %dma_start3A_306 : memref<1x80xi32, #tpu.memory_space<vmem>> -> memref<80xi32, #tpu.memory_space<vmem>>
        %dma_start3A_308 = arith.constant 0 : i32
        %dma_start3A_309 = arith.constant 0 : i32
        %dma_start3A_310 = tpu.memref_slice %arg12[%dma_start3A_308, %dma_start3A_309] : memref<10240x64xf32, #tpu.memory_space<vmem_shared>> -> memref<10240x64xf32, #tpu.memory_space<vmem_shared>>
        tpu.enqueue_indirect_dma source(%dma_start3A_304 : memref<80x64xf32, #tpu.memory_space<vmem>>) target(%dma_start3A_310 : memref<10240x64xf32, #tpu.memory_space<vmem_shared>>) offsets(%dma_start3A_307 : memref<80xi32, #tpu.memory_space<vmem>>) semaphore(%run_scoped3A : memref<!tpu.dma_semaphore, #tpu.memory_space<semaphore_mem>>) {add = true}
        %dma_wait3A_311 = arith.constant 0 : i32
        %dma_wait3A_312 = arith.constant 0 : i32
        %dma_wait3A_313 = tpu.memref_slice %arg10[%rem3A_283, %dma_wait3A_311, %dma_wait3A_312] : memref<4x80x64xf32, #tpu.memory_space<vmem>> -> memref<1x80x64xf32, #tpu.memory_space<vmem>>
        %dma_wait3A_314 = tpu.memref_squeeze %dma_wait3A_313 : memref<1x80x64xf32, #tpu.memory_space<vmem>> -> memref<80x64xf32, #tpu.memory_space<vmem>>
        %dma_wait3A_315 = arith.constant 0 : i32
        %dma_wait3A_316 = tpu.memref_slice %arg9[%add3A_281, %dma_wait3A_315] : memref<126x80xi32, #tpu.memory_space<vmem>> -> memref<1x80xi32, #tpu.memory_space<vmem>>
        %dma_wait3A_317 = tpu.memref_squeeze %dma_wait3A_316 : memref<1x80xi32, #tpu.memory_space<vmem>> -> memref<80xi32, #tpu.memory_space<vmem>>
        %dma_wait3A_318 = arith.constant 0 : i32
        %dma_wait3A_319 = arith.constant 0 : i32
        %dma_wait3A_320 = tpu.memref_slice %arg12[%dma_wait3A_318, %dma_wait3A_319] : memref<10240x64xf32, #tpu.memory_space<vmem_shared>> -> memref<10240x64xf32, #tpu.memory_space<vmem_shared>>
        tpu.wait_indirect_dma semaphore(%run_scoped3A : memref<!tpu.dma_semaphore, #tpu.memory_space<semaphore_mem>>) src(%dma_wait3A_314 : memref<80x64xf32, #tpu.memory_space<vmem>>) dst(%dma_wait3A_320 : memref<10240x64xf32, #tpu.memory_space<vmem_shared>>)
        tpu.yield
      }) : () -> ()
    }
    %scan3A_55 = arith.constant 63 : i32
    %barrier3A_56 = arith.constant 0 : index
    tpu.barrier barrier_id(%barrier3A_56)
    %mul3A_57 = arith.constant 640 : i32
    %mul3A_58 = arith.muli %arg1, %mul3A_57 : i32
    %add3A_59 = arith.constant 0 : i32
    %add3A_60 = arith.addi %mul3A_58, %add3A_59 : i32
    "tpu.region"() ({
      %run_scoped3A = tpu.sem_alloc : memref<!tpu.dma_semaphore, #tpu.memory_space<semaphore_mem>>
      %dma_start3A_259 = arith.constant 0 : i32
      %dma_start3A_260 = tpu.memref_slice %arg12[%add3A_60, %dma_start3A_259] : memref<10240x64xf32, #tpu.memory_space<vmem_shared>> -> memref<128x64xf32, #tpu.memory_space<vmem_shared>>
      %dma_start3A_261 = arith.constant 0 : i32
      %dma_start3A_262 = tpu.memref_slice %arg12[%add3A_60, %dma_start3A_261] : memref<10240x64xf32, #tpu.memory_space<vmem_shared>> -> memref<128x64xf32, #tpu.memory_space<vmem_shared>>
      tpu.enqueue_dma source(%dma_start3A_262 : memref<128x64xf32, #tpu.memory_space<vmem_shared>>) target(%arg11 : memref<128x64xf32, #tpu.memory_space<vmem>>) target_semaphore(%run_scoped3A : memref<!tpu.dma_semaphore, #tpu.memory_space<semaphore_mem>>)
      %dma_wait3A = arith.constant 0 : i32
      %dma_wait3A_263 = tpu.memref_slice %arg12[%add3A_60, %dma_wait3A] : memref<10240x64xf32, #tpu.memory_space<vmem_shared>> -> memref<128x64xf32, #tpu.memory_space<vmem_shared>>
      %dma_wait3A_264 = arith.constant 0 : i32
      %dma_wait3A_265 = tpu.memref_slice %arg12[%add3A_60, %dma_wait3A_264] : memref<10240x64xf32, #tpu.memory_space<vmem_shared>> -> memref<128x64xf32, #tpu.memory_space<vmem_shared>>
      tpu.wait_dma2 semaphore(%run_scoped3A : memref<!tpu.dma_semaphore, #tpu.memory_space<semaphore_mem>>) src(%dma_wait3A_265 : memref<128x64xf32, #tpu.memory_space<vmem_shared>>) dst(%arg11 : memref<128x64xf32, #tpu.memory_space<vmem>>)
      tpu.yield
    }) : () -> ()
    %mul3A_61 = arith.constant 10240 : i32
    %mul3A_62 = arith.muli %arg0, %mul3A_61 : i32
    %mul3A_63 = arith.constant 640 : i32
    %mul3A_64 = arith.muli %arg1, %mul3A_63 : i32
    %add3A_65 = arith.addi %mul3A_62, %mul3A_64 : i32
    %add3A_66 = arith.constant 0 : i32
    %add3A_67 = arith.addi %add3A_65, %add3A_66 : i32
    "tpu.region"() ({
      %run_scoped3A = tpu.sem_alloc : memref<!tpu.dma_semaphore, #tpu.memory_space<semaphore_mem>>
      %dma_start3A_259 = arith.constant 0 : i32
      %dma_start3A_260 = tpu.memref_slice %arg6[%add3A_67, %dma_start3A_259] : memref<20480x64xf32, #tpu.memory_space<hbm>> -> memref<128x64xf32, #tpu.memory_space<hbm>>
      %dma_start3A_261 = arith.constant 0 : i32
      %dma_start3A_262 = tpu.memref_slice %arg6[%add3A_67, %dma_start3A_261] : memref<20480x64xf32, #tpu.memory_space<hbm>> -> memref<128x64xf32, #tpu.memory_space<hbm>>
      tpu.enqueue_dma source(%arg11 : memref<128x64xf32, #tpu.memory_space<vmem>>) target(%dma_start3A_262 : memref<128x64xf32, #tpu.memory_space<hbm>>) target_semaphore(%run_scoped3A : memref<!tpu.dma_semaphore, #tpu.memory_space<semaphore_mem>>)
      %dma_wait3A = arith.constant 0 : i32
      %dma_wait3A_263 = tpu.memref_slice %arg6[%add3A_67, %dma_wait3A] : memref<20480x64xf32, #tpu.memory_space<hbm>> -> memref<128x64xf32, #tpu.memory_space<hbm>>
      %dma_wait3A_264 = arith.constant 0 : i32
      %dma_wait3A_265 = tpu.memref_slice %arg6[%add3A_67, %dma_wait3A_264] : memref<20480x64xf32, #tpu.memory_space<hbm>> -> memref<128x64xf32, #tpu.memory_space<hbm>>
      tpu.wait_dma2 semaphore(%run_scoped3A : memref<!tpu.dma_semaphore, #tpu.memory_space<semaphore_mem>>) src(%arg11 : memref<128x64xf32, #tpu.memory_space<vmem>>) dst(%dma_wait3A_265 : memref<128x64xf32, #tpu.memory_space<hbm>>)
      tpu.yield
    }) : () -> ()
    %broadcast_in_dim3A_68 = arith.constant 0.000000e+00 : f32
    %broadcast_in_dim3A_69 = vector.broadcast %broadcast_in_dim3A_68 : f32 to vector<16xf32>
    %scan3A_70 = arith.constant 0 : i32
    %scan3A_71 = arith.constant 0 : i32
    %scan3A_72 = arith.constant 128 : i32
    %scan3A_73 = arith.addi %scan3A_71, %scan3A_72 : i32
    %scan3A_74 = arith.constant 1 : i32
    scf.for %scan3A_259 = %scan3A_71 to %scan3A_73 step %scan3A_74  : i32 {
      %scan3A_260 = arith.constant 0 : i32
      %scan3A_261 = arith.constant 4 : i32
      %scan3A_262 = arith.addi %scan3A_260, %scan3A_261 : i32
      %scan3A_263 = arith.constant 1 : i32
      scf.for %scan3A_265 = %scan3A_260 to %scan3A_262 step %scan3A_263  : i32 {
        %mul3A_266 = arith.constant 16 : i32
        %mul3A_267 = arith.muli %scan3A_265, %mul3A_266 : i32
        %swap3A = arith.index_cast %scan3A_259 : i32 to index
        %swap3A_268 = arith.index_cast %mul3A_267 : i32 to index
        %swap3A_269 = tpu.vector_load %arg11[%swap3A, %swap3A_268] {strides = array<i32>} : memref<128x64xf32, #tpu.memory_space<vmem>>, vector<1x16xf32>,
        %swap3A_270 = vector.shape_cast %swap3A_269 : vector<1x16xf32> to vector<16xf32>
        %swap3A_271 = vector.shape_cast %broadcast_in_dim3A_69 : vector<16xf32> to vector<1x16xf32>
        tpu.vector_store %arg11[%swap3A, %swap3A_268], %swap3A_271 {strides = array<i32>} : memref<128x64xf32, #tpu.memory_space<vmem>>, vector<1x16xf32>,
      }
      %scan3A_264 = arith.constant 4 : i32
    }
    %scan3A_75 = arith.constant 128 : i32
    %mul3A_76 = arith.constant 640 : i32
    %mul3A_77 = arith.muli %arg1, %mul3A_76 : i32
    %add3A_78 = arith.constant 0 : i32
    %add3A_79 = arith.addi %mul3A_77, %add3A_78 : i32
    "tpu.region"() ({
      %run_scoped3A = tpu.sem_alloc : memref<!tpu.dma_semaphore, #tpu.memory_space<semaphore_mem>>
      %dma_start3A_259 = arith.constant 0 : i32
      %dma_start3A_260 = tpu.memref_slice %arg12[%add3A_79, %dma_start3A_259] : memref<10240x64xf32, #tpu.memory_space<vmem_shared>> -> memref<128x64xf32, #tpu.memory_space<vmem_shared>>
      %dma_start3A_261 = arith.constant 0 : i32
      %dma_start3A_262 = tpu.memref_slice %arg12[%add3A_79, %dma_start3A_261] : memref<10240x64xf32, #tpu.memory_space<vmem_shared>> -> memref<128x64xf32, #tpu.memory_space<vmem_shared>>
      tpu.enqueue_dma source(%arg11 : memref<128x64xf32, #tpu.memory_space<vmem>>) target(%dma_start3A_262 : memref<128x64xf32, #tpu.memory_space<vmem_shared>>) target_semaphore(%run_scoped3A : memref<!tpu.dma_semaphore, #tpu.memory_space<semaphore_mem>>)
      %dma_wait3A = arith.constant 0 : i32
      %dma_wait3A_263 = tpu.memref_slice %arg12[%add3A_79, %dma_wait3A] : memref<10240x64xf32, #tpu.memory_space<vmem_shared>> -> memref<128x64xf32, #tpu.memory_space<vmem_shared>>
      %dma_wait3A_264 = arith.constant 0 : i32
      %dma_wait3A_265 = tpu.memref_slice %arg12[%add3A_79, %dma_wait3A_264] : memref<10240x64xf32, #tpu.memory_space<vmem_shared>> -> memref<128x64xf32, #tpu.memory_space<vmem_shared>>
      tpu.wait_dma2 semaphore(%run_scoped3A : memref<!tpu.dma_semaphore, #tpu.memory_space<semaphore_mem>>) src(%arg11 : memref<128x64xf32, #tpu.memory_space<vmem>>) dst(%dma_wait3A_265 : memref<128x64xf32, #tpu.memory_space<vmem_shared>>)
      tpu.yield
    }) : () -> ()
    %mul3A_80 = arith.constant 640 : i32
    %mul3A_81 = arith.muli %arg1, %mul3A_80 : i32
    %add3A_82 = arith.constant 128 : i32
    %add3A_83 = arith.addi %mul3A_81, %add3A_82 : i32
    "tpu.region"() ({
      %run_scoped3A = tpu.sem_alloc : memref<!tpu.dma_semaphore, #tpu.memory_space<semaphore_mem>>
      %dma_start3A_259 = arith.constant 0 : i32
      %dma_start3A_260 = tpu.memref_slice %arg12[%add3A_83, %dma_start3A_259] : memref<10240x64xf32, #tpu.memory_space<vmem_shared>> -> memref<128x64xf32, #tpu.memory_space<vmem_shared>>
      %dma_start3A_261 = arith.constant 0 : i32
      %dma_start3A_262 = tpu.memref_slice %arg12[%add3A_83, %dma_start3A_261] : memref<10240x64xf32, #tpu.memory_space<vmem_shared>> -> memref<128x64xf32, #tpu.memory_space<vmem_shared>>
      tpu.enqueue_dma source(%dma_start3A_262 : memref<128x64xf32, #tpu.memory_space<vmem_shared>>) target(%arg11 : memref<128x64xf32, #tpu.memory_space<vmem>>) target_semaphore(%run_scoped3A : memref<!tpu.dma_semaphore, #tpu.memory_space<semaphore_mem>>)
      %dma_wait3A = arith.constant 0 : i32
      %dma_wait3A_263 = tpu.memref_slice %arg12[%add3A_83, %dma_wait3A] : memref<10240x64xf32, #tpu.memory_space<vmem_shared>> -> memref<128x64xf32, #tpu.memory_space<vmem_shared>>
      %dma_wait3A_264 = arith.constant 0 : i32
      %dma_wait3A_265 = tpu.memref_slice %arg12[%add3A_83, %dma_wait3A_264] : memref<10240x64xf32, #tpu.memory_space<vmem_shared>> -> memref<128x64xf32, #tpu.memory_space<vmem_shared>>
      tpu.wait_dma2 semaphore(%run_scoped3A : memref<!tpu.dma_semaphore, #tpu.memory_space<semaphore_mem>>) src(%dma_wait3A_265 : memref<128x64xf32, #tpu.memory_space<vmem_shared>>) dst(%arg11 : memref<128x64xf32, #tpu.memory_space<vmem>>)
      tpu.yield
    }) : () -> ()
    %mul3A_84 = arith.constant 10240 : i32
    %mul3A_85 = arith.muli %arg0, %mul3A_84 : i32
    %mul3A_86 = arith.constant 640 : i32
    %mul3A_87 = arith.muli %arg1, %mul3A_86 : i32
    %add3A_88 = arith.addi %mul3A_85, %mul3A_87 : i32
    %add3A_89 = arith.constant 128 : i32
    %add3A_90 = arith.addi %add3A_88, %add3A_89 : i32
    "tpu.region"() ({
      %run_scoped3A = tpu.sem_alloc : memref<!tpu.dma_semaphore, #tpu.memory_space<semaphore_mem>>
      %dma_start3A_259 = arith.constant 0 : i32
      %dma_start3A_260 = tpu.memref_slice %arg6[%add3A_90, %dma_start3A_259] : memref<20480x64xf32, #tpu.memory_space<hbm>> -> memref<128x64xf32, #tpu.memory_space<hbm>>
      %dma_start3A_261 = arith.constant 0 : i32
      %dma_start3A_262 = tpu.memref_slice %arg6[%add3A_90, %dma_start3A_261] : memref<20480x64xf32, #tpu.memory_space<hbm>> -> memref<128x64xf32, #tpu.memory_space<hbm>>
      tpu.enqueue_dma source(%arg11 : memref<128x64xf32, #tpu.memory_space<vmem>>) target(%dma_start3A_262 : memref<128x64xf32, #tpu.memory_space<hbm>>) target_semaphore(%run_scoped3A : memref<!tpu.dma_semaphore, #tpu.memory_space<semaphore_mem>>)
      %dma_wait3A = arith.constant 0 : i32
      %dma_wait3A_263 = tpu.memref_slice %arg6[%add3A_90, %dma_wait3A] : memref<20480x64xf32, #tpu.memory_space<hbm>> -> memref<128x64xf32, #tpu.memory_space<hbm>>
      %dma_wait3A_264 = arith.constant 0 : i32
      %dma_wait3A_265 = tpu.memref_slice %arg6[%add3A_90, %dma_wait3A_264] : memref<20480x64xf32, #tpu.memory_space<hbm>> -> memref<128x64xf32, #tpu.memory_space<hbm>>
      tpu.wait_dma2 semaphore(%run_scoped3A : memref<!tpu.dma_semaphore, #tpu.memory_space<semaphore_mem>>) src(%arg11 : memref<128x64xf32, #tpu.memory_space<vmem>>) dst(%dma_wait3A_265 : memref<128x64xf32, #tpu.memory_space<hbm>>)
      tpu.yield
    }) : () -> ()
    %broadcast_in_dim3A_91 = arith.constant 0.000000e+00 : f32
    %broadcast_in_dim3A_92 = vector.broadcast %broadcast_in_dim3A_91 : f32 to vector<16xf32>
    %scan3A_93 = arith.constant 0 : i32
    %scan3A_94 = arith.constant 0 : i32
    %scan3A_95 = arith.constant 128 : i32
    %scan3A_96 = arith.addi %scan3A_94, %scan3A_95 : i32
    %scan3A_97 = arith.constant 1 : i32
    scf.for %scan3A_259 = %scan3A_94 to %scan3A_96 step %scan3A_97  : i32 {
      %scan3A_260 = arith.constant 0 : i32
      %scan3A_261 = arith.constant 4 : i32
      %scan3A_262 = arith.addi %scan3A_260, %scan3A_261 : i32
      %scan3A_263 = arith.constant 1 : i32
      scf.for %scan3A_265 = %scan3A_260 to %scan3A_262 step %scan3A_263  : i32 {
        %mul3A_266 = arith.constant 16 : i32
        %mul3A_267 = arith.muli %scan3A_265, %mul3A_266 : i32
        %swap3A = arith.index_cast %scan3A_259 : i32 to index
        %swap3A_268 = arith.index_cast %mul3A_267 : i32 to index
        %swap3A_269 = tpu.vector_load %arg11[%swap3A, %swap3A_268] {strides = array<i32>} : memref<128x64xf32, #tpu.memory_space<vmem>>, vector<1x16xf32>,
        %swap3A_270 = vector.shape_cast %swap3A_269 : vector<1x16xf32> to vector<16xf32>
        %swap3A_271 = vector.shape_cast %broadcast_in_dim3A_92 : vector<16xf32> to vector<1x16xf32>
        tpu.vector_store %arg11[%swap3A, %swap3A_268], %swap3A_271 {strides = array<i32>} : memref<128x64xf32, #tpu.memory_space<vmem>>, vector<1x16xf32>,
      }
      %scan3A_264 = arith.constant 4 : i32
    }
    %scan3A_98 = arith.constant 128 : i32
    %mul3A_99 = arith.constant 640 : i32
    %mul3A_100 = arith.muli %arg1, %mul3A_99 : i32
    %add3A_101 = arith.constant 128 : i32
    %add3A_102 = arith.addi %mul3A_100, %add3A_101 : i32
    "tpu.region"() ({
      %run_scoped3A = tpu.sem_alloc : memref<!tpu.dma_semaphore, #tpu.memory_space<semaphore_mem>>
      %dma_start3A_259 = arith.constant 0 : i32
      %dma_start3A_260 = tpu.memref_slice %arg12[%add3A_102, %dma_start3A_259] : memref<10240x64xf32, #tpu.memory_space<vmem_shared>> -> memref<128x64xf32, #tpu.memory_space<vmem_shared>>
      %dma_start3A_261 = arith.constant 0 : i32
      %dma_start3A_262 = tpu.memref_slice %arg12[%add3A_102, %dma_start3A_261] : memref<10240x64xf32, #tpu.memory_space<vmem_shared>> -> memref<128x64xf32, #tpu.memory_space<vmem_shared>>
      tpu.enqueue_dma source(%arg11 : memref<128x64xf32, #tpu.memory_space<vmem>>) target(%dma_start3A_262 : memref<128x64xf32, #tpu.memory_space<vmem_shared>>) target_semaphore(%run_scoped3A : memref<!tpu.dma_semaphore, #tpu.memory_space<semaphore_mem>>)
      %dma_wait3A = arith.constant 0 : i32
      %dma_wait3A_263 = tpu.memref_slice %arg12[%add3A_102, %dma_wait3A] : memref<10240x64xf32, #tpu.memory_space<vmem_shared>> -> memref<128x64xf32, #tpu.memory_space<vmem_shared>>
      %dma_wait3A_264 = arith.constant 0 : i32
      %dma_wait3A_265 = tpu.memref_slice %arg12[%add3A_102, %dma_wait3A_264] : memref<10240x64xf32, #tpu.memory_space<vmem_shared>> -> memref<128x64xf32, #tpu.memory_space<vmem_shared>>
      tpu.wait_dma2 semaphore(%run_scoped3A : memref<!tpu.dma_semaphore, #tpu.memory_space<semaphore_mem>>) src(%arg11 : memref<128x64xf32, #tpu.memory_space<vmem>>) dst(%dma_wait3A_265 : memref<128x64xf32, #tpu.memory_space<vmem_shared>>)
      tpu.yield
    }) : () -> ()
    %mul3A_103 = arith.constant 640 : i32
    %mul3A_104 = arith.muli %arg1, %mul3A_103 : i32
    %add3A_105 = arith.constant 256 : i32
    %add3A_106 = arith.addi %mul3A_104, %add3A_105 : i32
    "tpu.region"() ({
      %run_scoped3A = tpu.sem_alloc : memref<!tpu.dma_semaphore, #tpu.memory_space<semaphore_mem>>
      %dma_start3A_259 = arith.constant 0 : i32
      %dma_start3A_260 = tpu.memref_slice %arg12[%add3A_106, %dma_start3A_259] : memref<10240x64xf32, #tpu.memory_space<vmem_shared>> -> memref<128x64xf32, #tpu.memory_space<vmem_shared>>
      %dma_start3A_261 = arith.constant 0 : i32
      %dma_start3A_262 = tpu.memref_slice %arg12[%add3A_106, %dma_start3A_261] : memref<10240x64xf32, #tpu.memory_space<vmem_shared>> -> memref<128x64xf32, #tpu.memory_space<vmem_shared>>
      tpu.enqueue_dma source(%dma_start3A_262 : memref<128x64xf32, #tpu.memory_space<vmem_shared>>) target(%arg11 : memref<128x64xf32, #tpu.memory_space<vmem>>) target_semaphore(%run_scoped3A : memref<!tpu.dma_semaphore, #tpu.memory_space<semaphore_mem>>)
      %dma_wait3A = arith.constant 0 : i32
      %dma_wait3A_263 = tpu.memref_slice %arg12[%add3A_106, %dma_wait3A] : memref<10240x64xf32, #tpu.memory_space<vmem_shared>> -> memref<128x64xf32, #tpu.memory_space<vmem_shared>>
      %dma_wait3A_264 = arith.constant 0 : i32
      %dma_wait3A_265 = tpu.memref_slice %arg12[%add3A_106, %dma_wait3A_264] : memref<10240x64xf32, #tpu.memory_space<vmem_shared>> -> memref<128x64xf32, #tpu.memory_space<vmem_shared>>
      tpu.wait_dma2 semaphore(%run_scoped3A : memref<!tpu.dma_semaphore, #tpu.memory_space<semaphore_mem>>) src(%dma_wait3A_265 : memref<128x64xf32, #tpu.memory_space<vmem_shared>>) dst(%arg11 : memref<128x64xf32, #tpu.memory_space<vmem>>)
      tpu.yield
    }) : () -> ()
    %mul3A_107 = arith.constant 10240 : i32
    %mul3A_108 = arith.muli %arg0, %mul3A_107 : i32
    %mul3A_109 = arith.constant 640 : i32
    %mul3A_110 = arith.muli %arg1, %mul3A_109 : i32
    %add3A_111 = arith.addi %mul3A_108, %mul3A_110 : i32
    %add3A_112 = arith.constant 256 : i32
    %add3A_113 = arith.addi %add3A_111, %add3A_112 : i32
    "tpu.region"() ({
      %run_scoped3A = tpu.sem_alloc : memref<!tpu.dma_semaphore, #tpu.memory_space<semaphore_mem>>
      %dma_start3A_259 = arith.constant 0 : i32
      %dma_start3A_260 = tpu.memref_slice %arg6[%add3A_113, %dma_start3A_259] : memref<20480x64xf32, #tpu.memory_space<hbm>> -> memref<128x64xf32, #tpu.memory_space<hbm>>
      %dma_start3A_261 = arith.constant 0 : i32
      %dma_start3A_262 = tpu.memref_slice %arg6[%add3A_113, %dma_start3A_261] : memref<20480x64xf32, #tpu.memory_space<hbm>> -> memref<128x64xf32, #tpu.memory_space<hbm>>
      tpu.enqueue_dma source(%arg11 : memref<128x64xf32, #tpu.memory_space<vmem>>) target(%dma_start3A_262 : memref<128x64xf32, #tpu.memory_space<hbm>>) target_semaphore(%run_scoped3A : memref<!tpu.dma_semaphore, #tpu.memory_space<semaphore_mem>>)
      %dma_wait3A = arith.constant 0 : i32
      %dma_wait3A_263 = tpu.memref_slice %arg6[%add3A_113, %dma_wait3A] : memref<20480x64xf32, #tpu.memory_space<hbm>> -> memref<128x64xf32, #tpu.memory_space<hbm>>
      %dma_wait3A_264 = arith.constant 0 : i32
      %dma_wait3A_265 = tpu.memref_slice %arg6[%add3A_113, %dma_wait3A_264] : memref<20480x64xf32, #tpu.memory_space<hbm>> -> memref<128x64xf32, #tpu.memory_space<hbm>>
      tpu.wait_dma2 semaphore(%run_scoped3A : memref<!tpu.dma_semaphore, #tpu.memory_space<semaphore_mem>>) src(%arg11 : memref<128x64xf32, #tpu.memory_space<vmem>>) dst(%dma_wait3A_265 : memref<128x64xf32, #tpu.memory_space<hbm>>)
      tpu.yield
    }) : () -> ()
    %broadcast_in_dim3A_114 = arith.constant 0.000000e+00 : f32
    %broadcast_in_dim3A_115 = vector.broadcast %broadcast_in_dim3A_114 : f32 to vector<16xf32>
    %scan3A_116 = arith.constant 0 : i32
    %scan3A_117 = arith.constant 0 : i32
    %scan3A_118 = arith.constant 128 : i32
    %scan3A_119 = arith.addi %scan3A_117, %scan3A_118 : i32
    %scan3A_120 = arith.constant 1 : i32
    scf.for %scan3A_259 = %scan3A_117 to %scan3A_119 step %scan3A_120  : i32 {
      %scan3A_260 = arith.constant 0 : i32
      %scan3A_261 = arith.constant 4 : i32
      %scan3A_262 = arith.addi %scan3A_260, %scan3A_261 : i32
      %scan3A_263 = arith.constant 1 : i32
      scf.for %scan3A_265 = %scan3A_260 to %scan3A_262 step %scan3A_263  : i32 {
        %mul3A_266 = arith.constant 16 : i32
        %mul3A_267 = arith.muli %scan3A_265, %mul3A_266 : i32
        %swap3A = arith.index_cast %scan3A_259 : i32 to index
        %swap3A_268 = arith.index_cast %mul3A_267 : i32 to index
        %swap3A_269 = tpu.vector_load %arg11[%swap3A, %swap3A_268] {strides = array<i32>} : memref<128x64xf32, #tpu.memory_space<vmem>>, vector<1x16xf32>,
        %swap3A_270 = vector.shape_cast %swap3A_269 : vector<1x16xf32> to vector<16xf32>
        %swap3A_271 = vector.shape_cast %broadcast_in_dim3A_115 : vector<16xf32> to vector<1x16xf32>
        tpu.vector_store %arg11[%swap3A, %swap3A_268], %swap3A_271 {strides = array<i32>} : memref<128x64xf32, #tpu.memory_space<vmem>>, vector<1x16xf32>,
      }
      %scan3A_264 = arith.constant 4 : i32
    }
    %scan3A_121 = arith.constant 128 : i32
    %mul3A_122 = arith.constant 640 : i32
    %mul3A_123 = arith.muli %arg1, %mul3A_122 : i32
    %add3A_124 = arith.constant 256 : i32
    %add3A_125 = arith.addi %mul3A_123, %add3A_124 : i32
    "tpu.region"() ({
      %run_scoped3A = tpu.sem_alloc : memref<!tpu.dma_semaphore, #tpu.memory_space<semaphore_mem>>
      %dma_start3A_259 = arith.constant 0 : i32
      %dma_start3A_260 = tpu.memref_slice %arg12[%add3A_125, %dma_start3A_259] : memref<10240x64xf32, #tpu.memory_space<vmem_shared>> -> memref<128x64xf32, #tpu.memory_space<vmem_shared>>
      %dma_start3A_261 = arith.constant 0 : i32
      %dma_start3A_262 = tpu.memref_slice %arg12[%add3A_125, %dma_start3A_261] : memref<10240x64xf32, #tpu.memory_space<vmem_shared>> -> memref<128x64xf32, #tpu.memory_space<vmem_shared>>
      tpu.enqueue_dma source(%arg11 : memref<128x64xf32, #tpu.memory_space<vmem>>) target(%dma_start3A_262 : memref<128x64xf32, #tpu.memory_space<vmem_shared>>) target_semaphore(%run_scoped3A : memref<!tpu.dma_semaphore, #tpu.memory_space<semaphore_mem>>)
      %dma_wait3A = arith.constant 0 : i32
      %dma_wait3A_263 = tpu.memref_slice %arg12[%add3A_125, %dma_wait3A] : memref<10240x64xf32, #tpu.memory_space<vmem_shared>> -> memref<128x64xf32, #tpu.memory_space<vmem_shared>>
      %dma_wait3A_264 = arith.constant 0 : i32
      %dma_wait3A_265 = tpu.memref_slice %arg12[%add3A_125, %dma_wait3A_264] : memref<10240x64xf32, #tpu.memory_space<vmem_shared>> -> memref<128x64xf32, #tpu.memory_space<vmem_shared>>
      tpu.wait_dma2 semaphore(%run_scoped3A : memref<!tpu.dma_semaphore, #tpu.memory_space<semaphore_mem>>) src(%arg11 : memref<128x64xf32, #tpu.memory_space<vmem>>) dst(%dma_wait3A_265 : memref<128x64xf32, #tpu.memory_space<vmem_shared>>)
      tpu.yield
    }) : () -> ()
    %mul3A_126 = arith.constant 640 : i32
    %mul3A_127 = arith.muli %arg1, %mul3A_126 : i32
    %add3A_128 = arith.constant 384 : i32
    %add3A_129 = arith.addi %mul3A_127, %add3A_128 : i32
    "tpu.region"() ({
      %run_scoped3A = tpu.sem_alloc : memref<!tpu.dma_semaphore, #tpu.memory_space<semaphore_mem>>
      %dma_start3A_259 = arith.constant 0 : i32
      %dma_start3A_260 = tpu.memref_slice %arg12[%add3A_129, %dma_start3A_259] : memref<10240x64xf32, #tpu.memory_space<vmem_shared>> -> memref<128x64xf32, #tpu.memory_space<vmem_shared>>
      %dma_start3A_261 = arith.constant 0 : i32
      %dma_start3A_262 = tpu.memref_slice %arg12[%add3A_129, %dma_start3A_261] : memref<10240x64xf32, #tpu.memory_space<vmem_shared>> -> memref<128x64xf32, #tpu.memory_space<vmem_shared>>
      tpu.enqueue_dma source(%dma_start3A_262 : memref<128x64xf32, #tpu.memory_space<vmem_shared>>) target(%arg11 : memref<128x64xf32, #tpu.memory_space<vmem>>) target_semaphore(%run_scoped3A : memref<!tpu.dma_semaphore, #tpu.memory_space<semaphore_mem>>)
      %dma_wait3A = arith.constant 0 : i32
      %dma_wait3A_263 = tpu.memref_slice %arg12[%add3A_129, %dma_wait3A] : memref<10240x64xf32, #tpu.memory_space<vmem_shared>> -> memref<128x64xf32, #tpu.memory_space<vmem_shared>>
      %dma_wait3A_264 = arith.constant 0 : i32
      %dma_wait3A_265 = tpu.memref_slice %arg12[%add3A_129, %dma_wait3A_264] : memref<10240x64xf32, #tpu.memory_space<vmem_shared>> -> memref<128x64xf32, #tpu.memory_space<vmem_shared>>
      tpu.wait_dma2 semaphore(%run_scoped3A : memref<!tpu.dma_semaphore, #tpu.memory_space<semaphore_mem>>) src(%dma_wait3A_265 : memref<128x64xf32, #tpu.memory_space<vmem_shared>>) dst(%arg11 : memref<128x64xf32, #tpu.memory_space<vmem>>)
      tpu.yield
    }) : () -> ()
    %mul3A_130 = arith.constant 10240 : i32
    %mul3A_131 = arith.muli %arg0, %mul3A_130 : i32
    %mul3A_132 = arith.constant 640 : i32
    %mul3A_133 = arith.muli %arg1, %mul3A_132 : i32
    %add3A_134 = arith.addi %mul3A_131, %mul3A_133 : i32
    %add3A_135 = arith.constant 384 : i32
    %add3A_136 = arith.addi %add3A_134, %add3A_135 : i32
    "tpu.region"() ({
      %run_scoped3A = tpu.sem_alloc : memref<!tpu.dma_semaphore, #tpu.memory_space<semaphore_mem>>
      %dma_start3A_259 = arith.constant 0 : i32
      %dma_start3A_260 = tpu.memref_slice %arg6[%add3A_136, %dma_start3A_259] : memref<20480x64xf32, #tpu.memory_space<hbm>> -> memref<128x64xf32, #tpu.memory_space<hbm>>
      %dma_start3A_261 = arith.constant 0 : i32
      %dma_start3A_262 = tpu.memref_slice %arg6[%add3A_136, %dma_start3A_261] : memref<20480x64xf32, #tpu.memory_space<hbm>> -> memref<128x64xf32, #tpu.memory_space<hbm>>
      tpu.enqueue_dma source(%arg11 : memref<128x64xf32, #tpu.memory_space<vmem>>) target(%dma_start3A_262 : memref<128x64xf32, #tpu.memory_space<hbm>>) target_semaphore(%run_scoped3A : memref<!tpu.dma_semaphore, #tpu.memory_space<semaphore_mem>>)
      %dma_wait3A = arith.constant 0 : i32
      %dma_wait3A_263 = tpu.memref_slice %arg6[%add3A_136, %dma_wait3A] : memref<20480x64xf32, #tpu.memory_space<hbm>> -> memref<128x64xf32, #tpu.memory_space<hbm>>
      %dma_wait3A_264 = arith.constant 0 : i32
      %dma_wait3A_265 = tpu.memref_slice %arg6[%add3A_136, %dma_wait3A_264] : memref<20480x64xf32, #tpu.memory_space<hbm>> -> memref<128x64xf32, #tpu.memory_space<hbm>>
      tpu.wait_dma2 semaphore(%run_scoped3A : memref<!tpu.dma_semaphore, #tpu.memory_space<semaphore_mem>>) src(%arg11 : memref<128x64xf32, #tpu.memory_space<vmem>>) dst(%dma_wait3A_265 : memref<128x64xf32, #tpu.memory_space<hbm>>)
      tpu.yield
    }) : () -> ()
    %broadcast_in_dim3A_137 = arith.constant 0.000000e+00 : f32
    %broadcast_in_dim3A_138 = vector.broadcast %broadcast_in_dim3A_137 : f32 to vector<16xf32>
    %scan3A_139 = arith.constant 0 : i32
    %scan3A_140 = arith.constant 0 : i32
    %scan3A_141 = arith.constant 128 : i32
    %scan3A_142 = arith.addi %scan3A_140, %scan3A_141 : i32
    %scan3A_143 = arith.constant 1 : i32
    scf.for %scan3A_259 = %scan3A_140 to %scan3A_142 step %scan3A_143  : i32 {
      %scan3A_260 = arith.constant 0 : i32
      %scan3A_261 = arith.constant 4 : i32
      %scan3A_262 = arith.addi %scan3A_260, %scan3A_261 : i32
      %scan3A_263 = arith.constant 1 : i32
      scf.for %scan3A_265 = %scan3A_260 to %scan3A_262 step %scan3A_263  : i32 {
        %mul3A_266 = arith.constant 16 : i32
        %mul3A_267 = arith.muli %scan3A_265, %mul3A_266 : i32
        %swap3A = arith.index_cast %scan3A_259 : i32 to index
        %swap3A_268 = arith.index_cast %mul3A_267 : i32 to index
        %swap3A_269 = tpu.vector_load %arg11[%swap3A, %swap3A_268] {strides = array<i32>} : memref<128x64xf32, #tpu.memory_space<vmem>>, vector<1x16xf32>,
        %swap3A_270 = vector.shape_cast %swap3A_269 : vector<1x16xf32> to vector<16xf32>
        %swap3A_271 = vector.shape_cast %broadcast_in_dim3A_138 : vector<16xf32> to vector<1x16xf32>
        tpu.vector_store %arg11[%swap3A, %swap3A_268], %swap3A_271 {strides = array<i32>} : memref<128x64xf32, #tpu.memory_space<vmem>>, vector<1x16xf32>,
      }
      %scan3A_264 = arith.constant 4 : i32
    }
    %scan3A_144 = arith.constant 128 : i32
    %mul3A_145 = arith.constant 640 : i32
    %mul3A_146 = arith.muli %arg1, %mul3A_145 : i32
    %add3A_147 = arith.constant 384 : i32
    %add3A_148 = arith.addi %mul3A_146, %add3A_147 : i32
    "tpu.region"() ({
      %run_scoped3A = tpu.sem_alloc : memref<!tpu.dma_semaphore, #tpu.memory_space<semaphore_mem>>
      %dma_start3A_259 = arith.constant 0 : i32
      %dma_start3A_260 = tpu.memref_slice %arg12[%add3A_148, %dma_start3A_259] : memref<10240x64xf32, #tpu.memory_space<vmem_shared>> -> memref<128x64xf32, #tpu.memory_space<vmem_shared>>
      %dma_start3A_261 = arith.constant 0 : i32
      %dma_start3A_262 = tpu.memref_slice %arg12[%add3A_148, %dma_start3A_261] : memref<10240x64xf32, #tpu.memory_space<vmem_shared>> -> memref<128x64xf32, #tpu.memory_space<vmem_shared>>
      tpu.enqueue_dma source(%arg11 : memref<128x64xf32, #tpu.memory_space<vmem>>) target(%dma_start3A_262 : memref<128x64xf32, #tpu.memory_space<vmem_shared>>) target_semaphore(%run_scoped3A : memref<!tpu.dma_semaphore, #tpu.memory_space<semaphore_mem>>)
      %dma_wait3A = arith.constant 0 : i32
      %dma_wait3A_263 = tpu.memref_slice %arg12[%add3A_148, %dma_wait3A] : memref<10240x64xf32, #tpu.memory_space<vmem_shared>> -> memref<128x64xf32, #tpu.memory_space<vmem_shared>>
      %dma_wait3A_264 = arith.constant 0 : i32
      %dma_wait3A_265 = tpu.memref_slice %arg12[%add3A_148, %dma_wait3A_264] : memref<10240x64xf32, #tpu.memory_space<vmem_shared>> -> memref<128x64xf32, #tpu.memory_space<vmem_shared>>
      tpu.wait_dma2 semaphore(%run_scoped3A : memref<!tpu.dma_semaphore, #tpu.memory_space<semaphore_mem>>) src(%arg11 : memref<128x64xf32, #tpu.memory_space<vmem>>) dst(%dma_wait3A_265 : memref<128x64xf32, #tpu.memory_space<vmem_shared>>)
      tpu.yield
    }) : () -> ()
    %mul3A_149 = arith.constant 640 : i32
    %mul3A_150 = arith.muli %arg1, %mul3A_149 : i32
    %add3A_151 = arith.constant 512 : i32
    %add3A_152 = arith.addi %mul3A_150, %add3A_151 : i32
    "tpu.region"() ({
      %run_scoped3A = tpu.sem_alloc : memref<!tpu.dma_semaphore, #tpu.memory_space<semaphore_mem>>
      %dma_start3A_259 = arith.constant 0 : i32
      %dma_start3A_260 = tpu.memref_slice %arg12[%add3A_152, %dma_start3A_259] : memref<10240x64xf32, #tpu.memory_space<vmem_shared>> -> memref<128x64xf32, #tpu.memory_space<vmem_shared>>
      %dma_start3A_261 = arith.constant 0 : i32
      %dma_start3A_262 = tpu.memref_slice %arg12[%add3A_152, %dma_start3A_261] : memref<10240x64xf32, #tpu.memory_space<vmem_shared>> -> memref<128x64xf32, #tpu.memory_space<vmem_shared>>
      tpu.enqueue_dma source(%dma_start3A_262 : memref<128x64xf32, #tpu.memory_space<vmem_shared>>) target(%arg11 : memref<128x64xf32, #tpu.memory_space<vmem>>) target_semaphore(%run_scoped3A : memref<!tpu.dma_semaphore, #tpu.memory_space<semaphore_mem>>)
      %dma_wait3A = arith.constant 0 : i32
      %dma_wait3A_263 = tpu.memref_slice %arg12[%add3A_152, %dma_wait3A] : memref<10240x64xf32, #tpu.memory_space<vmem_shared>> -> memref<128x64xf32, #tpu.memory_space<vmem_shared>>
      %dma_wait3A_264 = arith.constant 0 : i32
      %dma_wait3A_265 = tpu.memref_slice %arg12[%add3A_152, %dma_wait3A_264] : memref<10240x64xf32, #tpu.memory_space<vmem_shared>> -> memref<128x64xf32, #tpu.memory_space<vmem_shared>>
      tpu.wait_dma2 semaphore(%run_scoped3A : memref<!tpu.dma_semaphore, #tpu.memory_space<semaphore_mem>>) src(%dma_wait3A_265 : memref<128x64xf32, #tpu.memory_space<vmem_shared>>) dst(%arg11 : memref<128x64xf32, #tpu.memory_space<vmem>>)
      tpu.yield
    }) : () -> ()
    %mul3A_153 = arith.constant 10240 : i32
    %mul3A_154 = arith.muli %arg0, %mul3A_153 : i32
    %mul3A_155 = arith.constant 640 : i32
    %mul3A_156 = arith.muli %arg1, %mul3A_155 : i32
    %add3A_157 = arith.addi %mul3A_154, %mul3A_156 : i32
    %add3A_158 = arith.constant 512 : i32
    %add3A_159 = arith.addi %add3A_157, %add3A_158 : i32
    "tpu.region"() ({
      %run_scoped3A = tpu.sem_alloc : memref<!tpu.dma_semaphore, #tpu.memory_space<semaphore_mem>>
      %dma_start3A_259 = arith.constant 0 : i32
      %dma_start3A_260 = tpu.memref_slice %arg6[%add3A_159, %dma_start3A_259] : memref<20480x64xf32, #tpu.memory_space<hbm>> -> memref<128x64xf32, #tpu.memory_space<hbm>>
      %dma_start3A_261 = arith.constant 0 : i32
      %dma_start3A_262 = tpu.memref_slice %arg6[%add3A_159, %dma_start3A_261] : memref<20480x64xf32, #tpu.memory_space<hbm>> -> memref<128x64xf32, #tpu.memory_space<hbm>>
      tpu.enqueue_dma source(%arg11 : memref<128x64xf32, #tpu.memory_space<vmem>>) target(%dma_start3A_262 : memref<128x64xf32, #tpu.memory_space<hbm>>) target_semaphore(%run_scoped3A : memref<!tpu.dma_semaphore, #tpu.memory_space<semaphore_mem>>)
      %dma_wait3A = arith.constant 0 : i32
      %dma_wait3A_263 = tpu.memref_slice %arg6[%add3A_159, %dma_wait3A] : memref<20480x64xf32, #tpu.memory_space<hbm>> -> memref<128x64xf32, #tpu.memory_space<hbm>>
      %dma_wait3A_264 = arith.constant 0 : i32
      %dma_wait3A_265 = tpu.memref_slice %arg6[%add3A_159, %dma_wait3A_264] : memref<20480x64xf32, #tpu.memory_space<hbm>> -> memref<128x64xf32, #tpu.memory_space<hbm>>
      tpu.wait_dma2 semaphore(%run_scoped3A : memref<!tpu.dma_semaphore, #tpu.memory_space<semaphore_mem>>) src(%arg11 : memref<128x64xf32, #tpu.memory_space<vmem>>) dst(%dma_wait3A_265 : memref<128x64xf32, #tpu.memory_space<hbm>>)
      tpu.yield
    }) : () -> ()
    %broadcast_in_dim3A_160 = arith.constant 0.000000e+00 : f32
    %broadcast_in_dim3A_161 = vector.broadcast %broadcast_in_dim3A_160 : f32 to vector<16xf32>
    %scan3A_162 = arith.constant 0 : i32
    %scan3A_163 = arith.constant 0 : i32
    %scan3A_164 = arith.constant 128 : i32
    %scan3A_165 = arith.addi %scan3A_163, %scan3A_164 : i32
    %scan3A_166 = arith.constant 1 : i32
    scf.for %scan3A_259 = %scan3A_163 to %scan3A_165 step %scan3A_166  : i32 {
      %scan3A_260 = arith.constant 0 : i32
      %scan3A_261 = arith.constant 4 : i32
      %scan3A_262 = arith.addi %scan3A_260, %scan3A_261 : i32
      %scan3A_263 = arith.constant 1 : i32
      scf.for %scan3A_265 = %scan3A_260 to %scan3A_262 step %scan3A_263  : i32 {
        %mul3A_266 = arith.constant 16 : i32
        %mul3A_267 = arith.muli %scan3A_265, %mul3A_266 : i32
        %swap3A = arith.index_cast %scan3A_259 : i32 to index
        %swap3A_268 = arith.index_cast %mul3A_267 : i32 to index
        %swap3A_269 = tpu.vector_load %arg11[%swap3A, %swap3A_268] {strides = array<i32>} : memref<128x64xf32, #tpu.memory_space<vmem>>, vector<1x16xf32>,
        %swap3A_270 = vector.shape_cast %swap3A_269 : vector<1x16xf32> to vector<16xf32>
        %swap3A_271 = vector.shape_cast %broadcast_in_dim3A_161 : vector<16xf32> to vector<1x16xf32>
        tpu.vector_store %arg11[%swap3A, %swap3A_268], %swap3A_271 {strides = array<i32>} : memref<128x64xf32, #tpu.memory_space<vmem>>, vector<1x16xf32>,
      }
      %scan3A_264 = arith.constant 4 : i32
    }
    %scan3A_167 = arith.constant 128 : i32
    %mul3A_168 = arith.constant 640 : i32
    %mul3A_169 = arith.muli %arg1, %mul3A_168 : i32
    %add3A_170 = arith.constant 512 : i32
    %add3A_171 = arith.addi %mul3A_169, %add3A_170 : i32
    "tpu.region"() ({
      %run_scoped3A = tpu.sem_alloc : memref<!tpu.dma_semaphore, #tpu.memory_space<semaphore_mem>>
      %dma_start3A_259 = arith.constant 0 : i32
      %dma_start3A_260 = tpu.memref_slice %arg12[%add3A_171, %dma_start3A_259] : memref<10240x64xf32, #tpu.memory_space<vmem_shared>> -> memref<128x64xf32, #tpu.memory_space<vmem_shared>>
      %dma_start3A_261 = arith.constant 0 : i32
      %dma_start3A_262 = tpu.memref_slice %arg12[%add3A_171, %dma_start3A_261] : memref<10240x64xf32, #tpu.memory_space<vmem_shared>> -> memref<128x64xf32, #tpu.memory_space<vmem_shared>>
      tpu.enqueue_dma source(%arg11 : memref<128x64xf32, #tpu.memory_space<vmem>>) target(%dma_start3A_262 : memref<128x64xf32, #tpu.memory_space<vmem_shared>>) target_semaphore(%run_scoped3A : memref<!tpu.dma_semaphore, #tpu.memory_space<semaphore_mem>>)
      %dma_wait3A = arith.constant 0 : i32
      %dma_wait3A_263 = tpu.memref_slice %arg12[%add3A_171, %dma_wait3A] : memref<10240x64xf32, #tpu.memory_space<vmem_shared>> -> memref<128x64xf32, #tpu.memory_space<vmem_shared>>
      %dma_wait3A_264 = arith.constant 0 : i32
      %dma_wait3A_265 = tpu.memref_slice %arg12[%add3A_171, %dma_wait3A_264] : memref<10240x64xf32, #tpu.memory_space<vmem_shared>> -> memref<128x64xf32, #tpu.memory_space<vmem_shared>>
      tpu.wait_dma2 semaphore(%run_scoped3A : memref<!tpu.dma_semaphore, #tpu.memory_space<semaphore_mem>>) src(%arg11 : memref<128x64xf32, #tpu.memory_space<vmem>>) dst(%dma_wait3A_265 : memref<128x64xf32, #tpu.memory_space<vmem_shared>>)
      tpu.yield
    }) : () -> ()
    %barrier3A_172 = arith.constant 0 : index
    tpu.barrier barrier_id(%barrier3A_172)
    %dma_start3A_173 = arith.constant 0 : i32
    %dma_start3A_174 = arith.constant 0 : i32
    %dma_start3A_175 = arith.constant 0 : i32
    %dma_start3A_176 = arith.constant 0 : i32
    %dma_start3A_177 = tpu.memref_slice %arg10[%dma_start3A_174, %dma_start3A_175, %dma_start3A_176] : memref<4x80x64xf32, #tpu.memory_space<vmem>> -> memref<1x80x64xf32, #tpu.memory_space<vmem>>
    %dma_start3A_178 = tpu.memref_squeeze %dma_start3A_177 : memref<1x80x64xf32, #tpu.memory_space<vmem>> -> memref<80x64xf32, #tpu.memory_space<vmem>>
    %dma_start3A_179 = arith.constant 0 : i32
    %dma_start3A_180 = tpu.memref_slice %arg8[%dma_start3A_173, %dma_start3A_179] : memref<126x80xi32, #tpu.memory_space<vmem>> -> memref<1x80xi32, #tpu.memory_space<vmem>>
    %dma_start3A_181 = tpu.memref_squeeze %dma_start3A_180 : memref<1x80xi32, #tpu.memory_space<vmem>> -> memref<80xi32, #tpu.memory_space<vmem>>
    %dma_start3A_182 = arith.constant 0 : i32
    %dma_start3A_183 = arith.constant 0 : i32
    %dma_start3A_184 = tpu.memref_slice %arg3[%dma_start3A_182, %dma_start3A_183] : memref<10000x64xf32, #tpu.memory_space<hbm>> -> memref<10000x64xf32, #tpu.memory_space<hbm>>
    tpu.enqueue_indirect_dma source(%dma_start3A_184 : memref<10000x64xf32, #tpu.memory_space<hbm>>) target(%dma_start3A_178 : memref<80x64xf32, #tpu.memory_space<vmem>>) offsets(%dma_start3A_181 : memref<80xi32, #tpu.memory_space<vmem>>) semaphore(%arg13 : memref<!tpu.dma_semaphore, #tpu.memory_space<semaphore_mem>>)
    %dma_start3A_185 = arith.constant 1 : i32
    %dma_start3A_186 = arith.constant 1 : i32
    %dma_start3A_187 = arith.constant 0 : i32
    %dma_start3A_188 = arith.constant 0 : i32
    %dma_start3A_189 = tpu.memref_slice %arg10[%dma_start3A_186, %dma_start3A_187, %dma_start3A_188] : memref<4x80x64xf32, #tpu.memory_space<vmem>> -> memref<1x80x64xf32, #tpu.memory_space<vmem>>
    %dma_start3A_190 = tpu.memref_squeeze %dma_start3A_189 : memref<1x80x64xf32, #tpu.memory_space<vmem>> -> memref<80x64xf32, #tpu.memory_space<vmem>>
    %dma_start3A_191 = arith.constant 0 : i32
    %dma_start3A_192 = tpu.memref_slice %arg8[%dma_start3A_185, %dma_start3A_191] : memref<126x80xi32, #tpu.memory_space<vmem>> -> memref<1x80xi32, #tpu.memory_space<vmem>>
    %dma_start3A_193 = tpu.memref_squeeze %dma_start3A_192 : memref<1x80xi32, #tpu.memory_space<vmem>> -> memref<80xi32, #tpu.memory_space<vmem>>
    %dma_start3A_194 = arith.constant 0 : i32
    %dma_start3A_195 = arith.constant 0 : i32
    %dma_start3A_196 = tpu.memref_slice %arg3[%dma_start3A_194, %dma_start3A_195] : memref<10000x64xf32, #tpu.memory_space<hbm>> -> memref<10000x64xf32, #tpu.memory_space<hbm>>
    tpu.enqueue_indirect_dma source(%dma_start3A_196 : memref<10000x64xf32, #tpu.memory_space<hbm>>) target(%dma_start3A_190 : memref<80x64xf32, #tpu.memory_space<vmem>>) offsets(%dma_start3A_193 : memref<80xi32, #tpu.memory_space<vmem>>) semaphore(%arg14 : memref<!tpu.dma_semaphore, #tpu.memory_space<semaphore_mem>>)
    %scan3A_197 = arith.constant 0 : i32
    %scan3A_198 = arith.constant 0 : i32
    %scan3A_199 = arith.constant 63 : i32
    %scan3A_200 = arith.addi %scan3A_198, %scan3A_199 : i32
    %scan3A_201 = arith.constant 1 : i32
    scf.for %scan3A_259 = %scan3A_198 to %scan3A_200 step %scan3A_201  : i32 {
      %mul3A_260 = arith.constant 2 : i32
      %mul3A_261 = arith.muli %mul3A_260, %scan3A_259 : i32
      %add3A_262 = arith.constant 0 : i32
      %add3A_263 = arith.addi %mul3A_261, %add3A_262 : i32
      %rem3A = arith.constant 4 : i32
      %rem3A_264 = arith.remsi %add3A_263, %rem3A : i32
      %dma_wait3A = arith.constant 0 : i32
      %dma_wait3A_265 = arith.constant 0 : i32
      %dma_wait3A_266 = tpu.memref_slice %arg10[%rem3A_264, %dma_wait3A, %dma_wait3A_265] : memref<4x80x64xf32, #tpu.memory_space<vmem>> -> memref<1x80x64xf32, #tpu.memory_space<vmem>>
      %dma_wait3A_267 = tpu.memref_squeeze %dma_wait3A_266 : memref<1x80x64xf32, #tpu.memory_space<vmem>> -> memref<80x64xf32, #tpu.memory_space<vmem>>
      %dma_wait3A_268 = arith.constant 0 : i32
      %dma_wait3A_269 = tpu.memref_slice %arg8[%add3A_263, %dma_wait3A_268] : memref<126x80xi32, #tpu.memory_space<vmem>> -> memref<1x80xi32, #tpu.memory_space<vmem>>
      %dma_wait3A_270 = tpu.memref_squeeze %dma_wait3A_269 : memref<1x80xi32, #tpu.memory_space<vmem>> -> memref<80xi32, #tpu.memory_space<vmem>>
      %dma_wait3A_271 = arith.constant 0 : i32
      %dma_wait3A_272 = arith.constant 0 : i32
      %dma_wait3A_273 = tpu.memref_slice %arg3[%dma_wait3A_271, %dma_wait3A_272] : memref<10000x64xf32, #tpu.memory_space<hbm>> -> memref<10000x64xf32, #tpu.memory_space<hbm>>
      tpu.wait_indirect_dma semaphore(%arg13 : memref<!tpu.dma_semaphore, #tpu.memory_space<semaphore_mem>>) src(%dma_wait3A_273 : memref<10000x64xf32, #tpu.memory_space<hbm>>) dst(%dma_wait3A_267 : memref<80x64xf32, #tpu.memory_space<vmem>>)
      %add3A_274 = arith.constant 2 : i32
      %add3A_275 = arith.addi %add3A_263, %add3A_274 : i32
      %lt3A = arith.constant 126 : i32
      %lt3A_276 = arith.cmpi slt, %add3A_275, %lt3A : i32
      %convert_element_type3A = arith.extui %lt3A_276 : i1 to i32
      %cond3A = arith.constant 0 : i32
      %cond3A_277 = arith.cmpi ne, %convert_element_type3A, %cond3A : i32
      scf.if %cond3A_277 {
        %add3A_301 = arith.constant 2 : i32
        %add3A_302 = arith.addi %add3A_263, %add3A_301 : i32
        %add3A_303 = arith.constant 2 : i32
        %add3A_304 = arith.addi %add3A_263, %add3A_303 : i32
        %rem3A_305 = arith.constant 4 : i32
        %rem3A_306 = arith.remsi %add3A_304, %rem3A_305 : i32
        %dma_start3A_307 = arith.constant 0 : i32
        %dma_start3A_308 = arith.constant 0 : i32
        %dma_start3A_309 = tpu.memref_slice %arg10[%rem3A_306, %dma_start3A_307, %dma_start3A_308] : memref<4x80x64xf32, #tpu.memory_space<vmem>> -> memref<1x80x64xf32, #tpu.memory_space<vmem>>
        %dma_start3A_310 = tpu.memref_squeeze %dma_start3A_309 : memref<1x80x64xf32, #tpu.memory_space<vmem>> -> memref<80x64xf32, #tpu.memory_space<vmem>>
        %dma_start3A_311 = arith.constant 0 : i32
        %dma_start3A_312 = tpu.memref_slice %arg8[%add3A_302, %dma_start3A_311] : memref<126x80xi32, #tpu.memory_space<vmem>> -> memref<1x80xi32, #tpu.memory_space<vmem>>
        %dma_start3A_313 = tpu.memref_squeeze %dma_start3A_312 : memref<1x80xi32, #tpu.memory_space<vmem>> -> memref<80xi32, #tpu.memory_space<vmem>>
        %dma_start3A_314 = arith.constant 0 : i32
        %dma_start3A_315 = arith.constant 0 : i32
        %dma_start3A_316 = tpu.memref_slice %arg3[%dma_start3A_314, %dma_start3A_315] : memref<10000x64xf32, #tpu.memory_space<hbm>> -> memref<10000x64xf32, #tpu.memory_space<hbm>>
        tpu.enqueue_indirect_dma source(%dma_start3A_316 : memref<10000x64xf32, #tpu.memory_space<hbm>>) target(%dma_start3A_310 : memref<80x64xf32, #tpu.memory_space<vmem>>) offsets(%dma_start3A_313 : memref<80xi32, #tpu.memory_space<vmem>>) semaphore(%arg13 : memref<!tpu.dma_semaphore, #tpu.memory_space<semaphore_mem>>)
      } else {
      }
      "tpu.region"() ({
        %run_scoped3A = tpu.sem_alloc : memref<!tpu.dma_semaphore, #tpu.memory_space<semaphore_mem>>
        %dma_start3A_301 = arith.constant 0 : i32
        %dma_start3A_302 = arith.constant 0 : i32
        %dma_start3A_303 = tpu.memref_slice %arg10[%rem3A_264, %dma_start3A_301, %dma_start3A_302] : memref<4x80x64xf32, #tpu.memory_space<vmem>> -> memref<1x80x64xf32, #tpu.memory_space<vmem>>
        %dma_start3A_304 = tpu.memref_squeeze %dma_start3A_303 : memref<1x80x64xf32, #tpu.memory_space<vmem>> -> memref<80x64xf32, #tpu.memory_space<vmem>>
        %dma_start3A_305 = arith.constant 0 : i32
        %dma_start3A_306 = tpu.memref_slice %arg9[%add3A_263, %dma_start3A_305] : memref<126x80xi32, #tpu.memory_space<vmem>> -> memref<1x80xi32, #tpu.memory_space<vmem>>
        %dma_start3A_307 = tpu.memref_squeeze %dma_start3A_306 : memref<1x80xi32, #tpu.memory_space<vmem>> -> memref<80xi32, #tpu.memory_space<vmem>>
        %dma_start3A_308 = arith.constant 0 : i32
        %dma_start3A_309 = arith.constant 0 : i32
        %dma_start3A_310 = tpu.memref_slice %arg12[%dma_start3A_308, %dma_start3A_309] : memref<10240x64xf32, #tpu.memory_space<vmem_shared>> -> memref<10240x64xf32, #tpu.memory_space<vmem_shared>>
        tpu.enqueue_indirect_dma source(%dma_start3A_304 : memref<80x64xf32, #tpu.memory_space<vmem>>) target(%dma_start3A_310 : memref<10240x64xf32, #tpu.memory_space<vmem_shared>>) offsets(%dma_start3A_307 : memref<80xi32, #tpu.memory_space<vmem>>) semaphore(%run_scoped3A : memref<!tpu.dma_semaphore, #tpu.memory_space<semaphore_mem>>) {add = true}
        %dma_wait3A_311 = arith.constant 0 : i32
        %dma_wait3A_312 = arith.constant 0 : i32
        %dma_wait3A_313 = tpu.memref_slice %arg10[%rem3A_264, %dma_wait3A_311, %dma_wait3A_312] : memref<4x80x64xf32, #tpu.memory_space<vmem>> -> memref<1x80x64xf32, #tpu.memory_space<vmem>>
        %dma_wait3A_314 = tpu.memref_squeeze %dma_wait3A_313 : memref<1x80x64xf32, #tpu.memory_space<vmem>> -> memref<80x64xf32, #tpu.memory_space<vmem>>
        %dma_wait3A_315 = arith.constant 0 : i32
        %dma_wait3A_316 = tpu.memref_slice %arg9[%add3A_263, %dma_wait3A_315] : memref<126x80xi32, #tpu.memory_space<vmem>> -> memref<1x80xi32, #tpu.memory_space<vmem>>
        %dma_wait3A_317 = tpu.memref_squeeze %dma_wait3A_316 : memref<1x80xi32, #tpu.memory_space<vmem>> -> memref<80xi32, #tpu.memory_space<vmem>>
        %dma_wait3A_318 = arith.constant 0 : i32
        %dma_wait3A_319 = arith.constant 0 : i32
        %dma_wait3A_320 = tpu.memref_slice %arg12[%dma_wait3A_318, %dma_wait3A_319] : memref<10240x64xf32, #tpu.memory_space<vmem_shared>> -> memref<10240x64xf32, #tpu.memory_space<vmem_shared>>
        tpu.wait_indirect_dma semaphore(%run_scoped3A : memref<!tpu.dma_semaphore, #tpu.memory_space<semaphore_mem>>) src(%dma_wait3A_314 : memref<80x64xf32, #tpu.memory_space<vmem>>) dst(%dma_wait3A_320 : memref<10240x64xf32, #tpu.memory_space<vmem_shared>>)
        tpu.yield
      }) : () -> ()
      %mul3A_278 = arith.constant 2 : i32
      %mul3A_279 = arith.muli %mul3A_278, %scan3A_259 : i32
      %add3A_280 = arith.constant 1 : i32
      %add3A_281 = arith.addi %mul3A_279, %add3A_280 : i32
      %rem3A_282 = arith.constant 4 : i32
      %rem3A_283 = arith.remsi %add3A_281, %rem3A_282 : i32
      %dma_wait3A_284 = arith.constant 0 : i32
      %dma_wait3A_285 = arith.constant 0 : i32
      %dma_wait3A_286 = tpu.memref_slice %arg10[%rem3A_283, %dma_wait3A_284, %dma_wait3A_285] : memref<4x80x64xf32, #tpu.memory_space<vmem>> -> memref<1x80x64xf32, #tpu.memory_space<vmem>>
      %dma_wait3A_287 = tpu.memref_squeeze %dma_wait3A_286 : memref<1x80x64xf32, #tpu.memory_space<vmem>> -> memref<80x64xf32, #tpu.memory_space<vmem>>
      %dma_wait3A_288 = arith.constant 0 : i32
      %dma_wait3A_289 = tpu.memref_slice %arg8[%add3A_281, %dma_wait3A_288] : memref<126x80xi32, #tpu.memory_space<vmem>> -> memref<1x80xi32, #tpu.memory_space<vmem>>
      %dma_wait3A_290 = tpu.memref_squeeze %dma_wait3A_289 : memref<1x80xi32, #tpu.memory_space<vmem>> -> memref<80xi32, #tpu.memory_space<vmem>>
      %dma_wait3A_291 = arith.constant 0 : i32
      %dma_wait3A_292 = arith.constant 0 : i32
      %dma_wait3A_293 = tpu.memref_slice %arg3[%dma_wait3A_291, %dma_wait3A_292] : memref<10000x64xf32, #tpu.memory_space<hbm>> -> memref<10000x64xf32, #tpu.memory_space<hbm>>
      tpu.wait_indirect_dma semaphore(%arg14 : memref<!tpu.dma_semaphore, #tpu.memory_space<semaphore_mem>>) src(%dma_wait3A_293 : memref<10000x64xf32, #tpu.memory_space<hbm>>) dst(%dma_wait3A_287 : memref<80x64xf32, #tpu.memory_space<vmem>>)
      %add3A_294 = arith.constant 2 : i32
      %add3A_295 = arith.addi %add3A_281, %add3A_294 : i32
      %lt3A_296 = arith.constant 126 : i32
      %lt3A_297 = arith.cmpi slt, %add3A_295, %lt3A_296 : i32
      %convert_element_type3A_298 = arith.extui %lt3A_297 : i1 to i32
      %cond3A_299 = arith.constant 0 : i32
      %cond3A_300 = arith.cmpi ne, %convert_element_type3A_298, %cond3A_299 : i32
      scf.if %cond3A_300 {
        %add3A_301 = arith.constant 2 : i32
        %add3A_302 = arith.addi %add3A_281, %add3A_301 : i32
        %add3A_303 = arith.constant 2 : i32
        %add3A_304 = arith.addi %add3A_281, %add3A_303 : i32
        %rem3A_305 = arith.constant 4 : i32
        %rem3A_306 = arith.remsi %add3A_304, %rem3A_305 : i32
        %dma_start3A_307 = arith.constant 0 : i32
        %dma_start3A_308 = arith.constant 0 : i32
        %dma_start3A_309 = tpu.memref_slice %arg10[%rem3A_306, %dma_start3A_307, %dma_start3A_308] : memref<4x80x64xf32, #tpu.memory_space<vmem>> -> memref<1x80x64xf32, #tpu.memory_space<vmem>>
        %dma_start3A_310 = tpu.memref_squeeze %dma_start3A_309 : memref<1x80x64xf32, #tpu.memory_space<vmem>> -> memref<80x64xf32, #tpu.memory_space<vmem>>
        %dma_start3A_311 = arith.constant 0 : i32
        %dma_start3A_312 = tpu.memref_slice %arg8[%add3A_302, %dma_start3A_311] : memref<126x80xi32, #tpu.memory_space<vmem>> -> memref<1x80xi32, #tpu.memory_space<vmem>>
        %dma_start3A_313 = tpu.memref_squeeze %dma_start3A_312 : memref<1x80xi32, #tpu.memory_space<vmem>> -> memref<80xi32, #tpu.memory_space<vmem>>
        %dma_start3A_314 = arith.constant 0 : i32
        %dma_start3A_315 = arith.constant 0 : i32
        %dma_start3A_316 = tpu.memref_slice %arg3[%dma_start3A_314, %dma_start3A_315] : memref<10000x64xf32, #tpu.memory_space<hbm>> -> memref<10000x64xf32, #tpu.memory_space<hbm>>
        tpu.enqueue_indirect_dma source(%dma_start3A_316 : memref<10000x64xf32, #tpu.memory_space<hbm>>) target(%dma_start3A_310 : memref<80x64xf32, #tpu.memory_space<vmem>>) offsets(%dma_start3A_313 : memref<80xi32, #tpu.memory_space<vmem>>) semaphore(%arg14 : memref<!tpu.dma_semaphore, #tpu.memory_space<semaphore_mem>>)
      } else {
      }
      "tpu.region"() ({
        %run_scoped3A = tpu.sem_alloc : memref<!tpu.dma_semaphore, #tpu.memory_space<semaphore_mem>>
        %dma_start3A_301 = arith.constant 0 : i32
        %dma_start3A_302 = arith.constant 0 : i32
        %dma_start3A_303 = tpu.memref_slice %arg10[%rem3A_283, %dma_start3A_301, %dma_start3A_302] : memref<4x80x64xf32, #tpu.memory_space<vmem>> -> memref<1x80x64xf32, #tpu.memory_space<vmem>>
        %dma_start3A_304 = tpu.memref_squeeze %dma_start3A_303 : memref<1x80x64xf32, #tpu.memory_space<vmem>> -> memref<80x64xf32, #tpu.memory_space<vmem>>
        %dma_start3A_305 = arith.constant 0 : i32
        %dma_start3A_306 = tpu.memref_slice %arg9[%add3A_281, %dma_start3A_305] : memref<126x80xi32, #tpu.memory_space<vmem>> -> memref<1x80xi32, #tpu.memory_space<vmem>>
        %dma_start3A_307 = tpu.memref_squeeze %dma_start3A_306 : memref<1x80xi32, #tpu.memory_space<vmem>> -> memref<80xi32, #tpu.memory_space<vmem>>
        %dma_start3A_308 = arith.constant 0 : i32
        %dma_start3A_309 = arith.constant 0 : i32
        %dma_start3A_310 = tpu.memref_slice %arg12[%dma_start3A_308, %dma_start3A_309] : memref<10240x64xf32, #tpu.memory_space<vmem_shared>> -> memref<10240x64xf32, #tpu.memory_space<vmem_shared>>
        tpu.enqueue_indirect_dma source(%dma_start3A_304 : memref<80x64xf32, #tpu.memory_space<vmem>>) target(%dma_start3A_310 : memref<10240x64xf32, #tpu.memory_space<vmem_shared>>) offsets(%dma_start3A_307 : memref<80xi32, #tpu.memory_space<vmem>>) semaphore(%run_scoped3A : memref<!tpu.dma_semaphore, #tpu.memory_space<semaphore_mem>>) {add = true}
        %dma_wait3A_311 = arith.constant 0 : i32
        %dma_wait3A_312 = arith.constant 0 : i32
        %dma_wait3A_313 = tpu.memref_slice %arg10[%rem3A_283, %dma_wait3A_311, %dma_wait3A_312] : memref<4x80x64xf32, #tpu.memory_space<vmem>> -> memref<1x80x64xf32, #tpu.memory_space<vmem>>
        %dma_wait3A_314 = tpu.memref_squeeze %dma_wait3A_313 : memref<1x80x64xf32, #tpu.memory_space<vmem>> -> memref<80x64xf32, #tpu.memory_space<vmem>>
        %dma_wait3A_315 = arith.constant 0 : i32
        %dma_wait3A_316 = tpu.memref_slice %arg9[%add3A_281, %dma_wait3A_315] : memref<126x80xi32, #tpu.memory_space<vmem>> -> memref<1x80xi32, #tpu.memory_space<vmem>>
        %dma_wait3A_317 = tpu.memref_squeeze %dma_wait3A_316 : memref<1x80xi32, #tpu.memory_space<vmem>> -> memref<80xi32, #tpu.memory_space<vmem>>
        %dma_wait3A_318 = arith.constant 0 : i32
        %dma_wait3A_319 = arith.constant 0 : i32
        %dma_wait3A_320 = tpu.memref_slice %arg12[%dma_wait3A_318, %dma_wait3A_319] : memref<10240x64xf32, #tpu.memory_space<vmem_shared>> -> memref<10240x64xf32, #tpu.memory_space<vmem_shared>>
        tpu.wait_indirect_dma semaphore(%run_scoped3A : memref<!tpu.dma_semaphore, #tpu.memory_space<semaphore_mem>>) src(%dma_wait3A_314 : memref<80x64xf32, #tpu.memory_space<vmem>>) dst(%dma_wait3A_320 : memref<10240x64xf32, #tpu.memory_space<vmem_shared>>)
        tpu.yield
      }) : () -> ()
    }
    %scan3A_202 = arith.constant 63 : i32
    %barrier3A_203 = arith.constant 0 : index
    tpu.barrier barrier_id(%barrier3A_203)
    %mul3A_204 = arith.constant 640 : i32
    %mul3A_205 = arith.muli %arg1, %mul3A_204 : i32
    %add3A_206 = arith.constant 0 : i32
    %add3A_207 = arith.addi %mul3A_205, %add3A_206 : i32
    "tpu.region"() ({
      %run_scoped3A = tpu.sem_alloc : memref<!tpu.dma_semaphore, #tpu.memory_space<semaphore_mem>>
      %dma_start3A_259 = arith.constant 0 : i32
      %dma_start3A_260 = tpu.memref_slice %arg12[%add3A_207, %dma_start3A_259] : memref<10240x64xf32, #tpu.memory_space<vmem_shared>> -> memref<128x64xf32, #tpu.memory_space<vmem_shared>>
      %dma_start3A_261 = arith.constant 0 : i32
      %dma_start3A_262 = tpu.memref_slice %arg12[%add3A_207, %dma_start3A_261] : memref<10240x64xf32, #tpu.memory_space<vmem_shared>> -> memref<128x64xf32, #tpu.memory_space<vmem_shared>>
      tpu.enqueue_dma source(%dma_start3A_262 : memref<128x64xf32, #tpu.memory_space<vmem_shared>>) target(%arg11 : memref<128x64xf32, #tpu.memory_space<vmem>>) target_semaphore(%run_scoped3A : memref<!tpu.dma_semaphore, #tpu.memory_space<semaphore_mem>>)
      %dma_wait3A = arith.constant 0 : i32
      %dma_wait3A_263 = tpu.memref_slice %arg12[%add3A_207, %dma_wait3A] : memref<10240x64xf32, #tpu.memory_space<vmem_shared>> -> memref<128x64xf32, #tpu.memory_space<vmem_shared>>
      %dma_wait3A_264 = arith.constant 0 : i32
      %dma_wait3A_265 = tpu.memref_slice %arg12[%add3A_207, %dma_wait3A_264] : memref<10240x64xf32, #tpu.memory_space<vmem_shared>> -> memref<128x64xf32, #tpu.memory_space<vmem_shared>>
      tpu.wait_dma2 semaphore(%run_scoped3A : memref<!tpu.dma_semaphore, #tpu.memory_space<semaphore_mem>>) src(%dma_wait3A_265 : memref<128x64xf32, #tpu.memory_space<vmem_shared>>) dst(%arg11 : memref<128x64xf32, #tpu.memory_space<vmem>>)
      tpu.yield
    }) : () -> ()
    %mul3A_208 = arith.constant 10240 : i32
    %mul3A_209 = arith.muli %arg0, %mul3A_208 : i32
    %mul3A_210 = arith.constant 640 : i32
    %mul3A_211 = arith.muli %arg1, %mul3A_210 : i32
    %add3A_212 = arith.addi %mul3A_209, %mul3A_211 : i32
    %add3A_213 = arith.constant 0 : i32
    %add3A_214 = arith.addi %add3A_212, %add3A_213 : i32
    "tpu.region"() ({
      %run_scoped3A = tpu.sem_alloc : memref<!tpu.dma_semaphore, #tpu.memory_space<semaphore_mem>>
      %dma_start3A_259 = arith.constant 0 : i32
      %dma_start3A_260 = tpu.memref_slice %arg7[%add3A_214, %dma_start3A_259] : memref<20480x64xf32, #tpu.memory_space<hbm>> -> memref<128x64xf32, #tpu.memory_space<hbm>>
      %dma_start3A_261 = arith.constant 0 : i32
      %dma_start3A_262 = tpu.memref_slice %arg7[%add3A_214, %dma_start3A_261] : memref<20480x64xf32, #tpu.memory_space<hbm>> -> memref<128x64xf32, #tpu.memory_space<hbm>>
      tpu.enqueue_dma source(%arg11 : memref<128x64xf32, #tpu.memory_space<vmem>>) target(%dma_start3A_262 : memref<128x64xf32, #tpu.memory_space<hbm>>) target_semaphore(%run_scoped3A : memref<!tpu.dma_semaphore, #tpu.memory_space<semaphore_mem>>)
      %dma_wait3A = arith.constant 0 : i32
      %dma_wait3A_263 = tpu.memref_slice %arg7[%add3A_214, %dma_wait3A] : memref<20480x64xf32, #tpu.memory_space<hbm>> -> memref<128x64xf32, #tpu.memory_space<hbm>>
      %dma_wait3A_264 = arith.constant 0 : i32
      %dma_wait3A_265 = tpu.memref_slice %arg7[%add3A_214, %dma_wait3A_264] : memref<20480x64xf32, #tpu.memory_space<hbm>> -> memref<128x64xf32, #tpu.memory_space<hbm>>
      tpu.wait_dma2 semaphore(%run_scoped3A : memref<!tpu.dma_semaphore, #tpu.memory_space<semaphore_mem>>) src(%arg11 : memref<128x64xf32, #tpu.memory_space<vmem>>) dst(%dma_wait3A_265 : memref<128x64xf32, #tpu.memory_space<hbm>>)
      tpu.yield
    }) : () -> ()
    %mul3A_215 = arith.constant 640 : i32
    %mul3A_216 = arith.muli %arg1, %mul3A_215 : i32
    %add3A_217 = arith.constant 128 : i32
    %add3A_218 = arith.addi %mul3A_216, %add3A_217 : i32
    "tpu.region"() ({
      %run_scoped3A = tpu.sem_alloc : memref<!tpu.dma_semaphore, #tpu.memory_space<semaphore_mem>>
      %dma_start3A_259 = arith.constant 0 : i32
      %dma_start3A_260 = tpu.memref_slice %arg12[%add3A_218, %dma_start3A_259] : memref<10240x64xf32, #tpu.memory_space<vmem_shared>> -> memref<128x64xf32, #tpu.memory_space<vmem_shared>>
      %dma_start3A_261 = arith.constant 0 : i32
      %dma_start3A_262 = tpu.memref_slice %arg12[%add3A_218, %dma_start3A_261] : memref<10240x64xf32, #tpu.memory_space<vmem_shared>> -> memref<128x64xf32, #tpu.memory_space<vmem_shared>>
      tpu.enqueue_dma source(%dma_start3A_262 : memref<128x64xf32, #tpu.memory_space<vmem_shared>>) target(%arg11 : memref<128x64xf32, #tpu.memory_space<vmem>>) target_semaphore(%run_scoped3A : memref<!tpu.dma_semaphore, #tpu.memory_space<semaphore_mem>>)
      %dma_wait3A = arith.constant 0 : i32
      %dma_wait3A_263 = tpu.memref_slice %arg12[%add3A_218, %dma_wait3A] : memref<10240x64xf32, #tpu.memory_space<vmem_shared>> -> memref<128x64xf32, #tpu.memory_space<vmem_shared>>
      %dma_wait3A_264 = arith.constant 0 : i32
      %dma_wait3A_265 = tpu.memref_slice %arg12[%add3A_218, %dma_wait3A_264] : memref<10240x64xf32, #tpu.memory_space<vmem_shared>> -> memref<128x64xf32, #tpu.memory_space<vmem_shared>>
      tpu.wait_dma2 semaphore(%run_scoped3A : memref<!tpu.dma_semaphore, #tpu.memory_space<semaphore_mem>>) src(%dma_wait3A_265 : memref<128x64xf32, #tpu.memory_space<vmem_shared>>) dst(%arg11 : memref<128x64xf32, #tpu.memory_space<vmem>>)
      tpu.yield
    }) : () -> ()
    %mul3A_219 = arith.constant 10240 : i32
    %mul3A_220 = arith.muli %arg0, %mul3A_219 : i32
    %mul3A_221 = arith.constant 640 : i32
    %mul3A_222 = arith.muli %arg1, %mul3A_221 : i32
    %add3A_223 = arith.addi %mul3A_220, %mul3A_222 : i32
    %add3A_224 = arith.constant 128 : i32
    %add3A_225 = arith.addi %add3A_223, %add3A_224 : i32
    "tpu.region"() ({
      %run_scoped3A = tpu.sem_alloc : memref<!tpu.dma_semaphore, #tpu.memory_space<semaphore_mem>>
      %dma_start3A_259 = arith.constant 0 : i32
      %dma_start3A_260 = tpu.memref_slice %arg7[%add3A_225, %dma_start3A_259] : memref<20480x64xf32, #tpu.memory_space<hbm>> -> memref<128x64xf32, #tpu.memory_space<hbm>>
      %dma_start3A_261 = arith.constant 0 : i32
      %dma_start3A_262 = tpu.memref_slice %arg7[%add3A_225, %dma_start3A_261] : memref<20480x64xf32, #tpu.memory_space<hbm>> -> memref<128x64xf32, #tpu.memory_space<hbm>>
      tpu.enqueue_dma source(%arg11 : memref<128x64xf32, #tpu.memory_space<vmem>>) target(%dma_start3A_262 : memref<128x64xf32, #tpu.memory_space<hbm>>) target_semaphore(%run_scoped3A : memref<!tpu.dma_semaphore, #tpu.memory_space<semaphore_mem>>)
      %dma_wait3A = arith.constant 0 : i32
      %dma_wait3A_263 = tpu.memref_slice %arg7[%add3A_225, %dma_wait3A] : memref<20480x64xf32, #tpu.memory_space<hbm>> -> memref<128x64xf32, #tpu.memory_space<hbm>>
      %dma_wait3A_264 = arith.constant 0 : i32
      %dma_wait3A_265 = tpu.memref_slice %arg7[%add3A_225, %dma_wait3A_264] : memref<20480x64xf32, #tpu.memory_space<hbm>> -> memref<128x64xf32, #tpu.memory_space<hbm>>
      tpu.wait_dma2 semaphore(%run_scoped3A : memref<!tpu.dma_semaphore, #tpu.memory_space<semaphore_mem>>) src(%arg11 : memref<128x64xf32, #tpu.memory_space<vmem>>) dst(%dma_wait3A_265 : memref<128x64xf32, #tpu.memory_space<hbm>>)
      tpu.yield
    }) : () -> ()
    %mul3A_226 = arith.constant 640 : i32
    %mul3A_227 = arith.muli %arg1, %mul3A_226 : i32
    %add3A_228 = arith.constant 256 : i32
    %add3A_229 = arith.addi %mul3A_227, %add3A_228 : i32
    "tpu.region"() ({
      %run_scoped3A = tpu.sem_alloc : memref<!tpu.dma_semaphore, #tpu.memory_space<semaphore_mem>>
      %dma_start3A_259 = arith.constant 0 : i32
      %dma_start3A_260 = tpu.memref_slice %arg12[%add3A_229, %dma_start3A_259] : memref<10240x64xf32, #tpu.memory_space<vmem_shared>> -> memref<128x64xf32, #tpu.memory_space<vmem_shared>>
      %dma_start3A_261 = arith.constant 0 : i32
      %dma_start3A_262 = tpu.memref_slice %arg12[%add3A_229, %dma_start3A_261] : memref<10240x64xf32, #tpu.memory_space<vmem_shared>> -> memref<128x64xf32, #tpu.memory_space<vmem_shared>>
      tpu.enqueue_dma source(%dma_start3A_262 : memref<128x64xf32, #tpu.memory_space<vmem_shared>>) target(%arg11 : memref<128x64xf32, #tpu.memory_space<vmem>>) target_semaphore(%run_scoped3A : memref<!tpu.dma_semaphore, #tpu.memory_space<semaphore_mem>>)
      %dma_wait3A = arith.constant 0 : i32
      %dma_wait3A_263 = tpu.memref_slice %arg12[%add3A_229, %dma_wait3A] : memref<10240x64xf32, #tpu.memory_space<vmem_shared>> -> memref<128x64xf32, #tpu.memory_space<vmem_shared>>
      %dma_wait3A_264 = arith.constant 0 : i32
      %dma_wait3A_265 = tpu.memref_slice %arg12[%add3A_229, %dma_wait3A_264] : memref<10240x64xf32, #tpu.memory_space<vmem_shared>> -> memref<128x64xf32, #tpu.memory_space<vmem_shared>>
      tpu.wait_dma2 semaphore(%run_scoped3A : memref<!tpu.dma_semaphore, #tpu.memory_space<semaphore_mem>>) src(%dma_wait3A_265 : memref<128x64xf32, #tpu.memory_space<vmem_shared>>) dst(%arg11 : memref<128x64xf32, #tpu.memory_space<vmem>>)
      tpu.yield
    }) : () -> ()
    %mul3A_230 = arith.constant 10240 : i32
    %mul3A_231 = arith.muli %arg0, %mul3A_230 : i32
    %mul3A_232 = arith.constant 640 : i32
    %mul3A_233 = arith.muli %arg1, %mul3A_232 : i32
    %add3A_234 = arith.addi %mul3A_231, %mul3A_233 : i32
    %add3A_235 = arith.constant 256 : i32
    %add3A_236 = arith.addi %add3A_234, %add3A_235 : i32
    "tpu.region"() ({
      %run_scoped3A = tpu.sem_alloc : memref<!tpu.dma_semaphore, #tpu.memory_space<semaphore_mem>>
      %dma_start3A_259 = arith.constant 0 : i32
      %dma_start3A_260 = tpu.memref_slice %arg7[%add3A_236, %dma_start3A_259] : memref<20480x64xf32, #tpu.memory_space<hbm>> -> memref<128x64xf32, #tpu.memory_space<hbm>>
      %dma_start3A_261 = arith.constant 0 : i32
      %dma_start3A_262 = tpu.memref_slice %arg7[%add3A_236, %dma_start3A_261] : memref<20480x64xf32, #tpu.memory_space<hbm>> -> memref<128x64xf32, #tpu.memory_space<hbm>>
      tpu.enqueue_dma source(%arg11 : memref<128x64xf32, #tpu.memory_space<vmem>>) target(%dma_start3A_262 : memref<128x64xf32, #tpu.memory_space<hbm>>) target_semaphore(%run_scoped3A : memref<!tpu.dma_semaphore, #tpu.memory_space<semaphore_mem>>)
      %dma_wait3A = arith.constant 0 : i32
      %dma_wait3A_263 = tpu.memref_slice %arg7[%add3A_236, %dma_wait3A] : memref<20480x64xf32, #tpu.memory_space<hbm>> -> memref<128x64xf32, #tpu.memory_space<hbm>>
      %dma_wait3A_264 = arith.constant 0 : i32
      %dma_wait3A_265 = tpu.memref_slice %arg7[%add3A_236, %dma_wait3A_264] : memref<20480x64xf32, #tpu.memory_space<hbm>> -> memref<128x64xf32, #tpu.memory_space<hbm>>
      tpu.wait_dma2 semaphore(%run_scoped3A : memref<!tpu.dma_semaphore, #tpu.memory_space<semaphore_mem>>) src(%arg11 : memref<128x64xf32, #tpu.memory_space<vmem>>) dst(%dma_wait3A_265 : memref<128x64xf32, #tpu.memory_space<hbm>>)
      tpu.yield
    }) : () -> ()
    %mul3A_237 = arith.constant 640 : i32
    %mul3A_238 = arith.muli %arg1, %mul3A_237 : i32
    %add3A_239 = arith.constant 384 : i32
    %add3A_240 = arith.addi %mul3A_238, %add3A_239 : i32
    "tpu.region"() ({
      %run_scoped3A = tpu.sem_alloc : memref<!tpu.dma_semaphore, #tpu.memory_space<semaphore_mem>>
      %dma_start3A_259 = arith.constant 0 : i32
      %dma_start3A_260 = tpu.memref_slice %arg12[%add3A_240, %dma_start3A_259] : memref<10240x64xf32, #tpu.memory_space<vmem_shared>> -> memref<128x64xf32, #tpu.memory_space<vmem_shared>>
      %dma_start3A_261 = arith.constant 0 : i32
      %dma_start3A_262 = tpu.memref_slice %arg12[%add3A_240, %dma_start3A_261] : memref<10240x64xf32, #tpu.memory_space<vmem_shared>> -> memref<128x64xf32, #tpu.memory_space<vmem_shared>>
      tpu.enqueue_dma source(%dma_start3A_262 : memref<128x64xf32, #tpu.memory_space<vmem_shared>>) target(%arg11 : memref<128x64xf32, #tpu.memory_space<vmem>>) target_semaphore(%run_scoped3A : memref<!tpu.dma_semaphore, #tpu.memory_space<semaphore_mem>>)
      %dma_wait3A = arith.constant 0 : i32
      %dma_wait3A_263 = tpu.memref_slice %arg12[%add3A_240, %dma_wait3A] : memref<10240x64xf32, #tpu.memory_space<vmem_shared>> -> memref<128x64xf32, #tpu.memory_space<vmem_shared>>
      %dma_wait3A_264 = arith.constant 0 : i32
      %dma_wait3A_265 = tpu.memref_slice %arg12[%add3A_240, %dma_wait3A_264] : memref<10240x64xf32, #tpu.memory_space<vmem_shared>> -> memref<128x64xf32, #tpu.memory_space<vmem_shared>>
      tpu.wait_dma2 semaphore(%run_scoped3A : memref<!tpu.dma_semaphore, #tpu.memory_space<semaphore_mem>>) src(%dma_wait3A_265 : memref<128x64xf32, #tpu.memory_space<vmem_shared>>) dst(%arg11 : memref<128x64xf32, #tpu.memory_space<vmem>>)
      tpu.yield
    }) : () -> ()
    %mul3A_241 = arith.constant 10240 : i32
    %mul3A_242 = arith.muli %arg0, %mul3A_241 : i32
    %mul3A_243 = arith.constant 640 : i32
    %mul3A_244 = arith.muli %arg1, %mul3A_243 : i32
    %add3A_245 = arith.addi %mul3A_242, %mul3A_244 : i32
    %add3A_246 = arith.constant 384 : i32
    %add3A_247 = arith.addi %add3A_245, %add3A_246 : i32
    "tpu.region"() ({
      %run_scoped3A = tpu.sem_alloc : memref<!tpu.dma_semaphore, #tpu.memory_space<semaphore_mem>>
      %dma_start3A_259 = arith.constant 0 : i32
      %dma_start3A_260 = tpu.memref_slice %arg7[%add3A_247, %dma_start3A_259] : memref<20480x64xf32, #tpu.memory_space<hbm>> -> memref<128x64xf32, #tpu.memory_space<hbm>>
      %dma_start3A_261 = arith.constant 0 : i32
      %dma_start3A_262 = tpu.memref_slice %arg7[%add3A_247, %dma_start3A_261] : memref<20480x64xf32, #tpu.memory_space<hbm>> -> memref<128x64xf32, #tpu.memory_space<hbm>>
      tpu.enqueue_dma source(%arg11 : memref<128x64xf32, #tpu.memory_space<vmem>>) target(%dma_start3A_262 : memref<128x64xf32, #tpu.memory_space<hbm>>) target_semaphore(%run_scoped3A : memref<!tpu.dma_semaphore, #tpu.memory_space<semaphore_mem>>)
      %dma_wait3A = arith.constant 0 : i32
      %dma_wait3A_263 = tpu.memref_slice %arg7[%add3A_247, %dma_wait3A] : memref<20480x64xf32, #tpu.memory_space<hbm>> -> memref<128x64xf32, #tpu.memory_space<hbm>>
      %dma_wait3A_264 = arith.constant 0 : i32
      %dma_wait3A_265 = tpu.memref_slice %arg7[%add3A_247, %dma_wait3A_264] : memref<20480x64xf32, #tpu.memory_space<hbm>> -> memref<128x64xf32, #tpu.memory_space<hbm>>
      tpu.wait_dma2 semaphore(%run_scoped3A : memref<!tpu.dma_semaphore, #tpu.memory_space<semaphore_mem>>) src(%arg11 : memref<128x64xf32, #tpu.memory_space<vmem>>) dst(%dma_wait3A_265 : memref<128x64xf32, #tpu.memory_space<hbm>>)
      tpu.yield
    }) : () -> ()
    %mul3A_248 = arith.constant 640 : i32
    %mul3A_249 = arith.muli %arg1, %mul3A_248 : i32
    %add3A_250 = arith.constant 512 : i32
    %add3A_251 = arith.addi %mul3A_249, %add3A_250 : i32
    "tpu.region"() ({
      %run_scoped3A = tpu.sem_alloc : memref<!tpu.dma_semaphore, #tpu.memory_space<semaphore_mem>>
      %dma_start3A_259 = arith.constant 0 : i32
      %dma_start3A_260 = tpu.memref_slice %arg12[%add3A_251, %dma_start3A_259] : memref<10240x64xf32, #tpu.memory_space<vmem_shared>> -> memref<128x64xf32, #tpu.memory_space<vmem_shared>>
      %dma_start3A_261 = arith.constant 0 : i32
      %dma_start3A_262 = tpu.memref_slice %arg12[%add3A_251, %dma_start3A_261] : memref<10240x64xf32, #tpu.memory_space<vmem_shared>> -> memref<128x64xf32, #tpu.memory_space<vmem_shared>>
      tpu.enqueue_dma source(%dma_start3A_262 : memref<128x64xf32, #tpu.memory_space<vmem_shared>>) target(%arg11 : memref<128x64xf32, #tpu.memory_space<vmem>>) target_semaphore(%run_scoped3A : memref<!tpu.dma_semaphore, #tpu.memory_space<semaphore_mem>>)
      %dma_wait3A = arith.constant 0 : i32
      %dma_wait3A_263 = tpu.memref_slice %arg12[%add3A_251, %dma_wait3A] : memref<10240x64xf32, #tpu.memory_space<vmem_shared>> -> memref<128x64xf32, #tpu.memory_space<vmem_shared>>
      %dma_wait3A_264 = arith.constant 0 : i32
      %dma_wait3A_265 = tpu.memref_slice %arg12[%add3A_251, %dma_wait3A_264] : memref<10240x64xf32, #tpu.memory_space<vmem_shared>> -> memref<128x64xf32, #tpu.memory_space<vmem_shared>>
      tpu.wait_dma2 semaphore(%run_scoped3A : memref<!tpu.dma_semaphore, #tpu.memory_space<semaphore_mem>>) src(%dma_wait3A_265 : memref<128x64xf32, #tpu.memory_space<vmem_shared>>) dst(%arg11 : memref<128x64xf32, #tpu.memory_space<vmem>>)
      tpu.yield
    }) : () -> ()
    %mul3A_252 = arith.constant 10240 : i32
    %mul3A_253 = arith.muli %arg0, %mul3A_252 : i32
    %mul3A_254 = arith.constant 640 : i32
    %mul3A_255 = arith.muli %arg1, %mul3A_254 : i32
    %add3A_256 = arith.addi %mul3A_253, %mul3A_255 : i32
    %add3A_257 = arith.constant 512 : i32
    %add3A_258 = arith.addi %add3A_256, %add3A_257 : i32
    "tpu.region"() ({
      %run_scoped3A = tpu.sem_alloc : memref<!tpu.dma_semaphore, #tpu.memory_space<semaphore_mem>>
      %dma_start3A_259 = arith.constant 0 : i32
      %dma_start3A_260 = tpu.memref_slice %arg7[%add3A_258, %dma_start3A_259] : memref<20480x64xf32, #tpu.memory_space<hbm>> -> memref<128x64xf32, #tpu.memory_space<hbm>>
      %dma_start3A_261 = arith.constant 0 : i32
      %dma_start3A_262 = tpu.memref_slice %arg7[%add3A_258, %dma_start3A_261] : memref<20480x64xf32, #tpu.memory_space<hbm>> -> memref<128x64xf32, #tpu.memory_space<hbm>>
      tpu.enqueue_dma source(%arg11 : memref<128x64xf32, #tpu.memory_space<vmem>>) target(%dma_start3A_262 : memref<128x64xf32, #tpu.memory_space<hbm>>) target_semaphore(%run_scoped3A : memref<!tpu.dma_semaphore, #tpu.memory_space<semaphore_mem>>)
      %dma_wait3A = arith.constant 0 : i32
      %dma_wait3A_263 = tpu.memref_slice %arg7[%add3A_258, %dma_wait3A] : memref<20480x64xf32, #tpu.memory_space<hbm>> -> memref<128x64xf32, #tpu.memory_space<hbm>>
      %dma_wait3A_264 = arith.constant 0 : i32
      %dma_wait3A_265 = tpu.memref_slice %arg7[%add3A_258, %dma_wait3A_264] : memref<20480x64xf32, #tpu.memory_space<hbm>> -> memref<128x64xf32, #tpu.memory_space<hbm>>
      tpu.wait_dma2 semaphore(%run_scoped3A : memref<!tpu.dma_semaphore, #tpu.memory_space<semaphore_mem>>) src(%arg11 : memref<128x64xf32, #tpu.memory_space<vmem>>) dst(%dma_wait3A_265 : memref<128x64xf32, #tpu.memory_space<hbm>>)
      tpu.yield
    }) : () -> ()
    return
  }
}

module attributes {stable_mosaic.version = 14 : i64} {
  func.func @body(%arg0: memref<10000x16xf32, #tpu.memory_space<vmem>>, %arg1: memref<10000x16xf32, #tpu.memory_space<vmem>>, %arg2: memref<10000x128xf32, #tpu.memory_space<vmem>>, %arg3: memref<128x128xf32, #tpu.memory_space<vmem>>, %arg4: memref<10000x64xf32, #tpu.memory_space<vmem>>, %arg5: memref<10000x64xf32, #tpu.memory_space<vmem>>, %arg6: memref<10000x1xf32, #tpu.memory_space<vmem>>) attributes {dimension_semantics = [], scalar_prefetch = 0 : i64, scratch_operands = 0 : i64, tpu.core_type = #tpu.core_type<tc>} {
    %get3A = arith.constant 0 : index
    %get3A_0 = arith.constant 0 : index
    %get3A_1 = vector.load %arg0[%get3A, %get3A_0] : memref<10000x16xf32, #tpu.memory_space<vmem>>, vector<10000x1xf32>
    %get3A_2 = arith.constant 0 : index
    %get3A_3 = arith.constant 0 : index
    %get3A_4 = vector.load %arg1[%get3A_2, %get3A_3] : memref<10000x16xf32, #tpu.memory_space<vmem>>, vector<10000x1xf32>
    %add3A = arith.addf %get3A_1, %get3A_4 : vector<10000x1xf32>
    %add3A_5 = arith.constant 1.000000e+00 : f32
    %add3A_6 = vector.broadcast %add3A_5 : f32 to vector<10000x1xf32>
    %add3A_7 = arith.addf %add3A, %add3A_6 : vector<10000x1xf32>
    %rsqrt3A = math.rsqrt %add3A_7 : vector<10000x1xf32>
    %get3A_8 = arith.constant 0 : index
    %get3A_9 = arith.constant 0 : index
    %get3A_10 = vector.load %arg2[%get3A_8, %get3A_9] : memref<10000x128xf32, #tpu.memory_space<vmem>>, vector<10000x128xf32>
    %get3A_11 = arith.constant 0 : index
    %get3A_12 = arith.constant 0 : index
    %get3A_13 = vector.load %arg3[%get3A_11, %get3A_12] : memref<128x128xf32, #tpu.memory_space<vmem>>, vector<128x128xf32>
    %dot_general3A = arith.constant dense<0.000000e+00> : vector<10000x128xf32>
    %dot_general3A_14 = tpu.matmul %get3A_10, %get3A_13, %dot_general3A {dimension_numbers = #tpu.dot_dimension_numbers<[1], [0], [0], [1], [0, 0, 1, 1], [], []>, transpose_lhs_hint = false} : vector<10000x128xf32>, vector<128x128xf32>, vector<10000x128xf32> -> vector<10000x128xf32>
    %mul3A = vector.broadcast %rsqrt3A : vector<10000x1xf32> to vector<10000x128xf32>
    %mul3A_15 = arith.mulf %dot_general3A_14, %mul3A : vector<10000x128xf32>
    %slice3A = vector.extract_strided_slice %mul3A_15 {offsets = [0, 0], sizes = [10000, 64], strides = [1, 1]} : vector<10000x128xf32> to vector<10000x64xf32>
    %swap3A = arith.constant 0 : index
    %swap3A_16 = arith.constant 0 : index
    %swap3A_17 = vector.load %arg4[%swap3A, %swap3A_16] : memref<10000x64xf32, #tpu.memory_space<vmem>>, vector<10000x64xf32>
    tpu.vector_store %arg4[%swap3A, %swap3A_16], %slice3A {strides = array<i32>} : memref<10000x64xf32, #tpu.memory_space<vmem>>, vector<10000x64xf32>,
    %slice3A_18 = vector.extract_strided_slice %mul3A_15 {offsets = [0, 64], sizes = [10000, 64], strides = [1, 1]} : vector<10000x128xf32> to vector<10000x64xf32>
    %swap3A_19 = arith.constant 0 : index
    %swap3A_20 = arith.constant 0 : index
    %swap3A_21 = vector.load %arg5[%swap3A_19, %swap3A_20] : memref<10000x64xf32, #tpu.memory_space<vmem>>, vector<10000x64xf32>
    tpu.vector_store %arg5[%swap3A_19, %swap3A_20], %slice3A_18 {strides = array<i32>} : memref<10000x64xf32, #tpu.memory_space<vmem>>, vector<10000x64xf32>,
    %swap3A_22 = arith.constant 0 : index
    %swap3A_23 = arith.constant 0 : index
    %swap3A_24 = vector.load %arg6[%swap3A_22, %swap3A_23] : memref<10000x1xf32, #tpu.memory_space<vmem>>, vector<10000x1xf32>
    tpu.vector_store %arg6[%swap3A_22, %swap3A_23], %rsqrt3A {strides = array<i32>} : memref<10000x1xf32, #tpu.memory_space<vmem>>, vector<10000x1xf32>,
    return
  }
}

module attributes {stable_mosaic.version = 14 : i64} {
  func.func @body(%arg0: memref<2x10000x64xf32, #tpu.memory_space<vmem>>, %arg1: memref<2x10000x64xf32, #tpu.memory_space<vmem>>, %arg2: memref<10000x64xf32, #tpu.memory_space<vmem>>, %arg3: memref<10000x64xf32, #tpu.memory_space<vmem>>, %arg4: memref<10000x1xf32, #tpu.memory_space<vmem>>, %arg5: memref<1x128xf32, #tpu.memory_space<vmem>>, %arg6: memref<1x128xf32, #tpu.memory_space<vmem>>, %arg7: memref<1x128xf32, #tpu.memory_space<vmem>>, %arg8: memref<128x64xf32, #tpu.memory_space<vmem>>, %arg9: memref<10000x64xf32, #tpu.memory_space<vmem>>) attributes {dimension_semantics = [], scalar_prefetch = 0 : i64, scratch_operands = 0 : i64, tpu.core_type = #tpu.core_type<tc>} {
    %get3A = arith.constant 0 : index
    %get3A_0 = arith.constant 0 : index
    %get3A_1 = vector.load %arg4[%get3A, %get3A_0] : memref<10000x1xf32, #tpu.memory_space<vmem>>, vector<10000x1xf32>
    %get3A_2 = arith.constant 0 : index
    %get3A_3 = arith.constant 0 : index
    %get3A_4 = arith.constant 0 : index
    %get3A_5 = vector.load %arg0[%get3A_2, %get3A_3, %get3A_4] : memref<2x10000x64xf32, #tpu.memory_space<vmem>>, vector<1x10000x64xf32>
    %get3A_6 = vector.shape_cast %get3A_5 : vector<1x10000x64xf32> to vector<10000x64xf32>
    %get3A_7 = arith.constant 1 : index
    %get3A_8 = arith.constant 0 : index
    %get3A_9 = arith.constant 0 : index
    %get3A_10 = vector.load %arg0[%get3A_7, %get3A_8, %get3A_9] : memref<2x10000x64xf32, #tpu.memory_space<vmem>>, vector<1x10000x64xf32>
    %get3A_11 = vector.shape_cast %get3A_10 : vector<1x10000x64xf32> to vector<10000x64xf32>
    %add3A = arith.addf %get3A_6, %get3A_11 : vector<10000x64xf32>
    %get3A_12 = arith.constant 0 : index
    %get3A_13 = arith.constant 0 : index
    %get3A_14 = vector.load %arg2[%get3A_12, %get3A_13] : memref<10000x64xf32, #tpu.memory_space<vmem>>, vector<10000x64xf32>
    %add3A_15 = arith.addf %add3A, %get3A_14 : vector<10000x64xf32>
    %mul3A = vector.broadcast %get3A_1 : vector<10000x1xf32> to vector<10000x64xf32>
    %mul3A_16 = arith.mulf %mul3A, %add3A_15 : vector<10000x64xf32>
    %get3A_17 = arith.constant 0 : index
    %get3A_18 = arith.constant 0 : index
    %get3A_19 = arith.constant 0 : index
    %get3A_20 = vector.load %arg1[%get3A_17, %get3A_18, %get3A_19] : memref<2x10000x64xf32, #tpu.memory_space<vmem>>, vector<1x10000x64xf32>
    %get3A_21 = vector.shape_cast %get3A_20 : vector<1x10000x64xf32> to vector<10000x64xf32>
    %get3A_22 = arith.constant 1 : index
    %get3A_23 = arith.constant 0 : index
    %get3A_24 = arith.constant 0 : index
    %get3A_25 = vector.load %arg1[%get3A_22, %get3A_23, %get3A_24] : memref<2x10000x64xf32, #tpu.memory_space<vmem>>, vector<1x10000x64xf32>
    %get3A_26 = vector.shape_cast %get3A_25 : vector<1x10000x64xf32> to vector<10000x64xf32>
    %add3A_27 = arith.addf %get3A_21, %get3A_26 : vector<10000x64xf32>
    %get3A_28 = arith.constant 0 : index
    %get3A_29 = arith.constant 0 : index
    %get3A_30 = vector.load %arg3[%get3A_28, %get3A_29] : memref<10000x64xf32, #tpu.memory_space<vmem>>, vector<10000x64xf32>
    %add3A_31 = arith.addf %add3A_27, %get3A_30 : vector<10000x64xf32>
    %mul3A_32 = vector.broadcast %get3A_1 : vector<10000x1xf32> to vector<10000x64xf32>
    %mul3A_33 = arith.mulf %mul3A_32, %add3A_31 : vector<10000x64xf32>
    %concatenate3A = tpu.concatenate %mul3A_16, %mul3A_33 in 1 : vector<10000x64xf32>, vector<10000x64xf32> -> vector<10000x128xf32>
    %get3A_34 = arith.constant 0 : index
    %get3A_35 = arith.constant 0 : index
    %get3A_36 = vector.load %arg5[%get3A_34, %get3A_35] : memref<1x128xf32, #tpu.memory_space<vmem>>, vector<1x128xf32>
    %add3A_37 = vector.broadcast %get3A_36 : vector<1x128xf32> to vector<10000x128xf32>
    %add3A_38 = arith.addf %concatenate3A, %add3A_37 : vector<10000x128xf32>
    %reduce_sum3A = arith.constant dense<0.000000e+00> : vector<128xf32>
    %reduce_sum3A_39 = vector.multi_reduction <add>, %add3A_38, %reduce_sum3A [0] : vector<10000x128xf32> to vector<128xf32>
    %broadcast_in_dim3A = vector.shape_cast %reduce_sum3A_39 : vector<128xf32> to vector<1x128xf32>
    %div3A = arith.constant 1.000000e+04 : f32
    %div3A_40 = vector.broadcast %div3A : f32 to vector<1x128xf32>
    %div3A_41 = arith.divf %broadcast_in_dim3A, %div3A_40 : vector<1x128xf32>
    %sub3A = vector.broadcast %div3A_41 : vector<1x128xf32> to vector<10000x128xf32>
    %sub3A_42 = arith.subf %add3A_38, %sub3A : vector<10000x128xf32>
    %mul3A_43 = arith.mulf %sub3A_42, %sub3A_42 : vector<10000x128xf32>
    %reduce_sum3A_44 = arith.constant dense<0.000000e+00> : vector<128xf32>
    %reduce_sum3A_45 = vector.multi_reduction <add>, %mul3A_43, %reduce_sum3A_44 [0] : vector<10000x128xf32> to vector<128xf32>
    %broadcast_in_dim3A_46 = vector.shape_cast %reduce_sum3A_45 : vector<128xf32> to vector<1x128xf32>
    %div3A_47 = arith.constant 1.000000e+04 : f32
    %div3A_48 = vector.broadcast %div3A_47 : f32 to vector<1x128xf32>
    %div3A_49 = arith.divf %broadcast_in_dim3A_46, %div3A_48 : vector<1x128xf32>
    %add3A_50 = arith.constant 9.99999974E-6 : f32
    %add3A_51 = vector.broadcast %add3A_50 : f32 to vector<1x128xf32>
    %add3A_52 = arith.addf %div3A_49, %add3A_51 : vector<1x128xf32>
    %rsqrt3A = math.rsqrt %add3A_52 : vector<1x128xf32>
    %mul3A_53 = vector.broadcast %rsqrt3A : vector<1x128xf32> to vector<10000x128xf32>
    %mul3A_54 = arith.mulf %sub3A_42, %mul3A_53 : vector<10000x128xf32>
    %get3A_55 = arith.constant 0 : index
    %get3A_56 = arith.constant 0 : index
    %get3A_57 = vector.load %arg6[%get3A_55, %get3A_56] : memref<1x128xf32, #tpu.memory_space<vmem>>, vector<1x128xf32>
    %mul3A_58 = vector.broadcast %get3A_57 : vector<1x128xf32> to vector<10000x128xf32>
    %mul3A_59 = arith.mulf %mul3A_54, %mul3A_58 : vector<10000x128xf32>
    %get3A_60 = arith.constant 0 : index
    %get3A_61 = arith.constant 0 : index
    %get3A_62 = vector.load %arg7[%get3A_60, %get3A_61] : memref<1x128xf32, #tpu.memory_space<vmem>>, vector<1x128xf32>
    %add3A_63 = vector.broadcast %get3A_62 : vector<1x128xf32> to vector<10000x128xf32>
    %add3A_64 = arith.addf %mul3A_59, %add3A_63 : vector<10000x128xf32>
    %max3A = arith.constant 0.000000e+00 : f32
    %max3A_65 = vector.broadcast %max3A : f32 to vector<10000x128xf32>
    %max3A_66 = arith.maximumf %add3A_64, %max3A_65 : vector<10000x128xf32>
    %get3A_67 = arith.constant 0 : index
    %get3A_68 = arith.constant 0 : index
    %get3A_69 = vector.load %arg8[%get3A_67, %get3A_68] : memref<128x64xf32, #tpu.memory_space<vmem>>, vector<128x64xf32>
    %dot_general3A = arith.constant dense<0.000000e+00> : vector<10000x64xf32>
    %dot_general3A_70 = tpu.matmul %max3A_66, %get3A_69, %dot_general3A {dimension_numbers = #tpu.dot_dimension_numbers<[1], [0], [0], [1], [0, 0, 1, 1], [], []>, transpose_lhs_hint = false} : vector<10000x128xf32>, vector<128x64xf32>, vector<10000x64xf32> -> vector<10000x64xf32>
    %mul3A_71 = vector.broadcast %get3A_1 : vector<10000x1xf32> to vector<10000x64xf32>
    %mul3A_72 = arith.mulf %dot_general3A_70, %mul3A_71 : vector<10000x64xf32>
    %swap3A = arith.constant 0 : index
    %swap3A_73 = arith.constant 0 : index
    %swap3A_74 = vector.load %arg9[%swap3A, %swap3A_73] : memref<10000x64xf32, #tpu.memory_space<vmem>>, vector<10000x64xf32>
    tpu.vector_store %arg9[%swap3A, %swap3A_73], %mul3A_72 {strides = array<i32>} : memref<10000x64xf32, #tpu.memory_space<vmem>>, vector<10000x64xf32>,
    return
  }
}

module attributes {stable_mosaic.version = 14 : i64} {
  func.func @body(%arg0: memref<2x10000x64xf32, #tpu.memory_space<vmem>>, %arg1: memref<10000x64xf32, #tpu.memory_space<vmem>>, %arg2: memref<10000x1xf32, #tpu.memory_space<vmem>>, %arg3: memref<1x64xf32, #tpu.memory_space<vmem>>, %arg4: memref<10000x64xf32, #tpu.memory_space<vmem>>) attributes {dimension_semantics = [], scalar_prefetch = 0 : i64, scratch_operands = 0 : i64, tpu.core_type = #tpu.core_type<tc>} {
    %get3A = arith.constant 0 : index
    %get3A_0 = arith.constant 0 : index
    %get3A_1 = vector.load %arg2[%get3A, %get3A_0] : memref<10000x1xf32, #tpu.memory_space<vmem>>, vector<10000x1xf32>
    %get3A_2 = arith.constant 0 : index
    %get3A_3 = arith.constant 0 : index
    %get3A_4 = arith.constant 0 : index
    %get3A_5 = vector.load %arg0[%get3A_2, %get3A_3, %get3A_4] : memref<2x10000x64xf32, #tpu.memory_space<vmem>>, vector<1x10000x64xf32>
    %get3A_6 = vector.shape_cast %get3A_5 : vector<1x10000x64xf32> to vector<10000x64xf32>
    %get3A_7 = arith.constant 1 : index
    %get3A_8 = arith.constant 0 : index
    %get3A_9 = arith.constant 0 : index
    %get3A_10 = vector.load %arg0[%get3A_7, %get3A_8, %get3A_9] : memref<2x10000x64xf32, #tpu.memory_space<vmem>>, vector<1x10000x64xf32>
    %get3A_11 = vector.shape_cast %get3A_10 : vector<1x10000x64xf32> to vector<10000x64xf32>
    %add3A = arith.addf %get3A_6, %get3A_11 : vector<10000x64xf32>
    %get3A_12 = arith.constant 0 : index
    %get3A_13 = arith.constant 0 : index
    %get3A_14 = vector.load %arg1[%get3A_12, %get3A_13] : memref<10000x64xf32, #tpu.memory_space<vmem>>, vector<10000x64xf32>
    %add3A_15 = arith.addf %add3A, %get3A_14 : vector<10000x64xf32>
    %mul3A = vector.broadcast %get3A_1 : vector<10000x1xf32> to vector<10000x64xf32>
    %mul3A_16 = arith.mulf %mul3A, %add3A_15 : vector<10000x64xf32>
    %get3A_17 = arith.constant 0 : index
    %get3A_18 = arith.constant 0 : index
    %get3A_19 = vector.load %arg3[%get3A_17, %get3A_18] : memref<1x64xf32, #tpu.memory_space<vmem>>, vector<1x64xf32>
    %add3A_20 = vector.broadcast %get3A_19 : vector<1x64xf32> to vector<10000x64xf32>
    %add3A_21 = arith.addf %mul3A_16, %add3A_20 : vector<10000x64xf32>
    %swap3A = arith.constant 0 : index
    %swap3A_22 = arith.constant 0 : index
    %swap3A_23 = vector.load %arg4[%swap3A, %swap3A_22] : memref<10000x64xf32, #tpu.memory_space<vmem>>, vector<10000x64xf32>
    tpu.vector_store %arg4[%swap3A, %swap3A_22], %add3A_21 {strides = array<i32>} : memref<10000x64xf32, #tpu.memory_space<vmem>>, vector<10000x64xf32>,
    return
  }
}

</mosaic_0001>

<sc_bundles>
// kernel: kernel.11.cloned.1.call-start
scs
__scs_entry_jumppad:
0x0: {  	(pc) =	sbr.rel $0x88, $3  }
0x1: {  	(tag) =	ssettag $0x0;
	lr =	simm.s32 $0x1  }
0x2: {  	[smem:$0x3F99] =	sst lr;
	_ =	strace $0xD0000000  }
0x3: {  	_ = 	snop  }
0x4: {  	_ = 	snop  }
0x5: {  	_ = 	snop  }
0x6: {  	_ = 	snop  }
0x7: {  	_ = 	snop  }
__scs_overlays_trampoline_lowered:
0x8: {  	[smem:$0x3FA8] =	sst s0  }
0x9: {  	[smem:$0x3FA9] =	sst s1  }
0xa: {  	[smem:$0x3FAA] =	sst s2  }
0xb: {  	[smem:$0x3FAB] =	sst s3  }
0xc: {  	[smem:$0x3FAC] =	sst s4  }
0xd: {  	[smem:$0x3FAD] =	sst s5  }
0xe: {  	[smem:$0x3FAE] =	sst s6  }
0xf: {  	[smem:$0x3FAF] =	sst s7  }
0x10: {  	[smem:$0x3FB0] =	sst s8  }
0x11: {  	[smem:$0x3FB1] =	sst s9;
	s0 =	simm.s32 @!p0 $0x0  }
0x12: {  	s1 =	sld [smem:$0x3F97];
	s0 =	simm.s32 @p0 $0x1  }
0x13: {  	[smem:$0x3FB2] =	sst s0;
	s0 =	simm.s32 @!p1 $0x0  }
0x14: {  	s2 =	sld [smem:$0x3F96];
	s0 =	simm.s32 @p1 $0x1  }
0x15: {  	[smem:$0x3FB3] =	sst s0;
	s0 =	simm.s32 @!p2 $0x0  }
0x16: {  	s3 =	sld [smem:$0x3FDB];
	s0 =	simm.s32 @p2 $0x1  }
0x17: {  	s4 =	simm.s32 $0x1BF5;
	[smem:$0x3FB5] =	sst s0  }
0x18: {  	s0 =	sld [smem:$0x3F98];
	_ =	swait.ge [sflag:s4], $0x0  }
0x19: {  	s7 =	sld [smem:$0x3F99]  }
0x1a: {  	s8 =	sadd.s32 $0xFFFFE003, lr  }
0x1b: {  	s9 =	sadd.s32 $0xFFFFFEF7, lr;
	s5 =	simm.s32 $0xFFFFFFFF;
	p2 =	slt.u32 s8, $0xFFFFF086  }
0x1c: {  	p1 =	slt.u32 s9, $0xF7A;
	s5 =	simm.s32 @!p2 $0x0  }
0x1d: {  	s5 =	simm.s32 @p1 $0x1;
	p0 =	seq.s32 s7, s2  }
0x1e: {  	s7 =	smul.u32 @!p0 $0xF7A, s2;
	p2 =	seq.s32 @!p0 s5, $0x0  }
0x1f: {  	s9 =	smul.u32 $0xF7A, s1;
	s8 =	simm.s32 @!p0 $0x1BF5;
	p2 =	por !p2, p0  }
0x20: {  	[sflag:s8] =	ssyncset.s32 @!p0 $0xFFFFF086;
	s6 =	sadd.s32 @!p0 s3, s7;
	s7 =	simm.s32 @!p0 $0x108  }
0x21: {  	s3 =	sadd.s32 s3, s9;
	s6 =	sadd.s32 @!p0 $0x88, s6;
	s7 =	simm.s32 @p2 $0x1082  }
0x22: {  	[simem:s7], [sflag:s8] =	dma.local @!p0 [hbm:s6], $0xF7A  }
0x23: {  	s9 =	sor.u32 $0xD0000000, s2;
	s6 =	simm.s32 $0x108;
	_ =	swait.ge @!p0 [sflag:s8], $0x0  }
0x24: {  	s3 =	sadd.s32 $0x88, s3;
	s6 =	simm.s32 @!p1 $0x1082;
	[sflag:s4] =	ssyncset.s32 $0xFFFFF086  }
0x25: {  	[simem:s6], [sflag:s4] =	dma.local [hbm:s3], $0xF7A  }
0x26: {  	[smem:$0x3F99] =	sst s1;
	(tag) =	ssettag s2;
	_ =	strace s9  }
0x27: {  	s1 =	sld [smem:$0x3FA9]  }
0x28: {  	s2 =	sld [smem:$0x3FAA]  }
0x29: {  	s4 =	sld [smem:$0x3FAC]  }
0x2a: {  	p0 =	seq.s32 s5, $0x0;
	s5 =	sld [smem:$0x3FAD]  }
0x2b: {  	s6 =	sld [smem:$0x3FAE]  }
0x2c: {  	s7 =	sld [smem:$0x3FAF]  }
0x2d: {  	s3 =	simm.s32 $0x108;
	s8 =	sld [smem:$0x3FB0]  }
0x2e: {  	s3 =	simm.s32 @!p0 $0x1082;
	s9 =	sld [smem:$0x3FB1]  }
0x2f: {  	lr =	sadd.s32 s0, s3;
	s0 =	sld [smem:$0x3FA8]  }
0x30: {  	s3 =	sld [smem:$0x3FAB]  }
0x31: {  	[smem:$0x3FB4] =	sst s10  }
0x32: {  	s10 =	sld [smem:$0x3FB2];
	_ =	sdelay $0x3  }
0x33: {  	p0 =	seq.s32 s10, $0x1;
	s10 =	sld [smem:$0x3FB4];
	_ =	sdelay $0x3  }
0x34: {  	[smem:$0x3FB4] =	sst s10  }
0x35: {  	s10 =	sld [smem:$0x3FB3];
	_ =	sdelay $0x3  }
0x36: {  	p1 =	seq.s32 s10, $0x1;
	s10 =	sld [smem:$0x3FB4];
	_ =	sdelay $0x3  }
0x37: {  	[smem:$0x3FB4] =	sst s10  }
0x38: {  	s10 =	sld [smem:$0x3FB5]  }
0x39: {  	_ = 	snop;
	(pc) =	sbr.ind lr, $3  }
0x3a: {  	_ = 	snop  }
0x3b: {  	_ = 	snop  }
0x3c: {  	p2 =	seq.s32 s10, $0x1;
	s10 =	sld [smem:$0x3FB4]  }
0x3d: {  	_ =	shalt  }
0x3e: {  	_ =	shalt  }
0x3f: {  	_ =	shalt  }
0x40: {  	_ =	shalt  }
0x41: {  	_ =	shalt  }
0x42: {  	_ =	shalt  }
0x43: {  	_ =	shalt  }
0x44: {  	_ =	shalt  }
0x45: {  	_ =	shalt  }
0x46: {  	_ =	shalt  }
0x47: {  	_ =	shalt  }
0x48: {  	_ =	shalt  }
0x49: {  	_ =	shalt  }
0x4a: {  	_ =	shalt  }
0x4b: {  	_ =	shalt  }
0x4c: {  	_ =	shalt  }
0x4d: {  	_ =	shalt  }
0x4e: {  	_ =	shalt  }
0x4f: {  	_ =	shalt  }
0x50: {  	_ =	shalt  }
0x51: {  	_ =	shalt  }
0x52: {  	_ =	shalt  }
0x53: {  	_ =	shalt  }
0x54: {  	_ =	shalt  }
0x55: {  	_ =	shalt  }
0x56: {  	_ =	shalt  }
0x57: {  	_ =	shalt  }
0x58: {  	_ =	shalt  }
0x59: {  	_ =	shalt  }
0x5a: {  	_ =	shalt  }
0x5b: {  	_ =	shalt  }
0x5c: {  	_ =	shalt  }
0x5d: {  	_ =	shalt  }
0x5e: {  	_ =	shalt  }
0x5f: {  	_ =	shalt  }
0x60: {  	_ =	shalt  }
0x61: {  	_ =	shalt  }
0x62: {  	_ =	shalt  }
0x63: {  	_ =	shalt  }
0x64: {  	_ =	shalt  }
0x65: {  	_ =	shalt  }
0x66: {  	_ =	shalt  }
0x67: {  	_ =	shalt  }
0x68: {  	_ =	shalt  }
0x69: {  	_ =	shalt  }
0x6a: {  	_ =	shalt  }
0x6b: {  	_ =	shalt  }
0x6c: {  	_ =	shalt  }
0x6d: {  	_ =	shalt  }
0x6e: {  	_ =	shalt  }
0x6f: {  	_ =	shalt  }
0x70: {  	_ =	shalt  }
0x71: {  	_ =	shalt  }
0x72: {  	_ =	shalt  }
0x73: {  	_ =	shalt  }
0x74: {  	_ =	shalt  }
0x75: {  	_ =	shalt  }
0x76: {  	_ =	shalt  }
0x77: {  	_ =	shalt  }
0x78: {  	_ =	shalt  }
0x79: {  	_ =	shalt  }
0x7a: {  	_ =	shalt  }
0x7b: {  	_ =	shalt  }
0x7c: {  	_ =	shalt  }
0x7d: {  	_ =	shalt  }
0x7e: {  	_ =	shalt  }
0x7f: {  	_ =	shalt  }
0x80: {  	_ =	shalt  }
0x81: {  	_ =	shalt  }
0x82: {  	_ =	shalt  }
0x83: {  	_ =	shalt  }
0x84: {  	_ =	shalt  }
0x85: {  	_ =	shalt  }
0x86: {  	_ =	shalt  }
0x87: {  	_ =	shalt  }
.Lfunc_end0:
.L_simem_size_0:
called_computation.1_lowered:
.L_overlay_start_0:
0x88: {  	s2 =	sld [smem:$0x3FD9]  }
0x89: {  	s3 =	sld [smem:$0x3FFE];
	_ =	sdelay $0x1  }
0x8a: {  	s1 =	srdreg.scid  }
0x8b: {  	s0 =	sand.u32 $0x1, s1  }
0x8c: {  	s17 =	sshll.u32 s0, $0xA;
	s2 =	sadd.s32 s3, s2  }
0x8d: {  	s2 =	sadd.s32 s2, s17  }
0x8e: {  	[smem:$0x3FC0] =	sst s2  }
0x8f: {  	_ = 	snop  }
0x90: {  	s2 =	sld [smem:$0x3FD0];
	(tm) =	ssettm $0x1  }
0x91: {  	s18 =	sld [smem:$0x3FFB];
	_ =	sdelay $0x3  }
0x92: {  	_ =	strace s18  }
0x93: {  	s3 =	sld [smem:$0x3FFC];
	_ =	sdelay $0x3  }
0x94: {  	_ =	strace s3  }
0x95: {  	s3 =	sld [smem:$0x3FFD];
	_ =	sdelay $0x3  }
0x96: {  	_ =	strace s3  }
0x97: {  	_ =	strace $0x8FFFFFFF  }
0x98: {  	s19 =	sld [smem:$0x3FDB];
	_ =	sdelay $0x1  }
0x99: {  	s4 =	simm.s32 $_scs_section_size  }
0x9a: {  	s5 =	simm.s32 $_size__tile_overlayer_lowered;
	s6 =	simm.s32 $_tile_overlayer_lowered  }
0x9b: {  	s22 =	simm.s32 $0x1BFF;
	s21 =	sshll.u32 s6, $0x1;
	s3 =	sadd.s32 s4, s19  }
0x9c: {  	s7 =	simm.s32 $0x0;
	s20 =	sshll.u32 s5, $0x1;
	s5 =	sadd.s32 s21, s3  }
0x9d: {  	[timem:s7], [sflag:s22] =	dma.local [hbm:s5], s20  }
0x9e: {  	_ =	swait.ge [sflag:s22], s20  }
0x9f: {  	s4 =	ssub.s32 $0x0, s20;
	[sflag:s22] =	ssyncset.done $0x0  }
0xa0: {  	[sflag:s22] =	ssyncadd.s32 s4;
	_ =	sdelay $0x1  }
0xa1: {  	s23 =	simm.s32 $0x1B8B  }
0xa2: {  	_ =	swait.ge [sflag:s23], $0x1  }
0xa3: {  	[sflag:s23] =	ssyncset.done $0x0  }
0xa4: {  	s25 =	simm.s32 $0x1B8E;
	s24 =	sld [smem:$0x3FFE];
	[sflag:s23] =	ssyncadd.s32 $0xFFFFFFFF  }
0xa5: {  	s26 =	simm.s32 $execute0_lowered;
	[smem:$0x3FD2] =	sst s25  }
0xa6: {  	s5 =	sshll.u32 s26, $0x1;
	_ =	strace $0x80000049;
	[dreg:$0x1] =	wrdreg $0xFFFFFFFF  }
0xa7: {  	s28 =	simm.s32 $_size_execute0_lowered;
	s3 =	sadd.s32 s3, s5;
	[dreg:$0x0] =	wrdreg $0x0  }
0xa8: {  	s5 =	sshll.u32 s28, $0x1;
	[dreg:$0x2] =	wrdreg s3  }
0xa9: {  	[dreg:$0x3] =	wrdreg s5  }
0xaa: {  	[dreg:$0x4] =	wrdreg $0xC0  }
0xab: {  	_ =	task [dreg:s7], $0x5FFFF  }
0xac: {  	[dreg:$0x1] =	wrdreg $0xFFFFFFFF  }
0xad: {  	[dreg:$0x0] =	wrdreg $0x60  }
0xae: {  	[dreg:$0x2] =	wrdreg s2  }
0xaf: {  	[dreg:$0x3] =	wrdreg s24  }
0xb0: {  	[dreg:$0x4] =	wrdreg $0xBEC00  }
0xb1: {  	[dreg:$0x5] =	wrdreg $0x9  }
0xb2: {  	_ =	task.clear_ibuf [dreg:s7], $0x6FFFF;
	_ =	strace $0x90000049  }
0xb3: {  	s29 =	simm.s32 $0x9;
	_ =	strace $0x8000004B  }
0xb4: {  	_ =	swait.ge [sflag:s29], $0x1  }
0xb5: {  	[sflag:s29] =	ssyncadd.s32 $0xFFFFFFFF  }
0xb6: {  	_ =	strace $0x9000004B  }
0xb7: {  	_ =	sfence  }
0xb8: {  	s30 =	sld [smem:$0x0];
	_ =	sdelay $0x2  }
0xb9: {  	s31 =	sshll.u32 s1, $0xD;
	s1 =	sshrl.u32 s1, $0x2  }
0xba: {  	s3 =	sand.u32 $0x4000, s31;
	s1 =	sadd.s32 s1, s30  }
0xbb: {  	s0 =	sor.u32 s3, s0;
	s1 =	sshll.u32 s1, $0x11  }
0xbc: {  	s0 =	sor.u32 s1, s0  }
0xbd: {  	s0 =	sadd.s32 $0x8F2B, s0  }
0xbe: {  	[sflag:s0] =	ssyncadd.remote.s32 $0x1  }
0xbf: {  	_ =	sfence.sel $0xFFFF  }
0xc0: {  	[dreg:$0x0] =	wrdreg $0xFFFFFFFF;
	(pc) =	sbr.abs _section_cstart, $3  }
0xc1: {  	[dreg:$0x1] =	wrdreg $0xFFFFFFFF  }
0xc2: {  	_ =	task.clear_ibuf [dreg:s7], $0x2FFFF;
	_ =	strace $0x9FFFFFFF  }
0xc3: {  	(tm) =	ssettm $0x7FFFFFFF  }
tec
execute0_lowered:
.L_overlay_start_1:
0x0: {  	(tag) =	ssettag $0x1  }
0x1: {  	s1 =	rddreg [dreg:$0x0]  }
0x2: {  	s0 =	rddreg [dreg:$0x1];
	s2 =	srdreg.scid  }
0x3: {  	s8 =	stileid.u32;
	s3 =	rddreg [dreg:$0x2]  }
0x4: {  	s4 =	simm.s32 $0x0;
	s28 =	simm.s32 $0x4EC0;
	s29 =	simm.s32 $0x62C0  }
0x5: {  	s30 =	simm.s32 $0x1;
	s31 =	simm.s32 $0x2;
	s20 =	smul.u32 $0x28000, s8  }
0x6: {  	s2 =	sand.u32 $0x1, s2;
	s5 =	sshll.u32 s8, $0x1;
	s9 =	smul.u32 $0x280, s8  }
0x7: {  	s5 =	sor.u32 s2, s5;
	s7 =	ssub.s32 $0x2, s2;
	s2 =	smul.u32 $0x2800, s2  }
0x8: {  	[smem:$0x7FF] =	sst s4;
	s12 =	sadd.s32 $0x50A00, s0;
	s6 =	smul.u32 $0x4EC, s5  }
0x9: {  	_ =	strace $0x8000004A;
	s5 =	sadd.s32 $0x3D000, s0;
	s21 =	sshrl.u32 s7, $0x1  }
0xa: {  	s13 =	ssub.s32 s7, s21;
	s2 =	sadd.s32 s9, s2;
	s11 =	sadd.s32 s6, s0  }
0xb: {  	s6 =	sshrl.u32 s20, $0x2;
	s0 =	sadd.s32 $0x78A00, s0;
	s2 =	sshll.u32 s2, $0x3  }
0xc: {  	s6 =	sadd.s32 s6, s3;
	s14 =	sadd.s32 $0xC000, s11;
	s11 =	sadd.s32 $0x2200, s11  }
0xd: {  	s22 =	sadd.s32 $0x400, s2;
	s23 =	sadd.s32 s12, s2;
	s25 =	sadd.s32 $0x800, s2  }
0xe: {  	s26 =	sadd.s32 $0xC00, s2;
	s16 =	sadd.s32 $0x1000, s2;
	s2 =	sadd.s32 s0, s2  }
0xf: {  	s7 =	sadd.s32 $0x2000, s6;
	s8 =	sadd.s32 $0x4000, s6;
	[dreg:$0x4] =	wrdreg s14  }
0x10: {  	s9 =	sadd.s32 $0x6000, s6;
	s10 =	sadd.s32 $0x8000, s6;
	[dreg:$0x5] =	wrdreg s11  }
0x11: {  	[dreg:$0x6] =	wrdreg s23;
	s24 =	sadd.s32 s12, s22;
	s15 =	sadd.s32 s12, s25  }
0x12: {  	s17 =	sadd.s32 s12, s26;
	s12 =	sadd.s32 s12, s16;
	[dreg:$0xb] =	wrdreg s2  }
0x13: {  	s19 =	sadd.s32 s0, s22;
	s20 =	sadd.s32 s0, s25;
	s21 =	sadd.s32 s0, s26  }
0x14: {  	s22 =	sadd.s32 s0, s16;
	s23 =	smax.u32 s13, $0x1;
	[dreg:$0x7] =	wrdreg s24  }
0x15: {  	s25 =	simm.s32 $0x3;
	s26 =	simm.s32 $0x50;
	[dreg:$0x8] =	wrdreg s15  }
0x16: {  	s2 =	simm.s32 $0x4E20;
	s0 =	simm.s32 $0x4E70;
	[dreg:$0x9] =	wrdreg s17  }
0x17: {  	v0 =	vimm.f32 $0.0e+00;
	s11 =	simm.s32 $0x0;
	[dreg:$0xa] =	wrdreg s12;
	s24 =	simm.s32 $0x9EC0  }
.LBB2_1:
0x18: {  	s13 =	simm.s32 $0x100;
	s12 =	simm.s32 $0x0  }
.LBB2_2:
0x19: {  	p0 =	sne.s32 s13, $0x7F00;
	[tilespmem:s12+$0x9EF0] =	vst v0;
	s14 =	smov.u32 s13;
	s13 =	sadd.s32 $0x100, s13  }
.Ltmp0:
0x1a: {  	[tilespmem:s12+$0x9EE0] =	vst v0;
	(pc) =	sbr.rel @p0 .LBB2_2-.Ltmp0, $3  }
0x1b: {  	[tilespmem:s12+$0x9EC0] =	vst v0  }
0x1c: {  	[tilespmem:s12+$0x9ED0] =	vst v0;
	_ =	sdelay $0x1  }
0x1d: {  	s12 =	sshra.s32 s14, $0x2  }
0x1e: {  	[tilespmem:s12+$0x9EF0] =	vst v0  }
0x1f: {  	[tilespmem:s12+$0x9EE0] =	vst v0  }
0x20: {  	[tilespmem:s12+$0x9EC0] =	vst v0  }
0x21: {  	[tilespmem:s12+$0x9ED0] =	vst v0  }
0x22: {  	[spmem:s6] =	stream.linear.scatter [tilespmem:s24], [sflag:$0x3], $0x2000, $0x38;
	[tilespmem:$0x15EC0] =	vst v63  }
0x23: {  	_ =	swait.ge [sflag:s25], $0x2000  }
0x24: {  	[sflag:s25] =	ssyncset.done $0x0  }
0x25: {  	[sflag:s25] =	ssyncadd.s32 $0xFFFFE000  }
0x26: {  	[spmem:s7] =	stream.linear.scatter [tilespmem:s24], [sflag:$0x3], $0x2000, $0x38;
	[tilespmem:$0x15EC0] =	vst v63  }
0x27: {  	_ =	swait.ge [sflag:s25], $0x2000  }
0x28: {  	[sflag:s25] =	ssyncset.done $0x0  }
0x29: {  	[sflag:s25] =	ssyncadd.s32 $0xFFFFE000  }
0x2a: {  	[spmem:s8] =	stream.linear.scatter [tilespmem:s24], [sflag:$0x3], $0x2000, $0x38;
	[tilespmem:$0x15EC0] =	vst v63  }
0x2b: {  	_ =	swait.ge [sflag:s25], $0x2000  }
0x2c: {  	[sflag:s25] =	ssyncset.done $0x0  }
0x2d: {  	[sflag:s25] =	ssyncadd.s32 $0xFFFFE000  }
0x2e: {  	[spmem:s9] =	stream.linear.scatter [tilespmem:s24], [sflag:$0x3], $0x2000, $0x38;
	[tilespmem:$0x15EC0] =	vst v63  }
0x2f: {  	_ =	swait.ge [sflag:s25], $0x2000  }
0x30: {  	[sflag:s25] =	ssyncset.done $0x0  }
0x31: {  	[sflag:s25] =	ssyncadd.s32 $0xFFFFE000  }
0x32: {  	[spmem:s10] =	stream.linear.scatter [tilespmem:s24], [sflag:$0x3], $0x2000, $0x38;
	[tilespmem:$0x15EC0] =	vst v63  }
0x33: {  	_ =	swait.ge [sflag:s25], $0x2000  }
0x34: {  	[sflag:s25] =	ssyncset.done $0x0  }
0x35: {  	s14 =	simm.s32 $0x0;
	s15 =	rddreg [dreg:$0x4];
	[sflag:s25] =	ssyncadd.s32 $0xFFFFE000  }
0x36: {  	[tilespmem:s14], [sflag:$0x3] =	stream.linear.gather [hbm4b:s15+s14], $0x2760, $0x38;
	[tilespmem:$0x15EC0] =	vst v63  }
0x37: {  	_ =	swait.ge [sflag:s25], $0x2760  }
0x38: {  	[sflag:s25] =	ssyncset.done $0x0  }
0x39: {  	s12 =	simm.s32 $0x2760;
	s13 =	rddreg [dreg:$0x5];
	[sflag:s25] =	ssyncadd.s32 $0xFFFFD8A0  }
0x3a: {  	[tilespmem:s12], [sflag:$0x3] =	stream.linear.gather [hbm4b:s13+s14], $0x2760, $0x38;
	[tilespmem:$0x15EC0] =	vst v63  }
0x3b: {  	_ =	swait.ge [sflag:s25], $0x2760  }
0x3c: {  	[sflag:s25] =	ssyncset.done $0x0  }
0x3d: {  	s13 =	simm.s32 $0x2;
	[sflag:s25] =	ssyncadd.s32 $0xFFFFD8A0  }
0x3e: {  	s15 =	sand.u32 $0x2, s13;
	[bflag:$0x0] =	sbarrier.arrive $0xFFFF  }
0x3f: {  	[tilespmem:s28], [sflag:$0x1] =	stream.indirect.gather [hbm4b:s1+s26], $0x40, s14, s26, $0xb8;
	[tilespmem:$0x15EC0] =	vst v63  }
0x40: {  	s15 =	smul.u32 $0x5000, s15;
	s14 =	sand.u32 $0x2, s14  }
0x41: {  	[tilespmem:s29], [sflag:$0x2] =	stream.indirect.gather [hbm4b:s1+s26], $0x40, s26, s26, $0xb8;
	[tilespmem:$0x15EC0] =	vst v63  }
0x42: {  	s15 =	sshrl.u32 s15, $0x2;
	s16 =	smul.u32 $0x5000, s14;
	_ =	swait.ge [sflag:s30], $0x1400  }
0x43: {  	s15 =	sadd.s32 $0x4EC0, s15;
	[sflag:s30] =	ssyncset.done $0x0  }
0x44: {  	s14 =	simm.s32 $0xA0;
	s16 =	sshrl.u32 s16, $0x2;
	[sflag:s30] =	ssyncadd.s32 $0xFFFFEC00  }
0x45: {  	[tilespmem:s15], [sflag:$0x1] =	stream.indirect.gather [hbm4b:s1+s26], $0x40, s14, s26, $0xb8;
	[tilespmem:$0x15EC0] =	vst v63  }
0x46: {  	s16 =	sadd.s32 $0x4EC0, s16  }
0x47: {  	[spmem:s3] =	stream.indirect.scatter.add.f32 [tilespmem:s16], [sflag:$0x3], $0x40, s12, s26, $0xb8;
	[tilespmem:$0x15EC0] =	vst v63  }
0x48: {  	s17 =	simm.s32 $0xFFFFFFFF;
	_ =	swait.ge [sflag:s25], $0x1400  }
0x49: {  	s15 =	sand.u32 $0x3, s17;
	[sflag:s25] =	ssyncset.done $0x0  }
0x4a: {  	s15 =	smul.u32 $0x5000, s15;
	[sflag:s25] =	ssyncadd.s32 $0xFFFFEC00  }
0x4b: {  	s18 =	simm.s32 $0x1;
	s17 =	simm.s32 $0xF0;
	_ =	swait.ge [sflag:s31], $0x1400  }
0x4c: {  	s16 =	sand.u32 $0x3, s18;
	s15 =	sshrl.u32 s15, $0x2;
	[sflag:s31] =	ssyncset.done $0x0  }
0x4d: {  	s16 =	smul.u32 $0x5000, s16;
	s15 =	sadd.s32 $0x4EC0, s15;
	[sflag:s31] =	ssyncadd.s32 $0xFFFFEC00  }
0x4e: {  	[tilespmem:s15], [sflag:$0x2] =	stream.indirect.gather [hbm4b:s1+s26], $0x40, s17, s26, $0xb8;
	[tilespmem:$0x15EC0] =	vst v63  }
0x4f: {  	s16 =	sshrl.u32 s16, $0x2;
	s15 =	simm.s32 $0x27B0  }
.LBB2_4:
0x50: {  	p0 =	sne.s32 s13, $0x7A  }
0x51: {  	s16 =	sadd.s32 $0x4EC0, s16;
	s17 =	smov.u32 s13;
	s13 =	sadd.s32 $0x2, s13  }
0x52: {  	[spmem:s3] =	stream.indirect.scatter.add.f32 [tilespmem:s16], [sflag:$0x3], $0x40, s15, s26, $0xb8;
	[tilespmem:$0x15EC0] =	vst v63  }
0x53: {  	s15 =	sand.u32 $0x2, s13;
	_ =	swait.ge [sflag:s25], $0x1400  }
0x54: {  	s16 =	sand.u32 $0x2, s17;
	s15 =	smul.u32 $0x5000, s15;
	[sflag:s25] =	ssyncset.done $0x0  }
0x55: {  	s16 =	smul.u32 $0x5000, s16;
	[sflag:s25] =	ssyncadd.s32 $0xFFFFEC00  }
0x56: {  	s14 =	sadd.s32 $0xA0, s14;
	s15 =	sshrl.u32 s15, $0x2;
	_ =	swait.ge [sflag:s30], $0x1400  }
0x57: {  	s16 =	sshrl.u32 s16, $0x2;
	s15 =	sadd.s32 $0x4EC0, s15;
	[sflag:s30] =	ssyncset.done $0x0  }
0x58: {  	s12 =	sadd.s32 $0xA0, s12;
	[sflag:s30] =	ssyncadd.s32 $0xFFFFEC00  }
0x59: {  	[tilespmem:s15], [sflag:$0x1] =	stream.indirect.gather [hbm4b:s1+s26], $0x40, s14, s26, $0xb8;
	[tilespmem:$0x15EC0] =	vst v63  }
0x5a: {  	s15 =	sadd.s32 $0x4EC0, s16;
	s16 =	sadd.s32 $0xFFFFFFFF, s17  }
0x5b: {  	[spmem:s3] =	stream.indirect.scatter.add.f32 [tilespmem:s15], [sflag:$0x3], $0x40, s12, s26, $0xb8;
	[tilespmem:$0x15EC0] =	vst v63  }
0x5c: {  	s15 =	sand.u32 $0x3, s16;
	_ =	swait.ge [sflag:s25], $0x1400  }
0x5d: {  	s16 =	sadd.s32 $0x1, s17;
	s15 =	smul.u32 $0x5000, s15;
	[sflag:s25] =	ssyncset.done $0x0  }
.Ltmp1:
0x5e: {  	s16 =	sand.u32 $0x3, s16;
	[sflag:s25] =	ssyncadd.s32 $0xFFFFEC00;
	(pc) =	sbr.rel @p0 .LBB2_4-.Ltmp1, $4  }
0x5f: {  	s16 =	smul.u32 $0x5000, s16;
	s15 =	sshrl.u32 s15, $0x2;
	_ =	swait.ge [sflag:s31], $0x1400  }
0x60: {  	s18 =	sadd.s32 $0x50, s14;
	s17 =	sadd.s32 $0x4EC0, s15;
	[sflag:s31] =	ssyncset.done $0x0  }
0x61: {  	s16 =	sshrl.u32 s16, $0x2;
	s15 =	sadd.s32 $0x50, s12;
	[sflag:s31] =	ssyncadd.s32 $0xFFFFEC00  }
0x62: {  	[tilespmem:s17], [sflag:$0x2] =	stream.indirect.gather [hbm4b:s1+s26], $0x40, s18, s26, $0xb8;
	[tilespmem:$0x15EC0] =	vst v63  }
0x63: {  	s12 =	sadd.s32 $0x4EC0, s16  }
0x64: {  	[spmem:s3] =	stream.indirect.scatter.add.f32 [tilespmem:s12], [sflag:$0x3], $0x40, s15, s26, $0xb8;
	[tilespmem:$0x15EC0] =	vst v63  }
0x65: {  	_ =	swait.ge [sflag:s25], $0x1400  }
0x66: {  	[sflag:s25] =	ssyncset.done $0x0  }
0x67: {  	[sflag:s25] =	ssyncadd.s32 $0xFFFFEC00  }
0x68: {  	_ =	swait.ge [sflag:s30], $0x1400  }
0x69: {  	[sflag:s30] =	ssyncset.done $0x0  }
0x6a: {  	[sflag:s30] =	ssyncadd.s32 $0xFFFFEC00  }
0x6b: {  	[spmem:s3] =	stream.indirect.scatter.add.f32 [tilespmem:s28], [sflag:$0x3], $0x40, s2, s26, $0xb8;
	[tilespmem:$0x15EC0] =	vst v63  }
0x6c: {  	_ =	swait.ge [sflag:s25], $0x1400  }
0x6d: {  	[sflag:s25] =	ssyncset.done $0x0  }
0x6e: {  	[sflag:s25] =	ssyncadd.s32 $0xFFFFEC00  }
0x6f: {  	_ =	swait.ge [sflag:s31], $0x1400  }
0x70: {  	[sflag:s31] =	ssyncset.done $0x0  }
0x71: {  	[sflag:s31] =	ssyncadd.s32 $0xFFFFEC00  }
0x72: {  	[spmem:s3] =	stream.indirect.scatter.add.f32 [tilespmem:s29], [sflag:$0x3], $0x40, s0, s26, $0xb8;
	[tilespmem:$0x15EC0] =	vst v63  }
0x73: {  	_ =	swait.ge [sflag:s25], $0x1400  }
0x74: {  	[sflag:s25] =	ssyncset.done $0x0  }
0x75: {  	[sflag:s25] =	ssyncadd.s32 $0xFFFFEC00  }
0x76: {  	[bflag:$0x0] =	sbarrier.arrive $0xFFFF  }
0x77: {  	[tilespmem:s24], [sflag:$0x3] =	stream.linear.gather [spmem:s6], $0x2000, $0x38;
	[tilespmem:$0x15EC0] =	vst v63  }
0x78: {  	_ =	swait.ge [sflag:s25], $0x2000  }
0x79: {  	[sflag:s25] =	ssyncset.done $0x0  }
0x7a: {  	s18 =	simm.s32 $0x0;
	s13 =	rddreg [dreg:$0x6];
	[sflag:s25] =	ssyncadd.s32 $0xFFFFE000  }
0x7b: {  	[hbm4b:s13+s18] =	stream.linear.scatter [tilespmem:s24], [sflag:$0x3], $0x2000, $0x38;
	[tilespmem:$0x15EC0] =	vst v63  }
0x7c: {  	_ =	swait.ge [sflag:s25], $0x2000  }
0x7d: {  	[sflag:s25] =	ssyncset.done $0x0  }
0x7e: {  	s12 =	simm.s32 $0x0;
	s13 =	simm.s32 $0x100;
	[sflag:s25] =	ssyncadd.s32 $0xFFFFE000  }
.LBB2_6:
0x7f: {  	p0 =	sne.s32 s13, $0x7F00;
	[tilespmem:s12+$0x9EF0] =	vst v0;
	s14 =	smov.u32 s13;
	s13 =	sadd.s32 $0x100, s13  }
.Ltmp2:
0x80: {  	[tilespmem:s12+$0x9EE0] =	vst v0;
	(pc) =	sbr.rel @p0 .LBB2_6-.Ltmp2, $3  }
0x81: {  	[tilespmem:s12+$0x9EC0] =	vst v0  }
0x82: {  	[tilespmem:s12+$0x9ED0] =	vst v0;
	_ =	sdelay $0x1  }
0x83: {  	s12 =	sshra.s32 s14, $0x2  }
0x84: {  	[tilespmem:s12+$0x9EF0] =	vst v0  }
0x85: {  	[tilespmem:s12+$0x9EE0] =	vst v0  }
0x86: {  	[tilespmem:s12+$0x9EC0] =	vst v0  }
0x87: {  	[tilespmem:s12+$0x9ED0] =	vst v0  }
0x88: {  	[spmem:s6] =	stream.linear.scatter [tilespmem:s24], [sflag:$0x3], $0x2000, $0x38;
	[tilespmem:$0x15EC0] =	vst v63  }
0x89: {  	_ =	swait.ge [sflag:s25], $0x2000  }
0x8a: {  	[sflag:s25] =	ssyncset.done $0x0  }
0x8b: {  	[sflag:s25] =	ssyncadd.s32 $0xFFFFE000  }
0x8c: {  	[tilespmem:s24], [sflag:$0x3] =	stream.linear.gather [spmem:s7], $0x2000, $0x38;
	[tilespmem:$0x15EC0] =	vst v63  }
0x8d: {  	_ =	swait.ge [sflag:s25], $0x2000  }
0x8e: {  	[sflag:s25] =	ssyncset.done $0x0  }
0x8f: {  	s18 =	simm.s32 $0x0;
	s13 =	rddreg [dreg:$0x7];
	[sflag:s25] =	ssyncadd.s32 $0xFFFFE000  }
0x90: {  	[hbm4b:s13+s18] =	stream.linear.scatter [tilespmem:s24], [sflag:$0x3], $0x2000, $0x38;
	[tilespmem:$0x15EC0] =	vst v63  }
0x91: {  	_ =	swait.ge [sflag:s25], $0x2000  }
0x92: {  	[sflag:s25] =	ssyncset.done $0x0  }
0x93: {  	s12 =	simm.s32 $0x0;
	s13 =	simm.s32 $0x100;
	[sflag:s25] =	ssyncadd.s32 $0xFFFFE000  }
.LBB2_8:
0x94: {  	p0 =	sne.s32 s13, $0x7F00;
	[tilespmem:s12+$0x9EF0] =	vst v0;
	s14 =	smov.u32 s13;
	s13 =	sadd.s32 $0x100, s13  }
.Ltmp3:
0x95: {  	[tilespmem:s12+$0x9EE0] =	vst v0;
	(pc) =	sbr.rel @p0 .LBB2_8-.Ltmp3, $3  }
0x96: {  	[tilespmem:s12+$0x9EC0] =	vst v0  }
0x97: {  	[tilespmem:s12+$0x9ED0] =	vst v0;
	_ =	sdelay $0x1  }
0x98: {  	s12 =	sshra.s32 s14, $0x2  }
0x99: {  	[tilespmem:s12+$0x9EF0] =	vst v0  }
0x9a: {  	[tilespmem:s12+$0x9EE0] =	vst v0  }
0x9b: {  	[tilespmem:s12+$0x9EC0] =	vst v0  }
0x9c: {  	[tilespmem:s12+$0x9ED0] =	vst v0  }
0x9d: {  	[spmem:s7] =	stream.linear.scatter [tilespmem:s24], [sflag:$0x3], $0x2000, $0x38;
	[tilespmem:$0x15EC0] =	vst v63  }
0x9e: {  	_ =	swait.ge [sflag:s25], $0x2000  }
0x9f: {  	[sflag:s25] =	ssyncset.done $0x0  }
0xa0: {  	[sflag:s25] =	ssyncadd.s32 $0xFFFFE000  }
0xa1: {  	[tilespmem:s24], [sflag:$0x3] =	stream.linear.gather [spmem:s8], $0x2000, $0x38;
	[tilespmem:$0x15EC0] =	vst v63  }
0xa2: {  	_ =	swait.ge [sflag:s25], $0x2000  }
0xa3: {  	[sflag:s25] =	ssyncset.done $0x0  }
0xa4: {  	s18 =	simm.s32 $0x0;
	s13 =	rddreg [dreg:$0x8];
	[sflag:s25] =	ssyncadd.s32 $0xFFFFE000  }
0xa5: {  	[hbm4b:s13+s18] =	stream.linear.scatter [tilespmem:s24], [sflag:$0x3], $0x2000, $0x38;
	[tilespmem:$0x15EC0] =	vst v63  }
0xa6: {  	_ =	swait.ge [sflag:s25], $0x2000  }
0xa7: {  	[sflag:s25] =	ssyncset.done $0x0  }
0xa8: {  	s12 =	simm.s32 $0x0;
	s13 =	simm.s32 $0x100;
	[sflag:s25] =	ssyncadd.s32 $0xFFFFE000  }
.LBB2_10:
0xa9: {  	p0 =	sne.s32 s13, $0x7F00;
	[tilespmem:s12+$0x9EF0] =	vst v0;
	s14 =	smov.u32 s13;
	s13 =	sadd.s32 $0x100, s13  }
.Ltmp4:
0xaa: {  	[tilespmem:s12+$0x9EE0] =	vst v0;
	(pc) =	sbr.rel @p0 .LBB2_10-.Ltmp4, $3  }
0xab: {  	[tilespmem:s12+$0x9EC0] =	vst v0  }
0xac: {  	[tilespmem:s12+$0x9ED0] =	vst v0;
	_ =	sdelay $0x1  }
0xad: {  	s12 =	sshra.s32 s14, $0x2  }
0xae: {  	[tilespmem:s12+$0x9EF0] =	vst v0  }
0xaf: {  	[tilespmem:s12+$0x9EE0] =	vst v0  }
0xb0: {  	[tilespmem:s12+$0x9EC0] =	vst v0  }
0xb1: {  	[tilespmem:s12+$0x9ED0] =	vst v0  }
0xb2: {  	[spmem:s8] =	stream.linear.scatter [tilespmem:s24], [sflag:$0x3], $0x2000, $0x38;
	[tilespmem:$0x15EC0] =	vst v63  }
0xb3: {  	_ =	swait.ge [sflag:s25], $0x2000  }
0xb4: {  	[sflag:s25] =	ssyncset.done $0x0  }
0xb5: {  	[sflag:s25] =	ssyncadd.s32 $0xFFFFE000  }
0xb6: {  	[tilespmem:s24], [sflag:$0x3] =	stream.linear.gather [spmem:s9], $0x2000, $0x38;
	[tilespmem:$0x15EC0] =	vst v63  }
0xb7: {  	_ =	swait.ge [sflag:s25], $0x2000  }
0xb8: {  	[sflag:s25] =	ssyncset.done $0x0  }
0xb9: {  	s18 =	simm.s32 $0x0;
	s13 =	rddreg [dreg:$0x9];
	[sflag:s25] =	ssyncadd.s32 $0xFFFFE000  }
0xba: {  	[hbm4b:s13+s18] =	stream.linear.scatter [tilespmem:s24], [sflag:$0x3], $0x2000, $0x38;
	[tilespmem:$0x15EC0] =	vst v63  }
0xbb: {  	_ =	swait.ge [sflag:s25], $0x2000  }
0xbc: {  	[sflag:s25] =	ssyncset.done $0x0  }
0xbd: {  	s12 =	simm.s32 $0x0;
	s13 =	simm.s32 $0x100;
	[sflag:s25] =	ssyncadd.s32 $0xFFFFE000  }
.LBB2_12:
0xbe: {  	p0 =	sne.s32 s13, $0x7F00;
	[tilespmem:s12+$0x9EF0] =	vst v0;
	s14 =	smov.u32 s13;
	s13 =	sadd.s32 $0x100, s13  }
.Ltmp5:
0xbf: {  	[tilespmem:s12+$0x9EE0] =	vst v0;
	(pc) =	sbr.rel @p0 .LBB2_12-.Ltmp5, $3  }
0xc0: {  	[tilespmem:s12+$0x9EC0] =	vst v0  }
0xc1: {  	[tilespmem:s12+$0x9ED0] =	vst v0;
	_ =	sdelay $0x1  }
0xc2: {  	s12 =	sshra.s32 s14, $0x2  }
0xc3: {  	[tilespmem:s12+$0x9EF0] =	vst v0  }
0xc4: {  	[tilespmem:s12+$0x9EE0] =	vst v0  }
0xc5: {  	[tilespmem:s12+$0x9EC0] =	vst v0  }
0xc6: {  	[tilespmem:s12+$0x9ED0] =	vst v0  }
0xc7: {  	[spmem:s9] =	stream.linear.scatter [tilespmem:s24], [sflag:$0x3], $0x2000, $0x38;
	[tilespmem:$0x15EC0] =	vst v63  }
0xc8: {  	_ =	swait.ge [sflag:s25], $0x2000  }
0xc9: {  	[sflag:s25] =	ssyncset.done $0x0  }
0xca: {  	[sflag:s25] =	ssyncadd.s32 $0xFFFFE000  }
0xcb: {  	[tilespmem:s24], [sflag:$0x3] =	stream.linear.gather [spmem:s10], $0x2000, $0x38;
	[tilespmem:$0x15EC0] =	vst v63  }
0xcc: {  	_ =	swait.ge [sflag:s25], $0x2000  }
0xcd: {  	[sflag:s25] =	ssyncset.done $0x0  }
0xce: {  	s18 =	simm.s32 $0x0;
	s13 =	rddreg [dreg:$0xa];
	[sflag:s25] =	ssyncadd.s32 $0xFFFFE000  }
0xcf: {  	[hbm4b:s13+s18] =	stream.linear.scatter [tilespmem:s24], [sflag:$0x3], $0x2000, $0x38;
	[tilespmem:$0x15EC0] =	vst v63  }
0xd0: {  	_ =	swait.ge [sflag:s25], $0x2000  }
0xd1: {  	[sflag:s25] =	ssyncset.done $0x0  }
0xd2: {  	s12 =	simm.s32 $0x0;
	s13 =	simm.s32 $0x100;
	[sflag:s25] =	ssyncadd.s32 $0xFFFFE000  }
.LBB2_14:
0xd3: {  	p0 =	sne.s32 s13, $0x7F00;
	[tilespmem:s12+$0x9EF0] =	vst v0;
	s14 =	smov.u32 s13;
	s13 =	sadd.s32 $0x100, s13  }
.Ltmp6:
0xd4: {  	[tilespmem:s12+$0x9EE0] =	vst v0;
	(pc) =	sbr.rel @p0 .LBB2_14-.Ltmp6, $3  }
0xd5: {  	[tilespmem:s12+$0x9EC0] =	vst v0  }
0xd6: {  	[tilespmem:s12+$0x9ED0] =	vst v0;
	_ =	sdelay $0x1  }
0xd7: {  	s12 =	sshra.s32 s14, $0x2  }
0xd8: {  	[tilespmem:s12+$0x9EF0] =	vst v0  }
0xd9: {  	[tilespmem:s12+$0x9EE0] =	vst v0  }
0xda: {  	[tilespmem:s12+$0x9EC0] =	vst v0  }
0xdb: {  	[tilespmem:s12+$0x9ED0] =	vst v0  }
0xdc: {  	[spmem:s10] =	stream.linear.scatter [tilespmem:s24], [sflag:$0x3], $0x2000, $0x38;
	[tilespmem:$0x15EC0] =	vst v63  }
0xdd: {  	_ =	swait.ge [sflag:s25], $0x2000  }
0xde: {  	[sflag:s25] =	ssyncset.done $0x0  }
0xdf: {  	s12 =	simm.s32 $0x2;
	[sflag:s25] =	ssyncadd.s32 $0xFFFFE000  }
0xe0: {  	s13 =	simm.s32 $0x0;
	s14 =	sand.u32 $0x2, s12;
	[bflag:$0x0] =	sbarrier.arrive $0xFFFF  }
0xe1: {  	[tilespmem:s28], [sflag:$0x1] =	stream.indirect.gather [hbm4b:s5+s26], $0x40, s13, s26, $0xb8;
	[tilespmem:$0x15EC0] =	vst v63  }
0xe2: {  	s14 =	smul.u32 $0x5000, s14;
	s13 =	sand.u32 $0x2, s13  }
0xe3: {  	[tilespmem:s29], [sflag:$0x2] =	stream.indirect.gather [hbm4b:s5+s26], $0x40, s26, s26, $0xb8;
	[tilespmem:$0x15EC0] =	vst v63  }
0xe4: {  	s14 =	sshrl.u32 s14, $0x2;
	s15 =	smul.u32 $0x5000, s13;
	_ =	swait.ge [sflag:s30], $0x1400  }
0xe5: {  	s14 =	sadd.s32 $0x4EC0, s14;
	[sflag:s30] =	ssyncset.done $0x0  }
0xe6: {  	s13 =	simm.s32 $0xA0;
	s15 =	sshrl.u32 s15, $0x2;
	[sflag:s30] =	ssyncadd.s32 $0xFFFFEC00  }
0xe7: {  	[tilespmem:s14], [sflag:$0x1] =	stream.indirect.gather [hbm4b:s5+s26], $0x40, s13, s26, $0xb8;
	[tilespmem:$0x15EC0] =	vst v63  }
0xe8: {  	s15 =	sadd.s32 $0x4EC0, s15;
	s14 =	simm.s32 $0x2760  }
0xe9: {  	[spmem:s3] =	stream.indirect.scatter.add.f32 [tilespmem:s15], [sflag:$0x3], $0x40, s14, s26, $0xb8;
	[tilespmem:$0x15EC0] =	vst v63  }
0xea: {  	s18 =	simm.s32 $0xFFFFFFFF;
	_ =	swait.ge [sflag:s25], $0x1400  }
0xeb: {  	s15 =	sand.u32 $0x3, s18;
	[sflag:s25] =	ssyncset.done $0x0  }
0xec: {  	s15 =	smul.u32 $0x5000, s15;
	[sflag:s25] =	ssyncadd.s32 $0xFFFFEC00  }
0xed: {  	s16 =	simm.s32 $0x1;
	s17 =	simm.s32 $0xF0;
	_ =	swait.ge [sflag:s31], $0x1400  }
0xee: {  	s16 =	sand.u32 $0x3, s16;
	s15 =	sshrl.u32 s15, $0x2;
	[sflag:s31] =	ssyncset.done $0x0  }
0xef: {  	s16 =	smul.u32 $0x5000, s16;
	s15 =	sadd.s32 $0x4EC0, s15;
	[sflag:s31] =	ssyncadd.s32 $0xFFFFEC00  }
0xf0: {  	[tilespmem:s15], [sflag:$0x2] =	stream.indirect.gather [hbm4b:s5+s26], $0x40, s17, s26, $0xb8;
	[tilespmem:$0x15EC0] =	vst v63  }
0xf1: {  	s16 =	sshrl.u32 s16, $0x2;
	s15 =	simm.s32 $0x27B0  }
.LBB2_16:
0xf2: {  	p0 =	sne.s32 s12, $0x7A  }
0xf3: {  	s16 =	sadd.s32 $0x4EC0, s16;
	s17 =	smov.u32 s12;
	s12 =	sadd.s32 $0x2, s12  }
0xf4: {  	[spmem:s3] =	stream.indirect.scatter.add.f32 [tilespmem:s16], [sflag:$0x3], $0x40, s15, s26, $0xb8;
	[tilespmem:$0x15EC0] =	vst v63  }
0xf5: {  	s15 =	sand.u32 $0x2, s12;
	_ =	swait.ge [sflag:s25], $0x1400  }
0xf6: {  	s16 =	sand.u32 $0x2, s17;
	s15 =	smul.u32 $0x5000, s15;
	[sflag:s25] =	ssyncset.done $0x0  }
0xf7: {  	s16 =	smul.u32 $0x5000, s16;
	[sflag:s25] =	ssyncadd.s32 $0xFFFFEC00  }
0xf8: {  	s13 =	sadd.s32 $0xA0, s13;
	s15 =	sshrl.u32 s15, $0x2;
	_ =	swait.ge [sflag:s30], $0x1400  }
0xf9: {  	s16 =	sshrl.u32 s16, $0x2;
	s15 =	sadd.s32 $0x4EC0, s15;
	[sflag:s30] =	ssyncset.done $0x0  }
0xfa: {  	s14 =	sadd.s32 $0xA0, s14;
	[sflag:s30] =	ssyncadd.s32 $0xFFFFEC00  }
0xfb: {  	[tilespmem:s15], [sflag:$0x1] =	stream.indirect.gather [hbm4b:s5+s26], $0x40, s13, s26, $0xb8;
	[tilespmem:$0x15EC0] =	vst v63  }
0xfc: {  	s15 =	sadd.s32 $0x4EC0, s16;
	s16 =	sadd.s32 $0xFFFFFFFF, s17  }
0xfd: {  	[spmem:s3] =	stream.indirect.scatter.add.f32 [tilespmem:s15], [sflag:$0x3], $0x40, s14, s26, $0xb8;
	[tilespmem:$0x15EC0] =	vst v63  }
0xfe: {  	s15 =	sand.u32 $0x3, s16;
	_ =	swait.ge [sflag:s25], $0x1400  }
0xff: {  	s16 =	sadd.s32 $0x1, s17;
	s15 =	smul.u32 $0x5000, s15;
	[sflag:s25] =	ssyncset.done $0x0  }
.Ltmp7:
0x100: {  	s16 =	sand.u32 $0x3, s16;
	[sflag:s25] =	ssyncadd.s32 $0xFFFFEC00;
	(pc) =	sbr.rel @p0 .LBB2_16-.Ltmp7, $4  }
0x101: {  	s16 =	smul.u32 $0x5000, s16;
	s15 =	sshrl.u32 s15, $0x2;
	_ =	swait.ge [sflag:s31], $0x1400  }
0x102: {  	s18 =	sadd.s32 $0x50, s13;
	s17 =	sadd.s32 $0x4EC0, s15;
	[sflag:s31] =	ssyncset.done $0x0  }
0x103: {  	s16 =	sshrl.u32 s16, $0x2;
	s15 =	sadd.s32 $0x50, s14;
	[sflag:s31] =	ssyncadd.s32 $0xFFFFEC00  }
0x104: {  	[tilespmem:s17], [sflag:$0x2] =	stream.indirect.gather [hbm4b:s5+s26], $0x40, s18, s26, $0xb8;
	[tilespmem:$0x15EC0] =	vst v63  }
0x105: {  	s12 =	sadd.s32 $0x4EC0, s16  }
0x106: {  	[spmem:s3] =	stream.indirect.scatter.add.f32 [tilespmem:s12], [sflag:$0x3], $0x40, s15, s26, $0xb8;
	[tilespmem:$0x15EC0] =	vst v63  }
0x107: {  	_ =	swait.ge [sflag:s25], $0x1400  }
0x108: {  	[sflag:s25] =	ssyncset.done $0x0  }
0x109: {  	[sflag:s25] =	ssyncadd.s32 $0xFFFFEC00  }
0x10a: {  	_ =	swait.ge [sflag:s30], $0x1400  }
0x10b: {  	[sflag:s30] =	ssyncset.done $0x0  }
0x10c: {  	[sflag:s30] =	ssyncadd.s32 $0xFFFFEC00  }
0x10d: {  	[spmem:s3] =	stream.indirect.scatter.add.f32 [tilespmem:s28], [sflag:$0x3], $0x40, s2, s26, $0xb8;
	[tilespmem:$0x15EC0] =	vst v63  }
0x10e: {  	_ =	swait.ge [sflag:s25], $0x1400  }
0x10f: {  	[sflag:s25] =	ssyncset.done $0x0  }
0x110: {  	[sflag:s25] =	ssyncadd.s32 $0xFFFFEC00  }
0x111: {  	_ =	swait.ge [sflag:s31], $0x1400  }
0x112: {  	[sflag:s31] =	ssyncset.done $0x0  }
0x113: {  	[sflag:s31] =	ssyncadd.s32 $0xFFFFEC00  }
0x114: {  	[spmem:s3] =	stream.indirect.scatter.add.f32 [tilespmem:s29], [sflag:$0x3], $0x40, s0, s26, $0xb8;
	[tilespmem:$0x15EC0] =	vst v63  }
0x115: {  	_ =	swait.ge [sflag:s25], $0x1400  }
0x116: {  	[sflag:s25] =	ssyncset.done $0x0  }
0x117: {  	[sflag:s25] =	ssyncadd.s32 $0xFFFFEC00  }
0x118: {  	[bflag:$0x0] =	sbarrier.arrive $0xFFFF  }
0x119: {  	[tilespmem:s24], [sflag:$0x3] =	stream.linear.gather [spmem:s6], $0x2000, $0x38;
	[tilespmem:$0x15EC0] =	vst v63  }
0x11a: {  	_ =	swait.ge [sflag:s25], $0x2000  }
0x11b: {  	[sflag:s25] =	ssyncset.done $0x0  }
0x11c: {  	s18 =	rddreg [dreg:$0xb];
	[sflag:s25] =	ssyncadd.s32 $0xFFFFE000  }
0x11d: {  	[hbm4b:s18+s4] =	stream.linear.scatter [tilespmem:s24], [sflag:$0x3], $0x2000, $0x38;
	[tilespmem:$0x15EC0] =	vst v63  }
0x11e: {  	_ =	swait.ge [sflag:s25], $0x2000  }
0x11f: {  	[sflag:s25] =	ssyncset.done $0x0  }
0x120: {  	[sflag:s25] =	ssyncadd.s32 $0xFFFFE000  }
0x121: {  	[tilespmem:s24], [sflag:$0x3] =	stream.linear.gather [spmem:s7], $0x2000, $0x38;
	[tilespmem:$0x15EC0] =	vst v63  }
0x122: {  	_ =	swait.ge [sflag:s25], $0x2000  }
0x123: {  	[sflag:s25] =	ssyncset.done $0x0  }
0x124: {  	[sflag:s25] =	ssyncadd.s32 $0xFFFFE000  }
0x125: {  	[hbm4b:s19+s4] =	stream.linear.scatter [tilespmem:s24], [sflag:$0x3], $0x2000, $0x38;
	[tilespmem:$0x15EC0] =	vst v63  }
0x126: {  	_ =	swait.ge [sflag:s25], $0x2000  }
0x127: {  	[sflag:s25] =	ssyncset.done $0x0  }
0x128: {  	[sflag:s25] =	ssyncadd.s32 $0xFFFFE000  }
0x129: {  	[tilespmem:s24], [sflag:$0x3] =	stream.linear.gather [spmem:s8], $0x2000, $0x38;
	[tilespmem:$0x15EC0] =	vst v63  }
0x12a: {  	_ =	swait.ge [sflag:s25], $0x2000  }
0x12b: {  	[sflag:s25] =	ssyncset.done $0x0  }
0x12c: {  	[sflag:s25] =	ssyncadd.s32 $0xFFFFE000  }
0x12d: {  	[hbm4b:s20+s4] =	stream.linear.scatter [tilespmem:s24], [sflag:$0x3], $0x2000, $0x38;
	[tilespmem:$0x15EC0] =	vst v63  }
0x12e: {  	_ =	swait.ge [sflag:s25], $0x2000  }
0x12f: {  	[sflag:s25] =	ssyncset.done $0x0  }
0x130: {  	[sflag:s25] =	ssyncadd.s32 $0xFFFFE000  }
0x131: {  	[tilespmem:s24], [sflag:$0x3] =	stream.linear.gather [spmem:s9], $0x2000, $0x38;
	[tilespmem:$0x15EC0] =	vst v63  }
0x132: {  	_ =	swait.ge [sflag:s25], $0x2000  }
0x133: {  	[sflag:s25] =	ssyncset.done $0x0  }
0x134: {  	[sflag:s25] =	ssyncadd.s32 $0xFFFFE000  }
0x135: {  	[hbm4b:s21+s4] =	stream.linear.scatter [tilespmem:s24], [sflag:$0x3], $0x2000, $0x38;
	[tilespmem:$0x15EC0] =	vst v63  }
0x136: {  	_ =	swait.ge [sflag:s25], $0x2000  }
0x137: {  	[sflag:s25] =	ssyncset.done $0x0  }
0x138: {  	[sflag:s25] =	ssyncadd.s32 $0xFFFFE000  }
0x139: {  	[tilespmem:s24], [sflag:$0x3] =	stream.linear.gather [spmem:s10], $0x2000, $0x38;
	[tilespmem:$0x15EC0] =	vst v63  }
0x13a: {  	s11 =	sadd.s32 $0x1, s11;
	_ =	swait.ge [sflag:s25], $0x2000  }
0x13b: {  	p0 =	sne.s32 s11, s23;
	[sflag:s25] =	ssyncset.done $0x0  }
.Ltmp8:
0x13c: {  	[sflag:s25] =	ssyncadd.s32 $0xFFFFE000;
	(pc) =	sbr.rel @p0 .LBB2_1-.Ltmp8, $4  }
0x13d: {  	[hbm4b:s22+s4] =	stream.linear.scatter [tilespmem:s24], [sflag:$0x3], $0x2000, $0x38;
	[tilespmem:$0x15EC0] =	vst v63  }
0x13e: {  	_ =	swait.ge [sflag:s25], $0x2000  }
0x13f: {  	[sflag:s25] =	ssyncset.done $0x0  }
0x140: {  	[sflag:s25] =	ssyncadd.s32 $0xFFFFE000  }
0x141: {  	_ =	sfence.sel $0x180000  }
0x142: {  	[bflag:$0x0] =	sbarrier.arrive $0xFFFF  }
0x143: {  	_ =	strace $0x9000004A  }
0x144: {  	s0 =	stileid.u32;
	[bflag:$0x2] =	sbarrier.arrive $0xFFFF  }
0x145: {  	p0 =	sne.s32 s0, $0x0;
	s0 =	rddreg [dreg:$0x3]  }
0x146: {  	s0 =	sadd.s32 @!p0 $0x100000, s0  }
0x147: {  	[sflag:s0] =	ssyncadd.tile.s32 @!p0 $0x1;
	_ =	shalt  }
.Lfunc_end2:
_tile_overlayer_lowered:
.L_overlay_start_2:
0x148: {  	(tag) =	ssettag $0x2  }
0x149: {  	s0 =	rddreg [dreg:$0x0];
	s2 =	stileid.u32  }
0x14a: {  	s1 =	rddreg [dreg:$0x1];
	p0 =	sne.s32 s2, $0x0  }
0x14b: {  	s3 =	rddreg [dreg:$0x2];
	[bflag:$0x3] =	sbarrier.arrive $0xFFFF;
	s2 =	simm.s32 @!p0 $0x1C03  }
0x14c: {  	[timem:s3], [sflag:s2] =	dma.local @!p0 [hbm:s0], s1  }
0x14d: {  	s0 =	simm.s32 @!p0 $0x3  }
0x14e: {  	_ =	swait.ge @!p0 [sflag:s0], s1  }
0x14f: {  	s1 =	ssub.s32 @!p0 $0x0, s1;
	[sflag:s0] =	ssyncset.done @!p0 $0x0  }
0x150: {  	[sflag:s0] =	ssyncadd.s32 @!p0 s1  }
0x151: {  	[bflag:$0x3] =	sbarrier.arrive $0xFFFF  }
0x152: {  	_ =	shalt  }

// kernel: kernel.14.cloned.1.call-start
scs
__scs_entry_jumppad:
0x0: {  	(pc) =	sbr.rel $0x88, $3  }
0x1: {  	(tag) =	ssettag $0x0;
	lr =	simm.s32 $0x1  }
0x2: {  	[smem:$0x3F99] =	sst lr;
	_ =	strace $0xD0000000  }
0x3: {  	_ = 	snop  }
0x4: {  	_ = 	snop  }
0x5: {  	_ = 	snop  }
0x6: {  	_ = 	snop  }
0x7: {  	_ = 	snop  }
__scs_overlays_trampoline_lowered:
0x8: {  	[smem:$0x3FA8] =	sst s0  }
0x9: {  	[smem:$0x3FA9] =	sst s1  }
0xa: {  	[smem:$0x3FAA] =	sst s2  }
0xb: {  	[smem:$0x3FAB] =	sst s3  }
0xc: {  	[smem:$0x3FAC] =	sst s4  }
0xd: {  	[smem:$0x3FAD] =	sst s5  }
0xe: {  	[smem:$0x3FAE] =	sst s6  }
0xf: {  	[smem:$0x3FAF] =	sst s7  }
0x10: {  	[smem:$0x3FB0] =	sst s8  }
0x11: {  	[smem:$0x3FB1] =	sst s9;
	s0 =	simm.s32 @!p0 $0x0  }
0x12: {  	s1 =	sld [smem:$0x3F97];
	s0 =	simm.s32 @p0 $0x1  }
0x13: {  	[smem:$0x3FB2] =	sst s0;
	s0 =	simm.s32 @!p1 $0x0  }
0x14: {  	s2 =	sld [smem:$0x3F96];
	s0 =	simm.s32 @p1 $0x1  }
0x15: {  	[smem:$0x3FB3] =	sst s0;
	s0 =	simm.s32 @!p2 $0x0  }
0x16: {  	s3 =	sld [smem:$0x3FDB];
	s0 =	simm.s32 @p2 $0x1  }
0x17: {  	s4 =	simm.s32 $0x1BF5;
	[smem:$0x3FB5] =	sst s0  }
0x18: {  	s0 =	sld [smem:$0x3F98];
	_ =	swait.ge [sflag:s4], $0x0  }
0x19: {  	s7 =	sld [smem:$0x3F99]  }
0x1a: {  	s8 =	sadd.s32 $0xFFFFE003, lr  }
0x1b: {  	s9 =	sadd.s32 $0xFFFFFEF7, lr;
	s5 =	simm.s32 $0xFFFFFFFF;
	p2 =	slt.u32 s8, $0xFFFFF086  }
0x1c: {  	p1 =	slt.u32 s9, $0xF7A;
	s5 =	simm.s32 @!p2 $0x0  }
0x1d: {  	s5 =	simm.s32 @p1 $0x1;
	p0 =	seq.s32 s7, s2  }
0x1e: {  	s7 =	smul.u32 @!p0 $0xF7A, s2;
	p2 =	seq.s32 @!p0 s5, $0x0  }
0x1f: {  	s9 =	smul.u32 $0xF7A, s1;
	s8 =	simm.s32 @!p0 $0x1BF5;
	p2 =	por !p2, p0  }
0x20: {  	[sflag:s8] =	ssyncset.s32 @!p0 $0xFFFFF086;
	s6 =	sadd.s32 @!p0 s3, s7;
	s7 =	simm.s32 @!p0 $0x108  }
0x21: {  	s3 =	sadd.s32 s3, s9;
	s6 =	sadd.s32 @!p0 $0x88, s6;
	s7 =	simm.s32 @p2 $0x1082  }
0x22: {  	[simem:s7], [sflag:s8] =	dma.local @!p0 [hbm:s6], $0xF7A  }
0x23: {  	s9 =	sor.u32 $0xD0000000, s2;
	s6 =	simm.s32 $0x108;
	_ =	swait.ge @!p0 [sflag:s8], $0x0  }
0x24: {  	s3 =	sadd.s32 $0x88, s3;
	s6 =	simm.s32 @!p1 $0x1082;
	[sflag:s4] =	ssyncset.s32 $0xFFFFF086  }
0x25: {  	[simem:s6], [sflag:s4] =	dma.local [hbm:s3], $0xF7A  }
0x26: {  	[smem:$0x3F99] =	sst s1;
	(tag) =	ssettag s2;
	_ =	strace s9  }
0x27: {  	s1 =	sld [smem:$0x3FA9]  }
0x28: {  	s2 =	sld [smem:$0x3FAA]  }
0x29: {  	s4 =	sld [smem:$0x3FAC]  }
0x2a: {  	p0 =	seq.s32 s5, $0x0;
	s5 =	sld [smem:$0x3FAD]  }
0x2b: {  	s6 =	sld [smem:$0x3FAE]  }
0x2c: {  	s7 =	sld [smem:$0x3FAF]  }
0x2d: {  	s3 =	simm.s32 $0x108;
	s8 =	sld [smem:$0x3FB0]  }
0x2e: {  	s3 =	simm.s32 @!p0 $0x1082;
	s9 =	sld [smem:$0x3FB1]  }
0x2f: {  	lr =	sadd.s32 s0, s3;
	s0 =	sld [smem:$0x3FA8]  }
0x30: {  	s3 =	sld [smem:$0x3FAB]  }
0x31: {  	[smem:$0x3FB4] =	sst s10  }
0x32: {  	s10 =	sld [smem:$0x3FB2];
	_ =	sdelay $0x3  }
0x33: {  	p0 =	seq.s32 s10, $0x1;
	s10 =	sld [smem:$0x3FB4];
	_ =	sdelay $0x3  }
0x34: {  	[smem:$0x3FB4] =	sst s10  }
0x35: {  	s10 =	sld [smem:$0x3FB3];
	_ =	sdelay $0x3  }
0x36: {  	p1 =	seq.s32 s10, $0x1;
	s10 =	sld [smem:$0x3FB4];
	_ =	sdelay $0x3  }
0x37: {  	[smem:$0x3FB4] =	sst s10  }
0x38: {  	s10 =	sld [smem:$0x3FB5]  }
0x39: {  	_ = 	snop;
	(pc) =	sbr.ind lr, $3  }
0x3a: {  	_ = 	snop  }
0x3b: {  	_ = 	snop  }
0x3c: {  	p2 =	seq.s32 s10, $0x1;
	s10 =	sld [smem:$0x3FB4]  }
0x3d: {  	_ =	shalt  }
0x3e: {  	_ =	shalt  }
0x3f: {  	_ =	shalt  }
0x40: {  	_ =	shalt  }
0x41: {  	_ =	shalt  }
0x42: {  	_ =	shalt  }
0x43: {  	_ =	shalt  }
0x44: {  	_ =	shalt  }
0x45: {  	_ =	shalt  }
0x46: {  	_ =	shalt  }
0x47: {  	_ =	shalt  }
0x48: {  	_ =	shalt  }
0x49: {  	_ =	shalt  }
0x4a: {  	_ =	shalt  }
0x4b: {  	_ =	shalt  }
0x4c: {  	_ =	shalt  }
0x4d: {  	_ =	shalt  }
0x4e: {  	_ =	shalt  }
0x4f: {  	_ =	shalt  }
0x50: {  	_ =	shalt  }
0x51: {  	_ =	shalt  }
0x52: {  	_ =	shalt  }
0x53: {  	_ =	shalt  }
0x54: {  	_ =	shalt  }
0x55: {  	_ =	shalt  }
0x56: {  	_ =	shalt  }
0x57: {  	_ =	shalt  }
0x58: {  	_ =	shalt  }
0x59: {  	_ =	shalt  }
0x5a: {  	_ =	shalt  }
0x5b: {  	_ =	shalt  }
0x5c: {  	_ =	shalt  }
0x5d: {  	_ =	shalt  }
0x5e: {  	_ =	shalt  }
0x5f: {  	_ =	shalt  }
0x60: {  	_ =	shalt  }
0x61: {  	_ =	shalt  }
0x62: {  	_ =	shalt  }
0x63: {  	_ =	shalt  }
0x64: {  	_ =	shalt  }
0x65: {  	_ =	shalt  }
0x66: {  	_ =	shalt  }
0x67: {  	_ =	shalt  }
0x68: {  	_ =	shalt  }
0x69: {  	_ =	shalt  }
0x6a: {  	_ =	shalt  }
0x6b: {  	_ =	shalt  }
0x6c: {  	_ =	shalt  }
0x6d: {  	_ =	shalt  }
0x6e: {  	_ =	shalt  }
0x6f: {  	_ =	shalt  }
0x70: {  	_ =	shalt  }
0x71: {  	_ =	shalt  }
0x72: {  	_ =	shalt  }
0x73: {  	_ =	shalt  }
0x74: {  	_ =	shalt  }
0x75: {  	_ =	shalt  }
0x76: {  	_ =	shalt  }
0x77: {  	_ =	shalt  }
0x78: {  	_ =	shalt  }
0x79: {  	_ =	shalt  }
0x7a: {  	_ =	shalt  }
0x7b: {  	_ =	shalt  }
0x7c: {  	_ =	shalt  }
0x7d: {  	_ =	shalt  }
0x7e: {  	_ =	shalt  }
0x7f: {  	_ =	shalt  }
0x80: {  	_ =	shalt  }
0x81: {  	_ =	shalt  }
0x82: {  	_ =	shalt  }
0x83: {  	_ =	shalt  }
0x84: {  	_ =	shalt  }
0x85: {  	_ =	shalt  }
0x86: {  	_ =	shalt  }
0x87: {  	_ =	shalt  }
.Lfunc_end0:
.L_simem_size_0:
called_computation.2_lowered:
.L_overlay_start_0:
0x88: {  	s2 =	sld [smem:$0x3FD9]  }
0x89: {  	s3 =	sld [smem:$0x3FFE];
	_ =	sdelay $0x1  }
0x8a: {  	s1 =	srdreg.scid  }
0x8b: {  	s0 =	sand.u32 $0x1, s1  }
0x8c: {  	s17 =	sshll.u32 s0, $0xA;
	s2 =	sadd.s32 s3, s2  }
0x8d: {  	s2 =	sadd.s32 s2, s17  }
0x8e: {  	[smem:$0x3FC0] =	sst s2  }
0x8f: {  	_ = 	snop  }
0x90: {  	s2 =	sld [smem:$0x3FD0];
	(tm) =	ssettm $0x1  }
0x91: {  	s18 =	sld [smem:$0x3FFB];
	_ =	sdelay $0x3  }
0x92: {  	_ =	strace s18  }
0x93: {  	s3 =	sld [smem:$0x3FFC];
	_ =	sdelay $0x3  }
0x94: {  	_ =	strace s3  }
0x95: {  	s3 =	sld [smem:$0x3FFD];
	_ =	sdelay $0x3  }
0x96: {  	_ =	strace s3  }
0x97: {  	_ =	strace $0x8FFFFFFF  }
0x98: {  	s19 =	sld [smem:$0x3FDB];
	_ =	sdelay $0x1  }
0x99: {  	s4 =	simm.s32 $_scs_section_size  }
0x9a: {  	s5 =	simm.s32 $_size__tile_overlayer_lowered;
	s6 =	simm.s32 $_tile_overlayer_lowered  }
0x9b: {  	s22 =	simm.s32 $0x1BFF;
	s21 =	sshll.u32 s6, $0x1;
	s3 =	sadd.s32 s4, s19  }
0x9c: {  	s7 =	simm.s32 $0x0;
	s20 =	sshll.u32 s5, $0x1;
	s5 =	sadd.s32 s21, s3  }
0x9d: {  	[timem:s7], [sflag:s22] =	dma.local [hbm:s5], s20  }
0x9e: {  	_ =	swait.ge [sflag:s22], s20  }
0x9f: {  	s4 =	ssub.s32 $0x0, s20;
	[sflag:s22] =	ssyncset.done $0x0  }
0xa0: {  	[sflag:s22] =	ssyncadd.s32 s4;
	_ =	sdelay $0x1  }
0xa1: {  	s23 =	simm.s32 $0x1B8B  }
0xa2: {  	_ =	swait.ge [sflag:s23], $0x1  }
0xa3: {  	[sflag:s23] =	ssyncset.done $0x0  }
0xa4: {  	s25 =	simm.s32 $0x1B8E;
	s24 =	sld [smem:$0x3FFE];
	[sflag:s23] =	ssyncadd.s32 $0xFFFFFFFF  }
0xa5: {  	s26 =	simm.s32 $execute0_lowered;
	[smem:$0x3FD2] =	sst s25  }
0xa6: {  	s5 =	sshll.u32 s26, $0x1;
	_ =	strace $0x8000004C;
	[dreg:$0x1] =	wrdreg $0xFFFFFFFF  }
0xa7: {  	s28 =	simm.s32 $_size_execute0_lowered;
	s3 =	sadd.s32 s3, s5;
	[dreg:$0x0] =	wrdreg $0x0  }
0xa8: {  	s5 =	sshll.u32 s28, $0x1;
	[dreg:$0x2] =	wrdreg s3  }
0xa9: {  	[dreg:$0x3] =	wrdreg s5  }
0xaa: {  	[dreg:$0x4] =	wrdreg $0xC0  }
0xab: {  	_ =	task [dreg:s7], $0x5FFFF  }
0xac: {  	[dreg:$0x1] =	wrdreg $0xFFFFFFFF  }
0xad: {  	[dreg:$0x0] =	wrdreg $0x60  }
0xae: {  	[dreg:$0x2] =	wrdreg s2  }
0xaf: {  	[dreg:$0x3] =	wrdreg s24  }
0xb0: {  	[dreg:$0x4] =	wrdreg $0xBEC00  }
0xb1: {  	[dreg:$0x5] =	wrdreg $0x9  }
0xb2: {  	_ =	task.clear_ibuf [dreg:s7], $0x6FFFF;
	_ =	strace $0x9000004C  }
0xb3: {  	s29 =	simm.s32 $0x9;
	_ =	strace $0x8000004E  }
0xb4: {  	_ =	swait.ge [sflag:s29], $0x1  }
0xb5: {  	[sflag:s29] =	ssyncadd.s32 $0xFFFFFFFF  }
0xb6: {  	_ =	strace $0x9000004E  }
0xb7: {  	_ =	sfence  }
0xb8: {  	s30 =	sld [smem:$0x0];
	_ =	sdelay $0x2  }
0xb9: {  	s31 =	sshll.u32 s1, $0xD;
	s1 =	sshrl.u32 s1, $0x2  }
0xba: {  	s3 =	sand.u32 $0x4000, s31;
	s1 =	sadd.s32 s1, s30  }
0xbb: {  	s0 =	sor.u32 s3, s0;
	s1 =	sshll.u32 s1, $0x11  }
0xbc: {  	s0 =	sor.u32 s1, s0  }
0xbd: {  	s0 =	sadd.s32 $0x8F2B, s0  }
0xbe: {  	[sflag:s0] =	ssyncadd.remote.s32 $0x1  }
0xbf: {  	_ =	sfence.sel $0xFFFF  }
0xc0: {  	[dreg:$0x0] =	wrdreg $0xFFFFFFFF;
	(pc) =	sbr.abs _section_cstart, $3  }
0xc1: {  	[dreg:$0x1] =	wrdreg $0xFFFFFFFF  }
0xc2: {  	_ =	task.clear_ibuf [dreg:s7], $0x2FFFF;
	_ =	strace $0x9FFFFFFF  }
0xc3: {  	(tm) =	ssettm $0x7FFFFFFF  }
tec
execute0_lowered:
.L_overlay_start_1:
0x0: {  	(tag) =	ssettag $0x1  }
0x1: {  	s2 =	rddreg [dreg:$0x0]  }
0x2: {  	s0 =	srdreg.scid;
	s6 =	rddreg [dreg:$0x1]  }
0x3: {  	s8 =	stileid.u32;
	s3 =	rddreg [dreg:$0x2]  }
0x4: {  	s4 =	simm.s32 $0x0;
	s18 =	simm.s32 $0x9EC0;
	s19 =	simm.s32 $0x3  }
0x5: {  	s20 =	simm.s32 $0x50;
	s21 =	simm.s32 $0x4EC0;
	s22 =	simm.s32 $0x62C0  }
0x6: {  	s23 =	simm.s32 $0x1;
	s24 =	simm.s32 $0x2;
	s5 =	smul.u32 $0x280, s8  }
0x7: {  	s0 =	sand.u32 $0x1, s0;
	s1 =	sshll.u32 s8, $0x1;
	s8 =	smul.u32 $0x28000, s8  }
0x8: {  	s28 =	simm.s32 $0x0;
	s1 =	sor.u32 s0, s1;
	s7 =	smul.u32 $0x2800, s0  }
0x9: {  	[smem:$0x7FF] =	sst s4;
	s0 =	ssub.s32 $0x2, s0;
	s1 =	smul.u32 $0x4EC, s1  }
0xa: {  	_ =	strace $0x8000004D;
	s30 =	sshrl.u32 s8, $0x2;
	s9 =	sshrl.u32 s0, $0x1  }
0xb: {  	s5 =	sadd.s32 s5, s7;
	s0 =	ssub.s32 s0, s9;
	s1 =	sadd.s32 s1, s6  }
0xc: {  	s31 =	sshll.u32 s5, $0x3;
	s5 =	sadd.s32 s30, s3;
	s17 =	smax.u32 s0, $0x1  }
0xd: {  	s16 =	sadd.s32 s31, s6;
	s6 =	sadd.s32 $0x2000, s5;
	s7 =	sadd.s32 $0x4000, s5  }
0xe: {  	s8 =	sadd.s32 $0x6000, s5;
	s9 =	sadd.s32 $0x8000, s5;
	s10 =	sadd.s32 $0xC000, s1  }
0xf: {  	s11 =	sadd.s32 $0x2200, s1;
	s12 =	sadd.s32 $0x3D000, s16;
	s13 =	sadd.s32 $0x3D400, s16  }
0x10: {  	v0 =	vimm.f32 $0.0e+00;
	s14 =	sadd.s32 $0x3D800, s16;
	s15 =	sadd.s32 $0x3DC00, s16;
	s16 =	sadd.s32 $0x3E000, s16  }
.LBB2_1:
0x11: {  	s30 =	simm.s32 $0x100;
	s29 =	simm.s32 $0x0  }
.LBB2_2:
0x12: {  	p0 =	sne.s32 s30, $0x7F00;
	[tilespmem:s29+$0x9EF0] =	vst v0;
	s0 =	smov.u32 s30;
	s30 =	sadd.s32 $0x100, s30  }
.Ltmp0:
0x13: {  	[tilespmem:s29+$0x9EE0] =	vst v0;
	(pc) =	sbr.rel @p0 .LBB2_2-.Ltmp0, $3  }
0x14: {  	[tilespmem:s29+$0x9EC0] =	vst v0  }
0x15: {  	[tilespmem:s29+$0x9ED0] =	vst v0;
	_ =	sdelay $0x1  }
0x16: {  	s29 =	sshra.s32 s0, $0x2  }
0x17: {  	[tilespmem:s29+$0x9EF0] =	vst v0  }
0x18: {  	[tilespmem:s29+$0x9EE0] =	vst v0  }
0x19: {  	[tilespmem:s29+$0x9EC0] =	vst v0  }
0x1a: {  	[tilespmem:s29+$0x9ED0] =	vst v0  }
0x1b: {  	[spmem:s5] =	stream.linear.scatter [tilespmem:s18], [sflag:$0x3], $0x2000, $0x38;
	[tilespmem:$0x15EC0] =	vst v63  }
0x1c: {  	_ =	swait.ge [sflag:s19], $0x2000  }
0x1d: {  	[sflag:s19] =	ssyncset.done $0x0  }
0x1e: {  	[sflag:s19] =	ssyncadd.s32 $0xFFFFE000  }
0x1f: {  	[spmem:s6] =	stream.linear.scatter [tilespmem:s18], [sflag:$0x3], $0x2000, $0x38;
	[tilespmem:$0x15EC0] =	vst v63  }
0x20: {  	_ =	swait.ge [sflag:s19], $0x2000  }
0x21: {  	[sflag:s19] =	ssyncset.done $0x0  }
0x22: {  	[sflag:s19] =	ssyncadd.s32 $0xFFFFE000  }
0x23: {  	[spmem:s7] =	stream.linear.scatter [tilespmem:s18], [sflag:$0x3], $0x2000, $0x38;
	[tilespmem:$0x15EC0] =	vst v63  }
0x24: {  	_ =	swait.ge [sflag:s19], $0x2000  }
0x25: {  	[sflag:s19] =	ssyncset.done $0x0  }
0x26: {  	[sflag:s19] =	ssyncadd.s32 $0xFFFFE000  }
0x27: {  	[spmem:s8] =	stream.linear.scatter [tilespmem:s18], [sflag:$0x3], $0x2000, $0x38;
	[tilespmem:$0x15EC0] =	vst v63  }
0x28: {  	_ =	swait.ge [sflag:s19], $0x2000  }
0x29: {  	[sflag:s19] =	ssyncset.done $0x0  }
0x2a: {  	[sflag:s19] =	ssyncadd.s32 $0xFFFFE000  }
0x2b: {  	[spmem:s9] =	stream.linear.scatter [tilespmem:s18], [sflag:$0x3], $0x2000, $0x38;
	[tilespmem:$0x15EC0] =	vst v63  }
0x2c: {  	_ =	swait.ge [sflag:s19], $0x2000  }
0x2d: {  	[sflag:s19] =	ssyncset.done $0x0  }
0x2e: {  	s0 =	simm.s32 $0x0;
	[sflag:s19] =	ssyncadd.s32 $0xFFFFE000  }
0x2f: {  	[tilespmem:s0], [sflag:$0x3] =	stream.linear.gather [hbm4b:s10+s0], $0x2760, $0x38;
	[tilespmem:$0x15EC0] =	vst v63  }
0x30: {  	_ =	swait.ge [sflag:s19], $0x2760  }
0x31: {  	[sflag:s19] =	ssyncset.done $0x0  }
0x32: {  	s29 =	simm.s32 $0x2760;
	[sflag:s19] =	ssyncadd.s32 $0xFFFFD8A0  }
0x33: {  	[tilespmem:s29], [sflag:$0x3] =	stream.linear.gather [hbm4b:s11+s0], $0x2760, $0x38;
	[tilespmem:$0x15EC0] =	vst v63  }
0x34: {  	_ =	swait.ge [sflag:s19], $0x2760  }
0x35: {  	[sflag:s19] =	ssyncset.done $0x0  }
0x36: {  	s30 =	simm.s32 $0x2;
	[sflag:s19] =	ssyncadd.s32 $0xFFFFD8A0  }
0x37: {  	s1 =	sand.u32 $0x2, s30;
	[bflag:$0x0] =	sbarrier.arrive $0xFFFF  }
0x38: {  	[tilespmem:s21], [sflag:$0x1] =	stream.indirect.gather [hbm4b:s2+s20], $0x40, s0, s20, $0xb8;
	[tilespmem:$0x15EC0] =	vst v63  }
0x39: {  	s1 =	smul.u32 $0x5000, s1;
	s0 =	sand.u32 $0x2, s0  }
0x3a: {  	[tilespmem:s22], [sflag:$0x2] =	stream.indirect.gather [hbm4b:s2+s20], $0x40, s20, s20, $0xb8;
	[tilespmem:$0x15EC0] =	vst v63  }
0x3b: {  	s0 =	smul.u32 $0x5000, s0;
	_ =	swait.ge [sflag:s23], $0x1400  }
0x3c: {  	s31 =	simm.s32 $0xA0;
	s1 =	sshrl.u32 s1, $0x2;
	[sflag:s23] =	ssyncset.done $0x0  }
0x3d: {  	s1 =	sadd.s32 $0x4EC0, s1;
	s0 =	sshrl.u32 s0, $0x2;
	[sflag:s23] =	ssyncadd.s32 $0xFFFFEC00  }
0x3e: {  	[tilespmem:s1], [sflag:$0x1] =	stream.indirect.gather [hbm4b:s2+s20], $0x40, s31, s20, $0xb8;
	[tilespmem:$0x15EC0] =	vst v63  }
0x3f: {  	s0 =	sadd.s32 $0x4EC0, s0  }
0x40: {  	[spmem:s3] =	stream.indirect.scatter.add.f32 [tilespmem:s0], [sflag:$0x3], $0x40, s29, s20, $0xb8;
	[tilespmem:$0x15EC0] =	vst v63  }
0x41: {  	s25 =	simm.s32 $0xFFFFFFFF;
	_ =	swait.ge [sflag:s19], $0x1400  }
0x42: {  	s0 =	sand.u32 $0x3, s25;
	[sflag:s19] =	ssyncset.done $0x0  }
0x43: {  	s26 =	simm.s32 $0x1;
	s0 =	smul.u32 $0x5000, s0;
	[sflag:s19] =	ssyncadd.s32 $0xFFFFEC00  }
0x44: {  	s1 =	sand.u32 $0x3, s26;
	_ =	swait.ge [sflag:s24], $0x1400  }
0x45: {  	s1 =	smul.u32 $0x5000, s1;
	s0 =	sshrl.u32 s0, $0x2;
	[sflag:s24] =	ssyncset.done $0x0  }
0x46: {  	s25 =	simm.s32 $0xF0;
	s0 =	sadd.s32 $0x4EC0, s0;
	[sflag:s24] =	ssyncadd.s32 $0xFFFFEC00  }
0x47: {  	[tilespmem:s0], [sflag:$0x2] =	stream.indirect.gather [hbm4b:s2+s20], $0x40, s25, s20, $0xb8;
	[tilespmem:$0x15EC0] =	vst v63  }
0x48: {  	s0 =	sshrl.u32 s1, $0x2;
	s1 =	simm.s32 $0x27B0  }
.LBB2_4:
0x49: {  	p0 =	sne.s32 s30, $0x7A  }
0x4a: {  	s0 =	sadd.s32 $0x4EC0, s0;
	s25 =	smov.u32 s30;
	s30 =	sadd.s32 $0x2, s30  }
0x4b: {  	[spmem:s3] =	stream.indirect.scatter.add.f32 [tilespmem:s0], [sflag:$0x3], $0x40, s1, s20, $0xb8;
	[tilespmem:$0x15EC0] =	vst v63  }
0x4c: {  	s0 =	sand.u32 $0x2, s30;
	_ =	swait.ge [sflag:s19], $0x1400  }
0x4d: {  	s1 =	sand.u32 $0x2, s25;
	s0 =	smul.u32 $0x5000, s0;
	[sflag:s19] =	ssyncset.done $0x0  }
0x4e: {  	s1 =	smul.u32 $0x5000, s1;
	[sflag:s19] =	ssyncadd.s32 $0xFFFFEC00  }
0x4f: {  	s31 =	sadd.s32 $0xA0, s31;
	s0 =	sshrl.u32 s0, $0x2;
	_ =	swait.ge [sflag:s23], $0x1400  }
0x50: {  	s1 =	sshrl.u32 s1, $0x2;
	s0 =	sadd.s32 $0x4EC0, s0;
	[sflag:s23] =	ssyncset.done $0x0  }
0x51: {  	s29 =	sadd.s32 $0xA0, s29;
	[sflag:s23] =	ssyncadd.s32 $0xFFFFEC00  }
0x52: {  	[tilespmem:s0], [sflag:$0x1] =	stream.indirect.gather [hbm4b:s2+s20], $0x40, s31, s20, $0xb8;
	[tilespmem:$0x15EC0] =	vst v63  }
0x53: {  	s0 =	sadd.s32 $0x4EC0, s1;
	s1 =	sadd.s32 $0xFFFFFFFF, s25  }
0x54: {  	[spmem:s3] =	stream.indirect.scatter.add.f32 [tilespmem:s0], [sflag:$0x3], $0x40, s29, s20, $0xb8;
	[tilespmem:$0x15EC0] =	vst v63  }
0x55: {  	s0 =	sand.u32 $0x3, s1;
	_ =	swait.ge [sflag:s19], $0x1400  }
0x56: {  	s1 =	sadd.s32 $0x1, s25;
	s0 =	smul.u32 $0x5000, s0;
	[sflag:s19] =	ssyncset.done $0x0  }
.Ltmp1:
0x57: {  	s1 =	sand.u32 $0x3, s1;
	[sflag:s19] =	ssyncadd.s32 $0xFFFFEC00;
	(pc) =	sbr.rel @p0 .LBB2_4-.Ltmp1, $4  }
0x58: {  	s1 =	smul.u32 $0x5000, s1;
	s0 =	sshrl.u32 s0, $0x2;
	_ =	swait.ge [sflag:s24], $0x1400  }
0x59: {  	s26 =	sadd.s32 $0x50, s31;
	s25 =	sadd.s32 $0x4EC0, s0;
	[sflag:s24] =	ssyncset.done $0x0  }
0x5a: {  	s0 =	sshrl.u32 s1, $0x2;
	s1 =	sadd.s32 $0x50, s29;
	[sflag:s24] =	ssyncadd.s32 $0xFFFFEC00  }
0x5b: {  	[tilespmem:s25], [sflag:$0x2] =	stream.indirect.gather [hbm4b:s2+s20], $0x40, s26, s20, $0xb8;
	[tilespmem:$0x15EC0] =	vst v63  }
0x5c: {  	s0 =	sadd.s32 $0x4EC0, s0  }
0x5d: {  	[spmem:s3] =	stream.indirect.scatter.add.f32 [tilespmem:s0], [sflag:$0x3], $0x40, s1, s20, $0xb8;
	[tilespmem:$0x15EC0] =	vst v63  }
0x5e: {  	_ =	swait.ge [sflag:s19], $0x1400  }
0x5f: {  	[sflag:s19] =	ssyncset.done $0x0  }
0x60: {  	[sflag:s19] =	ssyncadd.s32 $0xFFFFEC00  }
0x61: {  	_ =	swait.ge [sflag:s23], $0x1400  }
0x62: {  	[sflag:s23] =	ssyncset.done $0x0  }
0x63: {  	s30 =	simm.s32 $0x4E20;
	[sflag:s23] =	ssyncadd.s32 $0xFFFFEC00  }
0x64: {  	[spmem:s3] =	stream.indirect.scatter.add.f32 [tilespmem:s21], [sflag:$0x3], $0x40, s30, s20, $0xb8;
	[tilespmem:$0x15EC0] =	vst v63  }
0x65: {  	_ =	swait.ge [sflag:s19], $0x1400  }
0x66: {  	[sflag:s19] =	ssyncset.done $0x0  }
0x67: {  	[sflag:s19] =	ssyncadd.s32 $0xFFFFEC00  }
0x68: {  	_ =	swait.ge [sflag:s24], $0x1400  }
0x69: {  	[sflag:s24] =	ssyncset.done $0x0  }
0x6a: {  	s31 =	simm.s32 $0x4E70;
	[sflag:s24] =	ssyncadd.s32 $0xFFFFEC00  }
0x6b: {  	[spmem:s3] =	stream.indirect.scatter.add.f32 [tilespmem:s22], [sflag:$0x3], $0x40, s31, s20, $0xb8;
	[tilespmem:$0x15EC0] =	vst v63  }
0x6c: {  	_ =	swait.ge [sflag:s19], $0x1400  }
0x6d: {  	[sflag:s19] =	ssyncset.done $0x0  }
0x6e: {  	[sflag:s19] =	ssyncadd.s32 $0xFFFFEC00  }
0x6f: {  	[bflag:$0x0] =	sbarrier.arrive $0xFFFF  }
0x70: {  	[tilespmem:s18], [sflag:$0x3] =	stream.linear.gather [spmem:s5], $0x2000, $0x38;
	[tilespmem:$0x15EC0] =	vst v63  }
0x71: {  	_ =	swait.ge [sflag:s19], $0x2000  }
0x72: {  	[sflag:s19] =	ssyncset.done $0x0  }
0x73: {  	[sflag:s19] =	ssyncadd.s32 $0xFFFFE000  }
0x74: {  	[hbm4b:s12+s4] =	stream.linear.scatter [tilespmem:s18], [sflag:$0x3], $0x2000, $0x38;
	[tilespmem:$0x15EC0] =	vst v63  }
0x75: {  	_ =	swait.ge [sflag:s19], $0x2000  }
0x76: {  	[sflag:s19] =	ssyncset.done $0x0  }
0x77: {  	[sflag:s19] =	ssyncadd.s32 $0xFFFFE000  }
0x78: {  	[tilespmem:s18], [sflag:$0x3] =	stream.linear.gather [spmem:s6], $0x2000, $0x38;
	[tilespmem:$0x15EC0] =	vst v63  }
0x79: {  	_ =	swait.ge [sflag:s19], $0x2000  }
0x7a: {  	[sflag:s19] =	ssyncset.done $0x0  }
0x7b: {  	[sflag:s19] =	ssyncadd.s32 $0xFFFFE000  }
0x7c: {  	[hbm4b:s13+s4] =	stream.linear.scatter [tilespmem:s18], [sflag:$0x3], $0x2000, $0x38;
	[tilespmem:$0x15EC0] =	vst v63  }
0x7d: {  	_ =	swait.ge [sflag:s19], $0x2000  }
0x7e: {  	[sflag:s19] =	ssyncset.done $0x0  }
0x7f: {  	[sflag:s19] =	ssyncadd.s32 $0xFFFFE000  }
0x80: {  	[tilespmem:s18], [sflag:$0x3] =	stream.linear.gather [spmem:s7], $0x2000, $0x38;
	[tilespmem:$0x15EC0] =	vst v63  }
0x81: {  	_ =	swait.ge [sflag:s19], $0x2000  }
0x82: {  	[sflag:s19] =	ssyncset.done $0x0  }
0x83: {  	[sflag:s19] =	ssyncadd.s32 $0xFFFFE000  }
0x84: {  	[hbm4b:s14+s4] =	stream.linear.scatter [tilespmem:s18], [sflag:$0x3], $0x2000, $0x38;
	[tilespmem:$0x15EC0] =	vst v63  }
0x85: {  	_ =	swait.ge [sflag:s19], $0x2000  }
0x86: {  	[sflag:s19] =	ssyncset.done $0x0  }
0x87: {  	[sflag:s19] =	ssyncadd.s32 $0xFFFFE000  }
0x88: {  	[tilespmem:s18], [sflag:$0x3] =	stream.linear.gather [spmem:s8], $0x2000, $0x38;
	[tilespmem:$0x15EC0] =	vst v63  }
0x89: {  	_ =	swait.ge [sflag:s19], $0x2000  }
0x8a: {  	[sflag:s19] =	ssyncset.done $0x0  }
0x8b: {  	[sflag:s19] =	ssyncadd.s32 $0xFFFFE000  }
0x8c: {  	[hbm4b:s15+s4] =	stream.linear.scatter [tilespmem:s18], [sflag:$0x3], $0x2000, $0x38;
	[tilespmem:$0x15EC0] =	vst v63  }
0x8d: {  	_ =	swait.ge [sflag:s19], $0x2000  }
0x8e: {  	[sflag:s19] =	ssyncset.done $0x0  }
0x8f: {  	[sflag:s19] =	ssyncadd.s32 $0xFFFFE000  }
0x90: {  	[tilespmem:s18], [sflag:$0x3] =	stream.linear.gather [spmem:s9], $0x2000, $0x38;
	[tilespmem:$0x15EC0] =	vst v63  }
0x91: {  	s28 =	sadd.s32 $0x1, s28;
	_ =	swait.ge [sflag:s19], $0x2000  }
0x92: {  	p0 =	sne.s32 s28, s17;
	[sflag:s19] =	ssyncset.done $0x0  }
.Ltmp2:
0x93: {  	[sflag:s19] =	ssyncadd.s32 $0xFFFFE000;
	(pc) =	sbr.rel @p0 .LBB2_1-.Ltmp2, $4  }
0x94: {  	[hbm4b:s16+s4] =	stream.linear.scatter [tilespmem:s18], [sflag:$0x3], $0x2000, $0x38;
	[tilespmem:$0x15EC0] =	vst v63  }
0x95: {  	_ =	swait.ge [sflag:s19], $0x2000  }
0x96: {  	[sflag:s19] =	ssyncset.done $0x0  }
0x97: {  	[sflag:s19] =	ssyncadd.s32 $0xFFFFE000  }
0x98: {  	_ =	sfence.sel $0x180000  }
0x99: {  	[bflag:$0x0] =	sbarrier.arrive $0xFFFF  }
0x9a: {  	_ =	strace $0x9000004D  }
0x9b: {  	s0 =	stileid.u32;
	[bflag:$0x2] =	sbarrier.arrive $0xFFFF  }
0x9c: {  	p0 =	sne.s32 s0, $0x0;
	s0 =	rddreg [dreg:$0x3]  }
0x9d: {  	s0 =	sadd.s32 @!p0 $0x100000, s0  }
0x9e: {  	[sflag:s0] =	ssyncadd.tile.s32 @!p0 $0x1;
	_ =	shalt  }
.Lfunc_end2:
_tile_overlayer_lowered:
.L_overlay_start_2:
0x9f: {  	(tag) =	ssettag $0x2  }
0xa0: {  	s0 =	rddreg [dreg:$0x0];
	s2 =	stileid.u32  }
0xa1: {  	s1 =	rddreg [dreg:$0x1];
	p0 =	sne.s32 s2, $0x0  }
0xa2: {  	s3 =	rddreg [dreg:$0x2];
	[bflag:$0x3] =	sbarrier.arrive $0xFFFF;
	s2 =	simm.s32 @!p0 $0x1C03  }
0xa3: {  	[timem:s3], [sflag:s2] =	dma.local @!p0 [hbm:s0], s1  }
0xa4: {  	s0 =	simm.s32 @!p0 $0x3  }
0xa5: {  	_ =	swait.ge @!p0 [sflag:s0], s1  }
0xa6: {  	s1 =	ssub.s32 @!p0 $0x0, s1;
	[sflag:s0] =	ssyncset.done @!p0 $0x0  }
0xa7: {  	[sflag:s0] =	ssyncadd.s32 @!p0 s1  }
0xa8: {  	[bflag:$0x3] =	sbarrier.arrive $0xFFFF  }
0xa9: {  	_ =	shalt  }

// kernel: kernel.8.cloned.1.call-start
scs
__scs_entry_jumppad:
0x0: {  	(pc) =	sbr.rel $0x88, $3  }
0x1: {  	(tag) =	ssettag $0x0;
	lr =	simm.s32 $0x1  }
0x2: {  	[smem:$0x3F99] =	sst lr;
	_ =	strace $0xD0000000  }
0x3: {  	_ = 	snop  }
0x4: {  	_ = 	snop  }
0x5: {  	_ = 	snop  }
0x6: {  	_ = 	snop  }
0x7: {  	_ = 	snop  }
__scs_overlays_trampoline_lowered:
0x8: {  	[smem:$0x3FA8] =	sst s0  }
0x9: {  	[smem:$0x3FA9] =	sst s1  }
0xa: {  	[smem:$0x3FAA] =	sst s2  }
0xb: {  	[smem:$0x3FAB] =	sst s3  }
0xc: {  	[smem:$0x3FAC] =	sst s4  }
0xd: {  	[smem:$0x3FAD] =	sst s5  }
0xe: {  	[smem:$0x3FAE] =	sst s6  }
0xf: {  	[smem:$0x3FAF] =	sst s7  }
0x10: {  	[smem:$0x3FB0] =	sst s8  }
0x11: {  	[smem:$0x3FB1] =	sst s9;
	s0 =	simm.s32 @!p0 $0x0  }
0x12: {  	s1 =	sld [smem:$0x3F97];
	s0 =	simm.s32 @p0 $0x1  }
0x13: {  	[smem:$0x3FB2] =	sst s0;
	s0 =	simm.s32 @!p1 $0x0  }
0x14: {  	s2 =	sld [smem:$0x3F96];
	s0 =	simm.s32 @p1 $0x1  }
0x15: {  	[smem:$0x3FB3] =	sst s0;
	s0 =	simm.s32 @!p2 $0x0  }
0x16: {  	s3 =	sld [smem:$0x3FDB];
	s0 =	simm.s32 @p2 $0x1  }
0x17: {  	s4 =	simm.s32 $0x1BF5;
	[smem:$0x3FB5] =	sst s0  }
0x18: {  	s0 =	sld [smem:$0x3F98];
	_ =	swait.ge [sflag:s4], $0x0  }
0x19: {  	s7 =	sld [smem:$0x3F99]  }
0x1a: {  	s8 =	sadd.s32 $0xFFFFE003, lr  }
0x1b: {  	s9 =	sadd.s32 $0xFFFFFEF7, lr;
	s5 =	simm.s32 $0xFFFFFFFF;
	p2 =	slt.u32 s8, $0xFFFFF086  }
0x1c: {  	p1 =	slt.u32 s9, $0xF7A;
	s5 =	simm.s32 @!p2 $0x0  }
0x1d: {  	s5 =	simm.s32 @p1 $0x1;
	p0 =	seq.s32 s7, s2  }
0x1e: {  	s7 =	smul.u32 @!p0 $0xF7A, s2;
	p2 =	seq.s32 @!p0 s5, $0x0  }
0x1f: {  	s9 =	smul.u32 $0xF7A, s1;
	s8 =	simm.s32 @!p0 $0x1BF5;
	p2 =	por !p2, p0  }
0x20: {  	[sflag:s8] =	ssyncset.s32 @!p0 $0xFFFFF086;
	s6 =	sadd.s32 @!p0 s3, s7;
	s7 =	simm.s32 @!p0 $0x108  }
0x21: {  	s3 =	sadd.s32 s3, s9;
	s6 =	sadd.s32 @!p0 $0x88, s6;
	s7 =	simm.s32 @p2 $0x1082  }
0x22: {  	[simem:s7], [sflag:s8] =	dma.local @!p0 [hbm:s6], $0xF7A  }
0x23: {  	s9 =	sor.u32 $0xD0000000, s2;
	s6 =	simm.s32 $0x108;
	_ =	swait.ge @!p0 [sflag:s8], $0x0  }
0x24: {  	s3 =	sadd.s32 $0x88, s3;
	s6 =	simm.s32 @!p1 $0x1082;
	[sflag:s4] =	ssyncset.s32 $0xFFFFF086  }
0x25: {  	[simem:s6], [sflag:s4] =	dma.local [hbm:s3], $0xF7A  }
0x26: {  	[smem:$0x3F99] =	sst s1;
	(tag) =	ssettag s2;
	_ =	strace s9  }
0x27: {  	s1 =	sld [smem:$0x3FA9]  }
0x28: {  	s2 =	sld [smem:$0x3FAA]  }
0x29: {  	s4 =	sld [smem:$0x3FAC]  }
0x2a: {  	p0 =	seq.s32 s5, $0x0;
	s5 =	sld [smem:$0x3FAD]  }
0x2b: {  	s6 =	sld [smem:$0x3FAE]  }
0x2c: {  	s7 =	sld [smem:$0x3FAF]  }
0x2d: {  	s3 =	simm.s32 $0x108;
	s8 =	sld [smem:$0x3FB0]  }
0x2e: {  	s3 =	simm.s32 @!p0 $0x1082;
	s9 =	sld [smem:$0x3FB1]  }
0x2f: {  	lr =	sadd.s32 s0, s3;
	s0 =	sld [smem:$0x3FA8]  }
0x30: {  	s3 =	sld [smem:$0x3FAB]  }
0x31: {  	[smem:$0x3FB4] =	sst s10  }
0x32: {  	s10 =	sld [smem:$0x3FB2];
	_ =	sdelay $0x3  }
0x33: {  	p0 =	seq.s32 s10, $0x1;
	s10 =	sld [smem:$0x3FB4];
	_ =	sdelay $0x3  }
0x34: {  	[smem:$0x3FB4] =	sst s10  }
0x35: {  	s10 =	sld [smem:$0x3FB3];
	_ =	sdelay $0x3  }
0x36: {  	p1 =	seq.s32 s10, $0x1;
	s10 =	sld [smem:$0x3FB4];
	_ =	sdelay $0x3  }
0x37: {  	[smem:$0x3FB4] =	sst s10  }
0x38: {  	s10 =	sld [smem:$0x3FB5]  }
0x39: {  	_ = 	snop;
	(pc) =	sbr.ind lr, $3  }
0x3a: {  	_ = 	snop  }
0x3b: {  	_ = 	snop  }
0x3c: {  	p2 =	seq.s32 s10, $0x1;
	s10 =	sld [smem:$0x3FB4]  }
0x3d: {  	_ =	shalt  }
0x3e: {  	_ =	shalt  }
0x3f: {  	_ =	shalt  }
0x40: {  	_ =	shalt  }
0x41: {  	_ =	shalt  }
0x42: {  	_ =	shalt  }
0x43: {  	_ =	shalt  }
0x44: {  	_ =	shalt  }
0x45: {  	_ =	shalt  }
0x46: {  	_ =	shalt  }
0x47: {  	_ =	shalt  }
0x48: {  	_ =	shalt  }
0x49: {  	_ =	shalt  }
0x4a: {  	_ =	shalt  }
0x4b: {  	_ =	shalt  }
0x4c: {  	_ =	shalt  }
0x4d: {  	_ =	shalt  }
0x4e: {  	_ =	shalt  }
0x4f: {  	_ =	shalt  }
0x50: {  	_ =	shalt  }
0x51: {  	_ =	shalt  }
0x52: {  	_ =	shalt  }
0x53: {  	_ =	shalt  }
0x54: {  	_ =	shalt  }
0x55: {  	_ =	shalt  }
0x56: {  	_ =	shalt  }
0x57: {  	_ =	shalt  }
0x58: {  	_ =	shalt  }
0x59: {  	_ =	shalt  }
0x5a: {  	_ =	shalt  }
0x5b: {  	_ =	shalt  }
0x5c: {  	_ =	shalt  }
0x5d: {  	_ =	shalt  }
0x5e: {  	_ =	shalt  }
0x5f: {  	_ =	shalt  }
0x60: {  	_ =	shalt  }
0x61: {  	_ =	shalt  }
0x62: {  	_ =	shalt  }
0x63: {  	_ =	shalt  }
0x64: {  	_ =	shalt  }
0x65: {  	_ =	shalt  }
0x66: {  	_ =	shalt  }
0x67: {  	_ =	shalt  }
0x68: {  	_ =	shalt  }
0x69: {  	_ =	shalt  }
0x6a: {  	_ =	shalt  }
0x6b: {  	_ =	shalt  }
0x6c: {  	_ =	shalt  }
0x6d: {  	_ =	shalt  }
0x6e: {  	_ =	shalt  }
0x6f: {  	_ =	shalt  }
0x70: {  	_ =	shalt  }
0x71: {  	_ =	shalt  }
0x72: {  	_ =	shalt  }
0x73: {  	_ =	shalt  }
0x74: {  	_ =	shalt  }
0x75: {  	_ =	shalt  }
0x76: {  	_ =	shalt  }
0x77: {  	_ =	shalt  }
0x78: {  	_ =	shalt  }
0x79: {  	_ =	shalt  }
0x7a: {  	_ =	shalt  }
0x7b: {  	_ =	shalt  }
0x7c: {  	_ =	shalt  }
0x7d: {  	_ =	shalt  }
0x7e: {  	_ =	shalt  }
0x7f: {  	_ =	shalt  }
0x80: {  	_ =	shalt  }
0x81: {  	_ =	shalt  }
0x82: {  	_ =	shalt  }
0x83: {  	_ =	shalt  }
0x84: {  	_ =	shalt  }
0x85: {  	_ =	shalt  }
0x86: {  	_ =	shalt  }
0x87: {  	_ =	shalt  }
.Lfunc_end0:
.L_simem_size_0:
called_computation_lowered:
.L_overlay_start_0:
0x88: {  	s2 =	sld [smem:$0x3FD9]  }
0x89: {  	s3 =	sld [smem:$0x3FFE];
	_ =	sdelay $0x1  }
0x8a: {  	s1 =	srdreg.scid  }
0x8b: {  	s0 =	sand.u32 $0x1, s1  }
0x8c: {  	s17 =	sshll.u32 s0, $0xA;
	s2 =	sadd.s32 s3, s2  }
0x8d: {  	s2 =	sadd.s32 s2, s17  }
0x8e: {  	[smem:$0x3FC0] =	sst s2  }
0x8f: {  	_ = 	snop  }
0x90: {  	s2 =	sld [smem:$0x3FD0];
	(tm) =	ssettm $0x1  }
0x91: {  	s18 =	sld [smem:$0x3FFB];
	_ =	sdelay $0x3  }
0x92: {  	_ =	strace s18  }
0x93: {  	s3 =	sld [smem:$0x3FFC];
	_ =	sdelay $0x3  }
0x94: {  	_ =	strace s3  }
0x95: {  	s3 =	sld [smem:$0x3FFD];
	_ =	sdelay $0x3  }
0x96: {  	_ =	strace s3  }
0x97: {  	_ =	strace $0x8FFFFFFF  }
0x98: {  	s19 =	sld [smem:$0x3FDB];
	_ =	sdelay $0x1  }
0x99: {  	s4 =	simm.s32 $_scs_section_size  }
0x9a: {  	s5 =	simm.s32 $_size__tile_overlayer_lowered;
	s6 =	simm.s32 $_tile_overlayer_lowered  }
0x9b: {  	s22 =	simm.s32 $0x1BFF;
	s21 =	sshll.u32 s6, $0x1;
	s3 =	sadd.s32 s4, s19  }
0x9c: {  	s7 =	simm.s32 $0x0;
	s20 =	sshll.u32 s5, $0x1;
	s5 =	sadd.s32 s21, s3  }
0x9d: {  	[timem:s7], [sflag:s22] =	dma.local [hbm:s5], s20  }
0x9e: {  	_ =	swait.ge [sflag:s22], s20  }
0x9f: {  	s4 =	ssub.s32 $0x0, s20;
	[sflag:s22] =	ssyncset.done $0x0  }
0xa0: {  	[sflag:s22] =	ssyncadd.s32 s4;
	_ =	sdelay $0x1  }
0xa1: {  	s23 =	simm.s32 $0x1B8B  }
0xa2: {  	_ =	swait.ge [sflag:s23], $0x1  }
0xa3: {  	[sflag:s23] =	ssyncset.done $0x0  }
0xa4: {  	s25 =	simm.s32 $0x1B8E;
	s24 =	sld [smem:$0x3FFE];
	[sflag:s23] =	ssyncadd.s32 $0xFFFFFFFF  }
0xa5: {  	s26 =	simm.s32 $execute0_lowered;
	[smem:$0x3FD2] =	sst s25  }
0xa6: {  	s5 =	sshll.u32 s26, $0x1;
	_ =	strace $0x80000046;
	[dreg:$0x1] =	wrdreg $0xFFFFFFFF  }
0xa7: {  	s28 =	simm.s32 $_size_execute0_lowered;
	s3 =	sadd.s32 s3, s5;
	[dreg:$0x0] =	wrdreg $0x0  }
0xa8: {  	s5 =	sshll.u32 s28, $0x1;
	[dreg:$0x2] =	wrdreg s3  }
0xa9: {  	[dreg:$0x3] =	wrdreg s5  }
0xaa: {  	[dreg:$0x4] =	wrdreg $0xC0  }
0xab: {  	_ =	task [dreg:s7], $0x5FFFF  }
0xac: {  	[dreg:$0x1] =	wrdreg $0xFFFFFFFF  }
0xad: {  	[dreg:$0x0] =	wrdreg $0x60  }
0xae: {  	[dreg:$0x2] =	wrdreg s24  }
0xaf: {  	[dreg:$0x3] =	wrdreg s2  }
0xb0: {  	[dreg:$0x4] =	wrdreg $0x34600  }
0xb1: {  	[dreg:$0x5] =	wrdreg $0x9  }
0xb2: {  	_ =	task.clear_ibuf [dreg:s7], $0x6FFFF;
	_ =	strace $0x90000046  }
0xb3: {  	s29 =	simm.s32 $0x9;
	_ =	strace $0x80000048  }
0xb4: {  	_ =	swait.ge [sflag:s29], $0x1  }
0xb5: {  	[sflag:s29] =	ssyncadd.s32 $0xFFFFFFFF  }
0xb6: {  	_ =	strace $0x90000048  }
0xb7: {  	_ =	sfence  }
0xb8: {  	s30 =	sld [smem:$0x0];
	_ =	sdelay $0x2  }
0xb9: {  	s31 =	sshll.u32 s1, $0xD;
	s1 =	sshrl.u32 s1, $0x2  }
0xba: {  	s3 =	sand.u32 $0x4000, s31;
	s1 =	sadd.s32 s1, s30  }
0xbb: {  	s0 =	sor.u32 s3, s0;
	s1 =	sshll.u32 s1, $0x11  }
0xbc: {  	s0 =	sor.u32 s1, s0  }
0xbd: {  	s0 =	sadd.s32 $0x8F2B, s0  }
0xbe: {  	[sflag:s0] =	ssyncadd.remote.s32 $0x1  }
0xbf: {  	_ =	sfence.sel $0xFFFF  }
0xc0: {  	[dreg:$0x0] =	wrdreg $0xFFFFFFFF;
	(pc) =	sbr.abs _section_cstart, $3  }
0xc1: {  	[dreg:$0x1] =	wrdreg $0xFFFFFFFF  }
0xc2: {  	_ =	task.clear_ibuf [dreg:s7], $0x2FFFF;
	_ =	strace $0x9FFFFFFF  }
0xc3: {  	(tm) =	ssettm $0x7FFFFFFF  }
tec
execute0_lowered:
.L_overlay_start_1:
0x0: {  	(tag) =	ssettag $0x1  }
0x1: {  	s1 =	srdreg.scid;
	s4 =	rddreg [dreg:$0x0]  }
0x2: {  	s0 =	stileid.u32;
	s8 =	rddreg [dreg:$0x1]  }
0x3: {  	s2 =	rddreg [dreg:$0x2];
	s3 =	simm.s32 $0x0;
	s16 =	simm.s32 $0x2C60  }
0x4: {  	s17 =	simm.s32 $0x1;
	s18 =	simm.s32 $0x50;
	s19 =	simm.s32 $0x2760  }
0x5: {  	s20 =	simm.s32 $0x0;
	s5 =	sand.u32 $0x1, s1;
	s7 =	smul.u32 $0x280, s0  }
0x6: {  	s28 =	sshll.u32 s0, $0x1;
	[smem:$0x7FF] =	sst s3;
	s9 =	smul.u32 $0xA000, s0  }
0x7: {  	s1 =	sor.u32 s5, s28;
	s10 =	smul.u32 $0x2800, s5;
	s5 =	ssub.s32 $0x2, s5  }
0x8: {  	s6 =	smul.u32 $0x4EC, s1;
	s1 =	rddreg [dreg:$0x3];
	_ =	strace $0x80000047  }
0x9: {  	s29 =	sshrl.u32 s9, $0x2;
	s30 =	sshrl.u32 s5, $0x1;
	s7 =	sadd.s32 s7, s10  }
0xa: {  	s15 =	ssub.s32 s5, s30;
	s11 =	sadd.s32 s6, s4;
	s4 =	sadd.s32 s29, s2  }
0xb: {  	s31 =	sshll.u32 s7, $0x1;
	s15 =	smax.u32 s15, $0x1;
	s5 =	sadd.s32 $0x800, s4  }
0xc: {  	s6 =	sadd.s32 $0x1000, s4;
	s7 =	sadd.s32 $0x1800, s4;
	s8 =	sadd.s32 s8, s31  }
0xd: {  	s9 =	sadd.s32 $0x2000, s4;
	s10 =	sadd.s32 $0x2200, s11;
	s11 =	sadd.s32 $0x100, s8  }
0xe: {  	v0 =	vimm.f32 $1.000000000e+00;
	v1 =	vimm.f32 $0.0e+00;
	s12 =	sadd.s32 $0x200, s8;
	s13 =	sadd.s32 $0x300, s8;
	s14 =	sadd.s32 $0x400, s8  }
.LBB2_1:
0xf: {  	s21 =	simm.s32 $0x0  }
.LBB2_2:
0x10: {  	p0 =	sne.s32 s21, $0x13C0  }
.Ltmp0:
0x11: {  	_ = 	snop;
	(pc) =	sbr.rel @p0 .LBB2_2-.Ltmp0, $3  }
0x12: {  	_ =	sdelay $0x1  }
0x13: {  	s22 =	sshra.s32 s21, $0x2  }
0x14: {  	s21 =	sadd.s32 $0x40, s21;
	[tilespmem:s22+$0x2760] =	vst v0  }
0x15: {  	s21 =	simm.s32 $0x40;
	s22 =	simm.s32 $0x0  }
.LBB2_4:
0x16: {  	p0 =	sne.s32 s21, $0x1FC0;
	[tilespmem:s22+$0x2C60] =	vst v1;
	s22 =	smov.u32 s21;
	s21 =	sadd.s32 $0x40, s21  }
.Ltmp1:
0x17: {  	(pc) =	sbr.rel @p0 .LBB2_4-.Ltmp1, $2  }
0x18: {  	_ =	sdelay $0x2  }
0x19: {  	s22 =	sshra.s32 s22, $0x2  }
0x1a: {  	[tilespmem:s22+$0x2C60] =	vst v1  }
0x1b: {  	[spmem:s4] =	stream.linear.scatter [tilespmem:s16], [sflag:$0x1], $0x800, $0x38;
	[tilespmem:$0x5C60] =	vst v63  }
0x1c: {  	_ =	swait.ge [sflag:s17], $0x800  }
0x1d: {  	[sflag:s17] =	ssyncset.done $0x0  }
0x1e: {  	[sflag:s17] =	ssyncadd.s32 $0xFFFFF800  }
0x1f: {  	[spmem:s5] =	stream.linear.scatter [tilespmem:s16], [sflag:$0x1], $0x800, $0x38;
	[tilespmem:$0x5C60] =	vst v63  }
0x20: {  	_ =	swait.ge [sflag:s17], $0x800  }
0x21: {  	[sflag:s17] =	ssyncset.done $0x0  }
0x22: {  	[sflag:s17] =	ssyncadd.s32 $0xFFFFF800  }
0x23: {  	[spmem:s6] =	stream.linear.scatter [tilespmem:s16], [sflag:$0x1], $0x800, $0x38;
	[tilespmem:$0x5C60] =	vst v63  }
0x24: {  	_ =	swait.ge [sflag:s17], $0x800  }
0x25: {  	[sflag:s17] =	ssyncset.done $0x0  }
0x26: {  	[sflag:s17] =	ssyncadd.s32 $0xFFFFF800  }
0x27: {  	[spmem:s7] =	stream.linear.scatter [tilespmem:s16], [sflag:$0x1], $0x800, $0x38;
	[tilespmem:$0x5C60] =	vst v63  }
0x28: {  	_ =	swait.ge [sflag:s17], $0x800  }
0x29: {  	[sflag:s17] =	ssyncset.done $0x0  }
0x2a: {  	[sflag:s17] =	ssyncadd.s32 $0xFFFFF800  }
0x2b: {  	[spmem:s9] =	stream.linear.scatter [tilespmem:s16], [sflag:$0x1], $0x800, $0x38;
	[tilespmem:$0x5C60] =	vst v63  }
0x2c: {  	_ =	swait.ge [sflag:s17], $0x800  }
0x2d: {  	[sflag:s17] =	ssyncset.done $0x0  }
0x2e: {  	s21 =	simm.s32 $0x0;
	[sflag:s17] =	ssyncadd.s32 $0xFFFFF800  }
0x2f: {  	[tilespmem:s21], [sflag:$0x1] =	stream.linear.gather [hbm4b:s10+s21], $0x2760, $0x38;
	[tilespmem:$0x5C60] =	vst v63  }
0x30: {  	_ =	swait.ge [sflag:s17], $0x2760  }
0x31: {  	[sflag:s17] =	ssyncset.done $0x0  }
0x32: {  	[sflag:s17] =	ssyncadd.s32 $0xFFFFD8A0  }
0x33: {  	s31 =	simm.s32 $0x0;
	[bflag:$0x0] =	sbarrier.arrive $0xFFFF  }
0x34: {  	[spmem:s2] =	stream.indirect.scatter.add.f32 [tilespmem:s19], [sflag:$0x1], $0x10, s31, s18, $0xb8;
	[tilespmem:$0x5C60] =	vst v63  }
0x35: {  	_ =	swait.ge [sflag:s17], $0x500  }
0x36: {  	s21 =	simm.s32 $0x140;
	[sflag:s17] =	ssyncset.done $0x0  }
.LBB2_6:
0x37: {  	s22 =	sshra.s32 s21, $0x2;
	[sflag:s17] =	ssyncadd.s32 $0xFFFFFB00;
	p0 =	sne.s32 s21, $0x9C40  }
0x38: {  	[spmem:s2] =	stream.indirect.scatter.add.f32 [tilespmem:s19], [sflag:$0x1], $0x10, s22, s18, $0xb8;
	[tilespmem:$0x5C60] =	vst v63  }
.Ltmp2:
0x39: {  	_ = 	snop;
	(pc) =	sbr.rel @p0 .LBB2_6-.Ltmp2, $4  }
0x3a: {  	_ = 	snop  }
0x3b: {  	s21 =	sadd.s32 $0x140, s21  }
0x3c: {  	_ =	swait.ge [sflag:s17], $0x500  }
0x3d: {  	[sflag:s17] =	ssyncset.done $0x0  }
0x3e: {  	[sflag:s17] =	ssyncadd.s32 $0xFFFFFB00  }
0x3f: {  	[bflag:$0x0] =	sbarrier.arrive $0xFFFF  }
0x40: {  	[tilespmem:s16], [sflag:$0x1] =	stream.linear.gather [spmem:s4], $0x800, $0x38;
	[tilespmem:$0x5C60] =	vst v63  }
0x41: {  	_ =	swait.ge [sflag:s17], $0x800  }
0x42: {  	[sflag:s17] =	ssyncset.done $0x0  }
0x43: {  	[sflag:s17] =	ssyncadd.s32 $0xFFFFF800  }
0x44: {  	[hbm4b:s8+s3] =	stream.linear.scatter [tilespmem:s16], [sflag:$0x1], $0x800, $0x38;
	[tilespmem:$0x5C60] =	vst v63  }
0x45: {  	_ =	swait.ge [sflag:s17], $0x800  }
0x46: {  	[sflag:s17] =	ssyncset.done $0x0  }
0x47: {  	[sflag:s17] =	ssyncadd.s32 $0xFFFFF800  }
0x48: {  	[tilespmem:s16], [sflag:$0x1] =	stream.linear.gather [spmem:s5], $0x800, $0x38;
	[tilespmem:$0x5C60] =	vst v63  }
0x49: {  	_ =	swait.ge [sflag:s17], $0x800  }
0x4a: {  	[sflag:s17] =	ssyncset.done $0x0  }
0x4b: {  	[sflag:s17] =	ssyncadd.s32 $0xFFFFF800  }
0x4c: {  	[hbm4b:s11+s3] =	stream.linear.scatter [tilespmem:s16], [sflag:$0x1], $0x800, $0x38;
	[tilespmem:$0x5C60] =	vst v63  }
0x4d: {  	_ =	swait.ge [sflag:s17], $0x800  }
0x4e: {  	[sflag:s17] =	ssyncset.done $0x0  }
0x4f: {  	[sflag:s17] =	ssyncadd.s32 $0xFFFFF800  }
0x50: {  	[tilespmem:s16], [sflag:$0x1] =	stream.linear.gather [spmem:s6], $0x800, $0x38;
	[tilespmem:$0x5C60] =	vst v63  }
0x51: {  	_ =	swait.ge [sflag:s17], $0x800  }
0x52: {  	[sflag:s17] =	ssyncset.done $0x0  }
0x53: {  	[sflag:s17] =	ssyncadd.s32 $0xFFFFF800  }
0x54: {  	[hbm4b:s12+s3] =	stream.linear.scatter [tilespmem:s16], [sflag:$0x1], $0x800, $0x38;
	[tilespmem:$0x5C60] =	vst v63  }
0x55: {  	_ =	swait.ge [sflag:s17], $0x800  }
0x56: {  	[sflag:s17] =	ssyncset.done $0x0  }
0x57: {  	[sflag:s17] =	ssyncadd.s32 $0xFFFFF800  }
0x58: {  	[tilespmem:s16], [sflag:$0x1] =	stream.linear.gather [spmem:s7], $0x800, $0x38;
	[tilespmem:$0x5C60] =	vst v63  }
0x59: {  	_ =	swait.ge [sflag:s17], $0x800  }
0x5a: {  	[sflag:s17] =	ssyncset.done $0x0  }
0x5b: {  	[sflag:s17] =	ssyncadd.s32 $0xFFFFF800  }
0x5c: {  	[hbm4b:s13+s3] =	stream.linear.scatter [tilespmem:s16], [sflag:$0x1], $0x800, $0x38;
	[tilespmem:$0x5C60] =	vst v63  }
0x5d: {  	_ =	swait.ge [sflag:s17], $0x800  }
0x5e: {  	[sflag:s17] =	ssyncset.done $0x0  }
0x5f: {  	[sflag:s17] =	ssyncadd.s32 $0xFFFFF800  }
0x60: {  	[tilespmem:s16], [sflag:$0x1] =	stream.linear.gather [spmem:s9], $0x800, $0x38;
	[tilespmem:$0x5C60] =	vst v63  }
0x61: {  	s20 =	sadd.s32 $0x1, s20;
	_ =	swait.ge [sflag:s17], $0x800  }
0x62: {  	p0 =	sne.s32 s20, s15;
	[sflag:s17] =	ssyncset.done $0x0  }
.Ltmp3:
0x63: {  	[sflag:s17] =	ssyncadd.s32 $0xFFFFF800;
	(pc) =	sbr.rel @p0 .LBB2_1-.Ltmp3, $4  }
0x64: {  	[hbm4b:s14+s3] =	stream.linear.scatter [tilespmem:s16], [sflag:$0x1], $0x800, $0x38;
	[tilespmem:$0x5C60] =	vst v63  }
0x65: {  	_ =	swait.ge [sflag:s17], $0x800  }
0x66: {  	[sflag:s17] =	ssyncset.done $0x0  }
0x67: {  	[sflag:s17] =	ssyncadd.s32 $0xFFFFF800  }
0x68: {  	_ =	sfence.sel $0x180000  }
0x69: {  	[bflag:$0x0] =	sbarrier.arrive $0xFFFF  }
0x6a: {  	p0 =	sne.s32 s0, $0x0;
	_ =	strace $0x90000047  }
0x6b: {  	s0 =	sadd.s32 @!p0 $0x100000, s1;
	[bflag:$0x2] =	sbarrier.arrive $0xFFFF  }
0x6c: {  	[sflag:s0] =	ssyncadd.tile.s32 @!p0 $0x1;
	_ =	shalt  }
.Lfunc_end2:
_tile_overlayer_lowered:
.L_overlay_start_2:
0x6d: {  	(tag) =	ssettag $0x2  }
0x6e: {  	s0 =	rddreg [dreg:$0x0];
	s2 =	stileid.u32  }
0x6f: {  	s1 =	rddreg [dreg:$0x1];
	p0 =	sne.s32 s2, $0x0  }
0x70: {  	s3 =	rddreg [dreg:$0x2];
	[bflag:$0x3] =	sbarrier.arrive $0xFFFF;
	s2 =	simm.s32 @!p0 $0x1C01  }
0x71: {  	[timem:s3], [sflag:s2] =	dma.local @!p0 [hbm:s0], s1  }
0x72: {  	s0 =	simm.s32 @!p0 $0x1  }
0x73: {  	_ =	swait.ge @!p0 [sflag:s0], s1  }
0x74: {  	s1 =	ssub.s32 @!p0 $0x0, s1;
	[sflag:s0] =	ssyncset.done @!p0 $0x0  }
0x75: {  	[sflag:s0] =	ssyncadd.s32 @!p0 s1  }
0x76: {  	[bflag:$0x3] =	sbarrier.arrive $0xFFFF  }
0x77: {  	_ =	shalt  }

</sc_bundles>
